<compile_context>
chip_gen: v7x
topology: tpu7x:2x2x1
jax: 0.10.2.dev20260603
libtpu: 0.0.44.dev20260713+nightly
codegen_flags: <defaults>
</compile_context>

<pallas_src>
import functools

import jax
import jax.numpy as jnp
from jax import lax
from jax.experimental import pallas as pl
from jax.experimental.pallas import tpu as pltpu
from jax.experimental.pallas import tpu_sc as plsc

HID = 768
DLEN = 12
NDIGIT = 13
EPS = 1e-12
_TRANS = (((1,), (1,)), ((), ()))


_NW = 32
_CHUNK = 64


def _sc_gather(table, idx):
    n = idx.shape[0]
    d = table.shape[1]
    per_w = n // _NW
    nch = per_w // _CHUNK
    mesh = plsc.VectorSubcoreMesh(core_axis_name="c", subcore_axis_name="s")

    @functools.partial(
        pl.kernel,
        mesh=mesh,
        out_type=jax.ShapeDtypeStruct((n, d), jnp.float32),
        scratch_types=[
            pltpu.VMEM((_CHUNK,), jnp.int32),
            pltpu.VMEM((_CHUNK,), jnp.int32),
            pltpu.VMEM((_CHUNK, d), jnp.float32),
            pltpu.VMEM((_CHUNK, d), jnp.float32),
            pltpu.SemaphoreType.DMA,
            pltpu.SemaphoreType.DMA,
        ],
    )
    def gather_kernel(table_hbm, idx_hbm, out_hbm, idx0, idx1, rows0, rows1,
                      sem0, sem1):
        wid = lax.axis_index("s") * 2 + lax.axis_index("c")
        base = wid * per_w
        idx_bufs = (idx0, idx1)
        row_bufs = (rows0, rows1)
        sems = (sem0, sem1)
        pltpu.sync_copy(idx_hbm.at[pl.ds(base, _CHUNK)], idx0)
        copies = [pltpu.async_copy(table_hbm.at[idx0], rows0, sem0)]
        for c in range(nch):
            nxt = c + 1
            if nxt < nch:
                pltpu.sync_copy(
                    idx_hbm.at[pl.ds(base + nxt * _CHUNK, _CHUNK)],
                    idx_bufs[nxt % 2])
                copies.append(
                    pltpu.async_copy(table_hbm.at[idx_bufs[nxt % 2]],
                                     row_bufs[nxt % 2], sems[nxt % 2]))
            copies[c].wait()
            pltpu.sync_copy(row_bufs[c % 2],
                            out_hbm.at[pl.ds(base + c * _CHUNK, _CHUNK)])

    return gather_kernel(table, idx)



_T = 512


def _tc_body(wrows_ref, pos_ref, type_ref, lng_ref, lnb_ref, digits_ref,
             mask_ref, num16_ref, wiht_ref, whht_ref, bih_ref, bhh_ref,
             prev_ref, out_ref):
    del prev_ref
    x = wrows_ref[...] + pos_ref[...] + type_ref[0][None, :]
    mean = jnp.mean(x, axis=-1, keepdims=True)
    cen = x - mean
    var = jnp.mean(cen * cen, axis=-1, keepdims=True)
    ln = cen * lax.rsqrt(var + EPS) * lng_ref[0][None, :] + lnb_ref[0][None, :]

    ctab = (jnp.dot(num16_ref[...], wiht_ref[...],
                    preferred_element_type=jnp.float32)
            + bih_ref[0][None, :] + bhh_ref[0][None, :])

    whht_bf = whht_ref[...].astype(jnp.bfloat16)

    h1tab = jnp.tanh(ctab)
    rec1 = jnp.dot(h1tab, whht_ref[...], preferred_element_type=jnp.float32)
    h2tab = jnp.tanh(rec1[:, None, :] + ctab[None, :, :]).reshape(256, HID)

    digs = digits_ref[...]
    lanes = lax.broadcasted_iota(jnp.int32, (_T, 16), 1)
    lanes256 = lax.broadcasted_iota(jnp.int32, (_T, 256), 1)

    def ct_for(t):
        oh = (digs[:, t][:, None] == lanes).astype(jnp.float32)
        return jnp.dot(oh, ctab, preferred_element_type=jnp.float32)

    idx2 = digs[:, 0] * 16 + digs[:, 1]
    oh2 = (idx2[:, None] == lanes256).astype(jnp.float32)
    h = jnp.dot(oh2, h2tab, preferred_element_type=jnp.float32)
    for t in range(2, DLEN):
        rec = jnp.dot(h.astype(jnp.bfloat16), whht_bf,
                      preferred_element_type=jnp.float32)
        h = jnp.tanh(ct_for(t) + rec)

    out_ref[...] = ln + h * mask_ref[...]


def _tc_body_first(wrows_ref, pos_ref, type_ref, lng_ref, lnb_ref,
                   digits_ref, mask_ref, num16_ref, wiht_ref, whht_ref,
                   bih_ref, bhh_ref, out_ref):
    _tc_body(wrows_ref, pos_ref, type_ref, lng_ref, lnb_ref, digits_ref,
             mask_ref, num16_ref, wiht_ref, whht_ref, bih_ref, bhh_ref,
             None, out_ref)


def _tc_half(wrows_half, pos_emb, type_emb, ln_g, ln_b, digits, mask, num16,
             w_iht, w_hht, b_ih, b_hh, prev, base):
    n = digits.shape[0]
    s = pos_emb.shape[0]
    nblk = wrows_half.shape[0] // _T
    pos_blocks = s // _T
    in_specs = [
        pl.BlockSpec((_T, HID), lambda i: (i, 0)),
        pl.BlockSpec((_T, HID), lambda i: ((base + i) % pos_blocks, 0)),
        pl.BlockSpec((2, HID), lambda i: (0, 0)),
        pl.BlockSpec((1, HID), lambda i: (0, 0)),
        pl.BlockSpec((1, HID), lambda i: (0, 0)),
        pl.BlockSpec((_T, DLEN), lambda i: (base + i, 0)),
        pl.BlockSpec((_T, 1), lambda i: (base + i, 0)),
        pl.BlockSpec((16, 32), lambda i: (0, 0)),
        pl.BlockSpec((32, HID), lambda i: (0, 0)),
        pl.BlockSpec((HID, HID), lambda i: (0, 0)),
        pl.BlockSpec((1, HID), lambda i: (0, 0)),
        pl.BlockSpec((1, HID), lambda i: (0, 0)),
    ]
    args = [wrows_half, pos_emb, type_emb, ln_g, ln_b, digits, mask, num16,
            w_iht, w_hht, b_ih, b_hh]
    aliases = {}
    body = _tc_body_first
    if prev is not None:
        in_specs.append(pl.BlockSpec(memory_space=pl.ANY))
        args.append(prev)
        aliases = {12: 0}
        body = _tc_body
    return pl.pallas_call(
        body,
        grid=(nblk,),
        in_specs=in_specs,
        out_specs=pl.BlockSpec((_T, HID), lambda i: (base + i, 0)),
        out_shape=jax.ShapeDtypeStruct((n, HID), jnp.float32),
        input_output_aliases=aliases,
    )(*args)


def kernel(input_ids, digits_ids, number_mask, word_emb, pos_emb, type_emb,
           ln_g, ln_b, num_emb, W_ih, W_hh, b_ih, b_hh):
    bb, ss = input_ids.shape
    n = bb * ss
    nchunks = 4
    csz = n // nchunks
    idx = input_ids.reshape(n)
    ws = [_sc_gather(word_emb, idx[k * csz:(k + 1) * csz])
          for k in range(nchunks)]
    digits = digits_ids.reshape(n, DLEN)
    mask = number_mask.reshape(n, 1)
    num16 = jnp.pad(num_emb, ((0, 16 - NDIGIT), (0, 0)))
    lng = ln_g.reshape(1, HID)
    lnb = ln_b.reshape(1, HID)
    bih = b_ih.reshape(1, HID)
    bhh = b_hh.reshape(1, HID)
    w_iht = W_ih.T
    w_hht = W_hh.T
    out = None
    for k in range(nchunks):
        out = _tc_half(ws[k], pos_emb, type_emb, lng, lnb, digits, mask,
                       num16, w_iht, w_hht, bih, bhh, out,
                       k * (csz // _T))
    return out.reshape(bb, ss, HID)

# --- scband reference (transcript-rebuilt; emitter-appended) ---
"""Pipeline reference for scband-number-bert-embeddings-87385404605054 (READ-ONLY COPY).

The authoritative reference and input builder live on the scoring server;
editing this copy changes nothing except your own understanding.
"""

import jax, jax.numpy as jnp
import numpy as np

VOCAB = 30522
HID = 768
MAXPOS = 2048
NTYPE = 2
NDIGIT = 13
ESD = 32
B = 4
S = 2048
DLEN = 12
EPS = 1e-12


def setup_inputs(seed: int = 0) -> dict:
    key = jax.random.key(seed)
    ks = jax.random.split(key, 12)
    input_ids = jax.random.randint(ks[0], (B, S), 0, VOCAB, dtype=jnp.int32)
    digits_ids = jax.random.randint(ks[1], (B, S, DLEN), 0, NDIGIT, dtype=jnp.int32)
    number_mask = jax.random.uniform(ks[2], (B, S), dtype=jnp.float32)
    word_emb = jax.random.normal(ks[3], (VOCAB, HID), dtype=jnp.float32) * 0.02
    pos_emb = jax.random.normal(ks[4], (MAXPOS, HID), dtype=jnp.float32) * 0.02
    type_emb = jax.random.normal(ks[5], (NTYPE, HID), dtype=jnp.float32) * 0.02
    ln_g = jnp.ones((HID,), dtype=jnp.float32)
    ln_b = jnp.zeros((HID,), dtype=jnp.float32)
    num_emb = jax.random.normal(ks[6], (NDIGIT, ESD), dtype=jnp.float32) * 0.02
    W_ih = jax.random.normal(ks[7], (HID, ESD), dtype=jnp.float32) * (1.0 / np.sqrt(HID))
    W_hh = jax.random.normal(ks[8], (HID, HID), dtype=jnp.float32) * (1.0 / np.sqrt(HID))
    b_ih = jnp.zeros((HID,), dtype=jnp.float32)
    b_hh = jnp.zeros((HID,), dtype=jnp.float32)
    return {
        "input_ids": input_ids,
        "digits_ids": digits_ids,
        "number_mask": number_mask,
        "word_emb": word_emb,
        "pos_emb": pos_emb,
        "type_emb": type_emb,
        "ln_g": ln_g,
        "ln_b": ln_b,
        "num_emb": num_emb,
        "W_ih": W_ih,
        "W_hh": W_hh,
        "b_ih": b_ih,
        "b_hh": b_hh,
    }


def reference(input_ids, digits_ids, number_mask, word_emb, pos_emb, type_emb, ln_g, ln_b, num_emb, W_ih, W_hh, b_ih, b_hh):
    Bb, Ss = input_ids.shape
    # word embedding lookup
    inputs_embeds = jnp.take(word_emb, input_ids, axis=0)
    # token_type_ids default to zeros -> row 0 of type table, broadcast
    token_type_embeddings = type_emb[0][None, None, :]
    # absolute position embeddings for positions [0, S)
    position_embeddings = jnp.take(pos_emb, jnp.arange(Ss), axis=0)[None, :, :]
    embeddings = inputs_embeds + token_type_embeddings + position_embeddings
    # LayerNorm (torch uses biased variance)
    mean = jnp.mean(embeddings, axis=-1, keepdims=True)
    var = jnp.var(embeddings, axis=-1, keepdims=True)
    embeddings = (embeddings - mean) / jnp.sqrt(var + EPS) * ln_g + ln_b
    # dropout is identity in eval mode
    # digit pooling: embed digits then run a tanh RNN, take final hidden state
    flat_digits = digits_ids.reshape(Bb * Ss, DLEN)
    digits = jnp.take(num_emb, flat_digits, axis=0)  # [B*S, DLEN, ESD]
    xs = jnp.transpose(digits, (1, 0, 2))  # [DLEN, B*S, ESD]
    h0 = jnp.zeros((Bb * Ss, HID), dtype=jnp.float32)

    def step(h, x):
        h_new = jnp.tanh(x @ W_ih.T + b_ih + h @ W_hh.T + b_hh)
        return h_new, None

    hn, _ = jax.lax.scan(step, h0, xs)
    number_embeddings = hn.reshape(Bb, Ss, HID)
    # einsum('bsh,bs->bsh') == elementwise mask
    number_embeddings = number_embeddings * number_mask[:, :, None]
    # mask_digit == 0 -> add number embeddings
    embeddings = embeddings + number_embeddings
    return embeddings

if __name__ == "__main__":
    import jax
    _d = setup_inputs()
    print(jax.jit(kernel)(*tuple(_d.values())))

</pallas_src>

<mosaic_0001>
#map = affine_map<(d0, d1) -> (0, 0)>
#map1 = affine_map<(d0, d1) -> (0)>
module attributes {stable_mosaic.version = 14 : i64} {
  func.func @gather_kernel(%arg0: i32, %arg1: i32, %arg2: memref<30522x768xf32, #tpu.memory_space<hbm>>, %arg3: memref<2048xi32, #tpu.memory_space<hbm>>, %arg4: memref<2048x768xf32, #tpu.memory_space<hbm>>, %arg5: memref<64xi32, #tpu.memory_space<vmem>>, %arg6: memref<64xi32, #tpu.memory_space<vmem>>, %arg7: memref<64x768xf32, #tpu.memory_space<vmem>>, %arg8: memref<64x768xf32, #tpu.memory_space<vmem>>, %arg9: memref<!tpu.dma_semaphore, #tpu.memory_space<semaphore_mem>>, %arg10: memref<!tpu.dma_semaphore, #tpu.memory_space<semaphore_mem>>) attributes {dimension_semantics = [#tpu.dimension_semantics<core_parallel>, #tpu.dimension_semantics<subcore_parallel>], iteration_bounds = array<i64: 2, 16>, scalar_prefetch = 0 : i64, scratch_operands = 6 : i64, tpu.core_type = #tpu.core_type<sc_vector_subcore>, window_params = [{transform_indices = #map}, {transform_indices = #map1}, {transform_indices = #map}]} {
    %mul3A = arith.constant 2 : i32
    %mul3A_0 = arith.muli %arg1, %mul3A : i32
    %add3A = arith.addi %mul3A_0, %arg0 : i32
    %mul3A_1 = arith.constant 64 : i32
    %mul3A_2 = arith.muli %add3A, %mul3A_1 : i32
    "tpu.region"() ({
      %run_scoped3A = tpu.sem_alloc : memref<!tpu.dma_semaphore, #tpu.memory_space<semaphore_mem>>
      %dma_start3A_9 = tpu.memref_slice %arg3[%mul3A_2] : memref<2048xi32, #tpu.memory_space<hbm>> -> memref<64xi32, #tpu.memory_space<hbm>>
      %dma_start3A_10 = tpu.memref_slice %arg3[%mul3A_2] : memref<2048xi32, #tpu.memory_space<hbm>> -> memref<64xi32, #tpu.memory_space<hbm>>
      tpu.enqueue_dma source(%dma_start3A_10 : memref<64xi32, #tpu.memory_space<hbm>>) target(%arg5 : memref<64xi32, #tpu.memory_space<vmem>>) target_semaphore(%run_scoped3A : memref<!tpu.dma_semaphore, #tpu.memory_space<semaphore_mem>>)
      %dma_wait3A_11 = tpu.memref_slice %arg3[%mul3A_2] : memref<2048xi32, #tpu.memory_space<hbm>> -> memref<64xi32, #tpu.memory_space<hbm>>
      %dma_wait3A_12 = tpu.memref_slice %arg3[%mul3A_2] : memref<2048xi32, #tpu.memory_space<hbm>> -> memref<64xi32, #tpu.memory_space<hbm>>
      tpu.wait_dma2 semaphore(%run_scoped3A : memref<!tpu.dma_semaphore, #tpu.memory_space<semaphore_mem>>) src(%dma_wait3A_12 : memref<64xi32, #tpu.memory_space<hbm>>) dst(%arg5 : memref<64xi32, #tpu.memory_space<vmem>>)
      tpu.yield
    }) : () -> ()
    %dma_start3A = arith.constant 0 : i32
    %dma_start3A_3 = arith.constant 0 : i32
    %dma_start3A_4 = tpu.memref_slice %arg2[%dma_start3A, %dma_start3A_3] : memref<30522x768xf32, #tpu.memory_space<hbm>> -> memref<30522x768xf32, #tpu.memory_space<hbm>>
    tpu.enqueue_indirect_dma source(%dma_start3A_4 : memref<30522x768xf32, #tpu.memory_space<hbm>>) target(%arg7 : memref<64x768xf32, #tpu.memory_space<vmem>>) offsets(%arg5 : memref<64xi32, #tpu.memory_space<vmem>>) semaphore(%arg9 : memref<!tpu.dma_semaphore, #tpu.memory_space<semaphore_mem>>)
    %dma_wait3A = arith.constant 0 : i32
    %dma_wait3A_5 = arith.constant 0 : i32
    %dma_wait3A_6 = tpu.memref_slice %arg2[%dma_wait3A, %dma_wait3A_5] : memref<30522x768xf32, #tpu.memory_space<hbm>> -> memref<30522x768xf32, #tpu.memory_space<hbm>>
    tpu.wait_indirect_dma semaphore(%arg9 : memref<!tpu.dma_semaphore, #tpu.memory_space<semaphore_mem>>) src(%dma_wait3A_6 : memref<30522x768xf32, #tpu.memory_space<hbm>>) dst(%arg7 : memref<64x768xf32, #tpu.memory_space<vmem>>)
    %add3A_7 = arith.constant 0 : i32
    %add3A_8 = arith.addi %mul3A_2, %add3A_7 : i32
    "tpu.region"() ({
      %run_scoped3A = tpu.sem_alloc : memref<!tpu.dma_semaphore, #tpu.memory_space<semaphore_mem>>
      %dma_start3A_9 = arith.constant 0 : i32
      %dma_start3A_10 = tpu.memref_slice %arg4[%add3A_8, %dma_start3A_9] : memref<2048x768xf32, #tpu.memory_space<hbm>> -> memref<64x768xf32, #tpu.memory_space<hbm>>
      %dma_start3A_11 = arith.constant 0 : i32
      %dma_start3A_12 = tpu.memref_slice %arg4[%add3A_8, %dma_start3A_11] : memref<2048x768xf32, #tpu.memory_space<hbm>> -> memref<64x768xf32, #tpu.memory_space<hbm>>
      tpu.enqueue_dma source(%arg7 : memref<64x768xf32, #tpu.memory_space<vmem>>) target(%dma_start3A_12 : memref<64x768xf32, #tpu.memory_space<hbm>>) target_semaphore(%run_scoped3A : memref<!tpu.dma_semaphore, #tpu.memory_space<semaphore_mem>>)
      %dma_wait3A_13 = arith.constant 0 : i32
      %dma_wait3A_14 = tpu.memref_slice %arg4[%add3A_8, %dma_wait3A_13] : memref<2048x768xf32, #tpu.memory_space<hbm>> -> memref<64x768xf32, #tpu.memory_space<hbm>>
      %dma_wait3A_15 = arith.constant 0 : i32
      %dma_wait3A_16 = tpu.memref_slice %arg4[%add3A_8, %dma_wait3A_15] : memref<2048x768xf32, #tpu.memory_space<hbm>> -> memref<64x768xf32, #tpu.memory_space<hbm>>
      tpu.wait_dma2 semaphore(%run_scoped3A : memref<!tpu.dma_semaphore, #tpu.memory_space<semaphore_mem>>) src(%arg7 : memref<64x768xf32, #tpu.memory_space<vmem>>) dst(%dma_wait3A_16 : memref<64x768xf32, #tpu.memory_space<hbm>>)
      tpu.yield
    }) : () -> ()
    return
  }
}

#map = affine_map<(d0, d1) -> (0, 0)>
#map1 = affine_map<(d0, d1) -> (0)>
module attributes {stable_mosaic.version = 14 : i64} {
  func.func @gather_kernel(%arg0: i32, %arg1: i32, %arg2: memref<30522x768xf32, #tpu.memory_space<hbm>>, %arg3: memref<2048xi32, #tpu.memory_space<hbm>>, %arg4: memref<2048x768xf32, #tpu.memory_space<hbm>>, %arg5: memref<64xi32, #tpu.memory_space<vmem>>, %arg6: memref<64xi32, #tpu.memory_space<vmem>>, %arg7: memref<64x768xf32, #tpu.memory_space<vmem>>, %arg8: memref<64x768xf32, #tpu.memory_space<vmem>>, %arg9: memref<!tpu.dma_semaphore, #tpu.memory_space<semaphore_mem>>, %arg10: memref<!tpu.dma_semaphore, #tpu.memory_space<semaphore_mem>>) attributes {dimension_semantics = [#tpu.dimension_semantics<core_parallel>, #tpu.dimension_semantics<subcore_parallel>], iteration_bounds = array<i64: 2, 16>, scalar_prefetch = 0 : i64, scratch_operands = 6 : i64, tpu.core_type = #tpu.core_type<sc_vector_subcore>, window_params = [{transform_indices = #map}, {transform_indices = #map1}, {transform_indices = #map}]} {
    %mul3A = arith.constant 2 : i32
    %mul3A_0 = arith.muli %arg1, %mul3A : i32
    %add3A = arith.addi %mul3A_0, %arg0 : i32
    %mul3A_1 = arith.constant 64 : i32
    %mul3A_2 = arith.muli %add3A, %mul3A_1 : i32
    "tpu.region"() ({
      %run_scoped3A = tpu.sem_alloc : memref<!tpu.dma_semaphore, #tpu.memory_space<semaphore_mem>>
      %dma_start3A_9 = tpu.memref_slice %arg3[%mul3A_2] : memref<2048xi32, #tpu.memory_space<hbm>> -> memref<64xi32, #tpu.memory_space<hbm>>
      %dma_start3A_10 = tpu.memref_slice %arg3[%mul3A_2] : memref<2048xi32, #tpu.memory_space<hbm>> -> memref<64xi32, #tpu.memory_space<hbm>>
      tpu.enqueue_dma source(%dma_start3A_10 : memref<64xi32, #tpu.memory_space<hbm>>) target(%arg5 : memref<64xi32, #tpu.memory_space<vmem>>) target_semaphore(%run_scoped3A : memref<!tpu.dma_semaphore, #tpu.memory_space<semaphore_mem>>)
      %dma_wait3A_11 = tpu.memref_slice %arg3[%mul3A_2] : memref<2048xi32, #tpu.memory_space<hbm>> -> memref<64xi32, #tpu.memory_space<hbm>>
      %dma_wait3A_12 = tpu.memref_slice %arg3[%mul3A_2] : memref<2048xi32, #tpu.memory_space<hbm>> -> memref<64xi32, #tpu.memory_space<hbm>>
      tpu.wait_dma2 semaphore(%run_scoped3A : memref<!tpu.dma_semaphore, #tpu.memory_space<semaphore_mem>>) src(%dma_wait3A_12 : memref<64xi32, #tpu.memory_space<hbm>>) dst(%arg5 : memref<64xi32, #tpu.memory_space<vmem>>)
      tpu.yield
    }) : () -> ()
    %dma_start3A = arith.constant 0 : i32
    %dma_start3A_3 = arith.constant 0 : i32
    %dma_start3A_4 = tpu.memref_slice %arg2[%dma_start3A, %dma_start3A_3] : memref<30522x768xf32, #tpu.memory_space<hbm>> -> memref<30522x768xf32, #tpu.memory_space<hbm>>
    tpu.enqueue_indirect_dma source(%dma_start3A_4 : memref<30522x768xf32, #tpu.memory_space<hbm>>) target(%arg7 : memref<64x768xf32, #tpu.memory_space<vmem>>) offsets(%arg5 : memref<64xi32, #tpu.memory_space<vmem>>) semaphore(%arg9 : memref<!tpu.dma_semaphore, #tpu.memory_space<semaphore_mem>>)
    %dma_wait3A = arith.constant 0 : i32
    %dma_wait3A_5 = arith.constant 0 : i32
    %dma_wait3A_6 = tpu.memref_slice %arg2[%dma_wait3A, %dma_wait3A_5] : memref<30522x768xf32, #tpu.memory_space<hbm>> -> memref<30522x768xf32, #tpu.memory_space<hbm>>
    tpu.wait_indirect_dma semaphore(%arg9 : memref<!tpu.dma_semaphore, #tpu.memory_space<semaphore_mem>>) src(%dma_wait3A_6 : memref<30522x768xf32, #tpu.memory_space<hbm>>) dst(%arg7 : memref<64x768xf32, #tpu.memory_space<vmem>>)
    %add3A_7 = arith.constant 0 : i32
    %add3A_8 = arith.addi %mul3A_2, %add3A_7 : i32
    "tpu.region"() ({
      %run_scoped3A = tpu.sem_alloc : memref<!tpu.dma_semaphore, #tpu.memory_space<semaphore_mem>>
      %dma_start3A_9 = arith.constant 0 : i32
      %dma_start3A_10 = tpu.memref_slice %arg4[%add3A_8, %dma_start3A_9] : memref<2048x768xf32, #tpu.memory_space<hbm>> -> memref<64x768xf32, #tpu.memory_space<hbm>>
      %dma_start3A_11 = arith.constant 0 : i32
      %dma_start3A_12 = tpu.memref_slice %arg4[%add3A_8, %dma_start3A_11] : memref<2048x768xf32, #tpu.memory_space<hbm>> -> memref<64x768xf32, #tpu.memory_space<hbm>>
      tpu.enqueue_dma source(%arg7 : memref<64x768xf32, #tpu.memory_space<vmem>>) target(%dma_start3A_12 : memref<64x768xf32, #tpu.memory_space<hbm>>) target_semaphore(%run_scoped3A : memref<!tpu.dma_semaphore, #tpu.memory_space<semaphore_mem>>)
      %dma_wait3A_13 = arith.constant 0 : i32
      %dma_wait3A_14 = tpu.memref_slice %arg4[%add3A_8, %dma_wait3A_13] : memref<2048x768xf32, #tpu.memory_space<hbm>> -> memref<64x768xf32, #tpu.memory_space<hbm>>
      %dma_wait3A_15 = arith.constant 0 : i32
      %dma_wait3A_16 = tpu.memref_slice %arg4[%add3A_8, %dma_wait3A_15] : memref<2048x768xf32, #tpu.memory_space<hbm>> -> memref<64x768xf32, #tpu.memory_space<hbm>>
      tpu.wait_dma2 semaphore(%run_scoped3A : memref<!tpu.dma_semaphore, #tpu.memory_space<semaphore_mem>>) src(%arg7 : memref<64x768xf32, #tpu.memory_space<vmem>>) dst(%dma_wait3A_16 : memref<64x768xf32, #tpu.memory_space<hbm>>)
      tpu.yield
    }) : () -> ()
    return
  }
}

#map = affine_map<(d0, d1) -> (0, 0)>
#map1 = affine_map<(d0, d1) -> (0)>
module attributes {stable_mosaic.version = 14 : i64} {
  func.func @gather_kernel(%arg0: i32, %arg1: i32, %arg2: memref<30522x768xf32, #tpu.memory_space<hbm>>, %arg3: memref<2048xi32, #tpu.memory_space<hbm>>, %arg4: memref<2048x768xf32, #tpu.memory_space<hbm>>, %arg5: memref<64xi32, #tpu.memory_space<vmem>>, %arg6: memref<64xi32, #tpu.memory_space<vmem>>, %arg7: memref<64x768xf32, #tpu.memory_space<vmem>>, %arg8: memref<64x768xf32, #tpu.memory_space<vmem>>, %arg9: memref<!tpu.dma_semaphore, #tpu.memory_space<semaphore_mem>>, %arg10: memref<!tpu.dma_semaphore, #tpu.memory_space<semaphore_mem>>) attributes {dimension_semantics = [#tpu.dimension_semantics<core_parallel>, #tpu.dimension_semantics<subcore_parallel>], iteration_bounds = array<i64: 2, 16>, scalar_prefetch = 0 : i64, scratch_operands = 6 : i64, tpu.core_type = #tpu.core_type<sc_vector_subcore>, window_params = [{transform_indices = #map}, {transform_indices = #map1}, {transform_indices = #map}]} {
    %mul3A = arith.constant 2 : i32
    %mul3A_0 = arith.muli %arg1, %mul3A : i32
    %add3A = arith.addi %mul3A_0, %arg0 : i32
    %mul3A_1 = arith.constant 64 : i32
    %mul3A_2 = arith.muli %add3A, %mul3A_1 : i32
    "tpu.region"() ({
      %run_scoped3A = tpu.sem_alloc : memref<!tpu.dma_semaphore, #tpu.memory_space<semaphore_mem>>
      %dma_start3A_9 = tpu.memref_slice %arg3[%mul3A_2] : memref<2048xi32, #tpu.memory_space<hbm>> -> memref<64xi32, #tpu.memory_space<hbm>>
      %dma_start3A_10 = tpu.memref_slice %arg3[%mul3A_2] : memref<2048xi32, #tpu.memory_space<hbm>> -> memref<64xi32, #tpu.memory_space<hbm>>
      tpu.enqueue_dma source(%dma_start3A_10 : memref<64xi32, #tpu.memory_space<hbm>>) target(%arg5 : memref<64xi32, #tpu.memory_space<vmem>>) target_semaphore(%run_scoped3A : memref<!tpu.dma_semaphore, #tpu.memory_space<semaphore_mem>>)
      %dma_wait3A_11 = tpu.memref_slice %arg3[%mul3A_2] : memref<2048xi32, #tpu.memory_space<hbm>> -> memref<64xi32, #tpu.memory_space<hbm>>
      %dma_wait3A_12 = tpu.memref_slice %arg3[%mul3A_2] : memref<2048xi32, #tpu.memory_space<hbm>> -> memref<64xi32, #tpu.memory_space<hbm>>
      tpu.wait_dma2 semaphore(%run_scoped3A : memref<!tpu.dma_semaphore, #tpu.memory_space<semaphore_mem>>) src(%dma_wait3A_12 : memref<64xi32, #tpu.memory_space<hbm>>) dst(%arg5 : memref<64xi32, #tpu.memory_space<vmem>>)
      tpu.yield
    }) : () -> ()
    %dma_start3A = arith.constant 0 : i32
    %dma_start3A_3 = arith.constant 0 : i32
    %dma_start3A_4 = tpu.memref_slice %arg2[%dma_start3A, %dma_start3A_3] : memref<30522x768xf32, #tpu.memory_space<hbm>> -> memref<30522x768xf32, #tpu.memory_space<hbm>>
    tpu.enqueue_indirect_dma source(%dma_start3A_4 : memref<30522x768xf32, #tpu.memory_space<hbm>>) target(%arg7 : memref<64x768xf32, #tpu.memory_space<vmem>>) offsets(%arg5 : memref<64xi32, #tpu.memory_space<vmem>>) semaphore(%arg9 : memref<!tpu.dma_semaphore, #tpu.memory_space<semaphore_mem>>)
    %dma_wait3A = arith.constant 0 : i32
    %dma_wait3A_5 = arith.constant 0 : i32
    %dma_wait3A_6 = tpu.memref_slice %arg2[%dma_wait3A, %dma_wait3A_5] : memref<30522x768xf32, #tpu.memory_space<hbm>> -> memref<30522x768xf32, #tpu.memory_space<hbm>>
    tpu.wait_indirect_dma semaphore(%arg9 : memref<!tpu.dma_semaphore, #tpu.memory_space<semaphore_mem>>) src(%dma_wait3A_6 : memref<30522x768xf32, #tpu.memory_space<hbm>>) dst(%arg7 : memref<64x768xf32, #tpu.memory_space<vmem>>)
    %add3A_7 = arith.constant 0 : i32
    %add3A_8 = arith.addi %mul3A_2, %add3A_7 : i32
    "tpu.region"() ({
      %run_scoped3A = tpu.sem_alloc : memref<!tpu.dma_semaphore, #tpu.memory_space<semaphore_mem>>
      %dma_start3A_9 = arith.constant 0 : i32
      %dma_start3A_10 = tpu.memref_slice %arg4[%add3A_8, %dma_start3A_9] : memref<2048x768xf32, #tpu.memory_space<hbm>> -> memref<64x768xf32, #tpu.memory_space<hbm>>
      %dma_start3A_11 = arith.constant 0 : i32
      %dma_start3A_12 = tpu.memref_slice %arg4[%add3A_8, %dma_start3A_11] : memref<2048x768xf32, #tpu.memory_space<hbm>> -> memref<64x768xf32, #tpu.memory_space<hbm>>
      tpu.enqueue_dma source(%arg7 : memref<64x768xf32, #tpu.memory_space<vmem>>) target(%dma_start3A_12 : memref<64x768xf32, #tpu.memory_space<hbm>>) target_semaphore(%run_scoped3A : memref<!tpu.dma_semaphore, #tpu.memory_space<semaphore_mem>>)
      %dma_wait3A_13 = arith.constant 0 : i32
      %dma_wait3A_14 = tpu.memref_slice %arg4[%add3A_8, %dma_wait3A_13] : memref<2048x768xf32, #tpu.memory_space<hbm>> -> memref<64x768xf32, #tpu.memory_space<hbm>>
      %dma_wait3A_15 = arith.constant 0 : i32
      %dma_wait3A_16 = tpu.memref_slice %arg4[%add3A_8, %dma_wait3A_15] : memref<2048x768xf32, #tpu.memory_space<hbm>> -> memref<64x768xf32, #tpu.memory_space<hbm>>
      tpu.wait_dma2 semaphore(%run_scoped3A : memref<!tpu.dma_semaphore, #tpu.memory_space<semaphore_mem>>) src(%arg7 : memref<64x768xf32, #tpu.memory_space<vmem>>) dst(%dma_wait3A_16 : memref<64x768xf32, #tpu.memory_space<hbm>>)
      tpu.yield
    }) : () -> ()
    return
  }
}

#map = affine_map<(d0, d1) -> (0, 0)>
#map1 = affine_map<(d0, d1) -> (0)>
module attributes {stable_mosaic.version = 14 : i64} {
  func.func @gather_kernel(%arg0: i32, %arg1: i32, %arg2: memref<30522x768xf32, #tpu.memory_space<hbm>>, %arg3: memref<2048xi32, #tpu.memory_space<hbm>>, %arg4: memref<2048x768xf32, #tpu.memory_space<hbm>>, %arg5: memref<64xi32, #tpu.memory_space<vmem>>, %arg6: memref<64xi32, #tpu.memory_space<vmem>>, %arg7: memref<64x768xf32, #tpu.memory_space<vmem>>, %arg8: memref<64x768xf32, #tpu.memory_space<vmem>>, %arg9: memref<!tpu.dma_semaphore, #tpu.memory_space<semaphore_mem>>, %arg10: memref<!tpu.dma_semaphore, #tpu.memory_space<semaphore_mem>>) attributes {dimension_semantics = [#tpu.dimension_semantics<core_parallel>, #tpu.dimension_semantics<subcore_parallel>], iteration_bounds = array<i64: 2, 16>, scalar_prefetch = 0 : i64, scratch_operands = 6 : i64, tpu.core_type = #tpu.core_type<sc_vector_subcore>, window_params = [{transform_indices = #map}, {transform_indices = #map1}, {transform_indices = #map}]} {
    %mul3A = arith.constant 2 : i32
    %mul3A_0 = arith.muli %arg1, %mul3A : i32
    %add3A = arith.addi %mul3A_0, %arg0 : i32
    %mul3A_1 = arith.constant 64 : i32
    %mul3A_2 = arith.muli %add3A, %mul3A_1 : i32
    "tpu.region"() ({
      %run_scoped3A = tpu.sem_alloc : memref<!tpu.dma_semaphore, #tpu.memory_space<semaphore_mem>>
      %dma_start3A_9 = tpu.memref_slice %arg3[%mul3A_2] : memref<2048xi32, #tpu.memory_space<hbm>> -> memref<64xi32, #tpu.memory_space<hbm>>
      %dma_start3A_10 = tpu.memref_slice %arg3[%mul3A_2] : memref<2048xi32, #tpu.memory_space<hbm>> -> memref<64xi32, #tpu.memory_space<hbm>>
      tpu.enqueue_dma source(%dma_start3A_10 : memref<64xi32, #tpu.memory_space<hbm>>) target(%arg5 : memref<64xi32, #tpu.memory_space<vmem>>) target_semaphore(%run_scoped3A : memref<!tpu.dma_semaphore, #tpu.memory_space<semaphore_mem>>)
      %dma_wait3A_11 = tpu.memref_slice %arg3[%mul3A_2] : memref<2048xi32, #tpu.memory_space<hbm>> -> memref<64xi32, #tpu.memory_space<hbm>>
      %dma_wait3A_12 = tpu.memref_slice %arg3[%mul3A_2] : memref<2048xi32, #tpu.memory_space<hbm>> -> memref<64xi32, #tpu.memory_space<hbm>>
      tpu.wait_dma2 semaphore(%run_scoped3A : memref<!tpu.dma_semaphore, #tpu.memory_space<semaphore_mem>>) src(%dma_wait3A_12 : memref<64xi32, #tpu.memory_space<hbm>>) dst(%arg5 : memref<64xi32, #tpu.memory_space<vmem>>)
      tpu.yield
    }) : () -> ()
    %dma_start3A = arith.constant 0 : i32
    %dma_start3A_3 = arith.constant 0 : i32
    %dma_start3A_4 = tpu.memref_slice %arg2[%dma_start3A, %dma_start3A_3] : memref<30522x768xf32, #tpu.memory_space<hbm>> -> memref<30522x768xf32, #tpu.memory_space<hbm>>
    tpu.enqueue_indirect_dma source(%dma_start3A_4 : memref<30522x768xf32, #tpu.memory_space<hbm>>) target(%arg7 : memref<64x768xf32, #tpu.memory_space<vmem>>) offsets(%arg5 : memref<64xi32, #tpu.memory_space<vmem>>) semaphore(%arg9 : memref<!tpu.dma_semaphore, #tpu.memory_space<semaphore_mem>>)
    %dma_wait3A = arith.constant 0 : i32
    %dma_wait3A_5 = arith.constant 0 : i32
    %dma_wait3A_6 = tpu.memref_slice %arg2[%dma_wait3A, %dma_wait3A_5] : memref<30522x768xf32, #tpu.memory_space<hbm>> -> memref<30522x768xf32, #tpu.memory_space<hbm>>
    tpu.wait_indirect_dma semaphore(%arg9 : memref<!tpu.dma_semaphore, #tpu.memory_space<semaphore_mem>>) src(%dma_wait3A_6 : memref<30522x768xf32, #tpu.memory_space<hbm>>) dst(%arg7 : memref<64x768xf32, #tpu.memory_space<vmem>>)
    %add3A_7 = arith.constant 0 : i32
    %add3A_8 = arith.addi %mul3A_2, %add3A_7 : i32
    "tpu.region"() ({
      %run_scoped3A = tpu.sem_alloc : memref<!tpu.dma_semaphore, #tpu.memory_space<semaphore_mem>>
      %dma_start3A_9 = arith.constant 0 : i32
      %dma_start3A_10 = tpu.memref_slice %arg4[%add3A_8, %dma_start3A_9] : memref<2048x768xf32, #tpu.memory_space<hbm>> -> memref<64x768xf32, #tpu.memory_space<hbm>>
      %dma_start3A_11 = arith.constant 0 : i32
      %dma_start3A_12 = tpu.memref_slice %arg4[%add3A_8, %dma_start3A_11] : memref<2048x768xf32, #tpu.memory_space<hbm>> -> memref<64x768xf32, #tpu.memory_space<hbm>>
      tpu.enqueue_dma source(%arg7 : memref<64x768xf32, #tpu.memory_space<vmem>>) target(%dma_start3A_12 : memref<64x768xf32, #tpu.memory_space<hbm>>) target_semaphore(%run_scoped3A : memref<!tpu.dma_semaphore, #tpu.memory_space<semaphore_mem>>)
      %dma_wait3A_13 = arith.constant 0 : i32
      %dma_wait3A_14 = tpu.memref_slice %arg4[%add3A_8, %dma_wait3A_13] : memref<2048x768xf32, #tpu.memory_space<hbm>> -> memref<64x768xf32, #tpu.memory_space<hbm>>
      %dma_wait3A_15 = arith.constant 0 : i32
      %dma_wait3A_16 = tpu.memref_slice %arg4[%add3A_8, %dma_wait3A_15] : memref<2048x768xf32, #tpu.memory_space<hbm>> -> memref<64x768xf32, #tpu.memory_space<hbm>>
      tpu.wait_dma2 semaphore(%run_scoped3A : memref<!tpu.dma_semaphore, #tpu.memory_space<semaphore_mem>>) src(%arg7 : memref<64x768xf32, #tpu.memory_space<vmem>>) dst(%dma_wait3A_16 : memref<64x768xf32, #tpu.memory_space<hbm>>)
      tpu.yield
    }) : () -> ()
    return
  }
}

module attributes {stable_mosaic.version = 14 : i64} {
  func.func @_tc_body_first(%arg0: i32, %arg1: memref<512x768xf32, #tpu.memory_space<vmem>>, %arg2: memref<512x768xf32, #tpu.memory_space<vmem>>, %arg3: memref<2x768xf32, #tpu.memory_space<vmem>>, %arg4: memref<1x768xf32, #tpu.memory_space<vmem>>, %arg5: memref<1x768xf32, #tpu.memory_space<vmem>>, %arg6: memref<512x12xi32, #tpu.memory_space<vmem>>, %arg7: memref<512x1xf32, #tpu.memory_space<vmem>>, %arg8: memref<16x32xf32, #tpu.memory_space<vmem>>, %arg9: memref<32x768xf32, #tpu.memory_space<vmem>>, %arg10: memref<768x768xf32, #tpu.memory_space<vmem>>, %arg11: memref<1x768xf32, #tpu.memory_space<vmem>>, %arg12: memref<1x768xf32, #tpu.memory_space<vmem>>, %arg13: memref<512x768xf32, #tpu.memory_space<vmem>>) attributes {dimension_semantics = [#tpu.dimension_semantics<arbitrary>], iteration_bounds = array<i64: 4>, scalar_prefetch = 0 : i64, scratch_operands = 0 : i64, tpu.core_type = #tpu.core_type<tc>, window_params = [{transform_indices = @transform_0, window_bounds = array<i64: 512, 768>}, {transform_indices = @transform_1, window_bounds = array<i64: 512, 768>}, {pipeline_mode = #tpu.pipeline_mode<synchronous>, transform_indices = @transform_2, window_bounds = array<i64: 2, 768>}, {pipeline_mode = #tpu.pipeline_mode<synchronous>, transform_indices = @transform_3, window_bounds = array<i64: 1, 768>}, {pipeline_mode = #tpu.pipeline_mode<synchronous>, transform_indices = @transform_4, window_bounds = array<i64: 1, 768>}, {transform_indices = @transform_5, window_bounds = array<i64: 512, 12>}, {transform_indices = @transform_6, window_bounds = array<i64: 512, 1>}, {pipeline_mode = #tpu.pipeline_mode<synchronous>, transform_indices = @transform_7, window_bounds = array<i64: 16, 32>}, {pipeline_mode = #tpu.pipeline_mode<synchronous>, transform_indices = @transform_8, window_bounds = array<i64: 32, 768>}, {pipeline_mode = #tpu.pipeline_mode<synchronous>, transform_indices = @transform_9, window_bounds = array<i64: 768, 768>}, {pipeline_mode = #tpu.pipeline_mode<synchronous>, transform_indices = @transform_10, window_bounds = array<i64: 1, 768>}, {pipeline_mode = #tpu.pipeline_mode<synchronous>, transform_indices = @transform_11, window_bounds = array<i64: 1, 768>}, {transform_indices = @transform_12, window_bounds = array<i64: 512, 768>}]} {
    %get3A = arith.constant 0 : index
    %get3A_0 = arith.constant 0 : index
    %get3A_1 = vector.load %arg1[%get3A, %get3A_0] : memref<512x768xf32, #tpu.memory_space<vmem>>, vector<512x768xf32>
    %get3A_2 = arith.constant 0 : index
    %get3A_3 = arith.constant 0 : index
    %get3A_4 = vector.load %arg2[%get3A_2, %get3A_3] : memref<512x768xf32, #tpu.memory_space<vmem>>, vector<512x768xf32>
    %add3A = arith.addf %get3A_1, %get3A_4 : vector<512x768xf32>
    %get3A_5 = arith.constant 0 : index
    %get3A_6 = arith.constant 0 : index
    %get3A_7 = vector.load %arg3[%get3A_5, %get3A_6] : memref<2x768xf32, #tpu.memory_space<vmem>>, vector<1x768xf32>
    %get3A_8 = vector.shape_cast %get3A_7 : vector<1x768xf32> to vector<768xf32>
    %broadcast_in_dim3A = vector.shape_cast %get3A_8 : vector<768xf32> to vector<1x768xf32>
    %add3A_9 = vector.broadcast %broadcast_in_dim3A : vector<1x768xf32> to vector<512x768xf32>
    %add3A_10 = arith.addf %add3A, %add3A_9 : vector<512x768xf32>
    %reduce_sum3A = arith.constant dense<0.000000e+00> : vector<512xf32>
    %reduce_sum3A_11 = vector.multi_reduction <add>, %add3A_10, %reduce_sum3A [1] : vector<512x768xf32> to vector<512xf32>
    %broadcast_in_dim3A_12 = vector.shape_cast %reduce_sum3A_11 : vector<512xf32> to vector<512x1xf32>
    %div3A = arith.constant 7.680000e+02 : f32
    %div3A_13 = vector.broadcast %div3A : f32 to vector<512x1xf32>
    %div3A_14 = arith.divf %broadcast_in_dim3A_12, %div3A_13 : vector<512x1xf32>
    %sub3A = vector.broadcast %div3A_14 : vector<512x1xf32> to vector<512x768xf32>
    %sub3A_15 = arith.subf %add3A_10, %sub3A : vector<512x768xf32>
    %mul3A = arith.mulf %sub3A_15, %sub3A_15 : vector<512x768xf32>
    %reduce_sum3A_16 = arith.constant dense<0.000000e+00> : vector<512xf32>
    %reduce_sum3A_17 = vector.multi_reduction <add>, %mul3A, %reduce_sum3A_16 [1] : vector<512x768xf32> to vector<512xf32>
    %broadcast_in_dim3A_18 = vector.shape_cast %reduce_sum3A_17 : vector<512xf32> to vector<512x1xf32>
    %div3A_19 = arith.constant 7.680000e+02 : f32
    %div3A_20 = vector.broadcast %div3A_19 : f32 to vector<512x1xf32>
    %div3A_21 = arith.divf %broadcast_in_dim3A_18, %div3A_20 : vector<512x1xf32>
    %add3A_22 = arith.constant 9.99999996E-13 : f32
    %add3A_23 = vector.broadcast %add3A_22 : f32 to vector<512x1xf32>
    %add3A_24 = arith.addf %div3A_21, %add3A_23 : vector<512x1xf32>
    %rsqrt3A = math.rsqrt %add3A_24 : vector<512x1xf32>
    %mul3A_25 = vector.broadcast %rsqrt3A : vector<512x1xf32> to vector<512x768xf32>
    %mul3A_26 = arith.mulf %sub3A_15, %mul3A_25 : vector<512x768xf32>
    %get3A_27 = arith.constant 0 : index
    %get3A_28 = arith.constant 0 : index
    %get3A_29 = vector.load %arg4[%get3A_27, %get3A_28] : memref<1x768xf32, #tpu.memory_space<vmem>>, vector<1x768xf32>
    %get3A_30 = vector.shape_cast %get3A_29 : vector<1x768xf32> to vector<768xf32>
    %broadcast_in_dim3A_31 = vector.shape_cast %get3A_30 : vector<768xf32> to vector<1x768xf32>
    %mul3A_32 = vector.broadcast %broadcast_in_dim3A_31 : vector<1x768xf32> to vector<512x768xf32>
    %mul3A_33 = arith.mulf %mul3A_26, %mul3A_32 : vector<512x768xf32>
    %get3A_34 = arith.constant 0 : index
    %get3A_35 = arith.constant 0 : index
    %get3A_36 = vector.load %arg5[%get3A_34, %get3A_35] : memref<1x768xf32, #tpu.memory_space<vmem>>, vector<1x768xf32>
    %get3A_37 = vector.shape_cast %get3A_36 : vector<1x768xf32> to vector<768xf32>
    %broadcast_in_dim3A_38 = vector.shape_cast %get3A_37 : vector<768xf32> to vector<1x768xf32>
    %add3A_39 = vector.broadcast %broadcast_in_dim3A_38 : vector<1x768xf32> to vector<512x768xf32>
    %add3A_40 = arith.addf %mul3A_33, %add3A_39 : vector<512x768xf32>
    %get3A_41 = arith.constant 0 : index
    %get3A_42 = arith.constant 0 : index
    %get3A_43 = vector.load %arg8[%get3A_41, %get3A_42] : memref<16x32xf32, #tpu.memory_space<vmem>>, vector<16x32xf32>
    %get3A_44 = arith.constant 0 : index
    %get3A_45 = arith.constant 0 : index
    %get3A_46 = vector.load %arg9[%get3A_44, %get3A_45] : memref<32x768xf32, #tpu.memory_space<vmem>>, vector<32x768xf32>
    %dot_general3A = arith.constant dense<0.000000e+00> : vector<16x768xf32>
    %dot_general3A_47 = tpu.matmul %get3A_43, %get3A_46, %dot_general3A {dimension_numbers = #tpu.dot_dimension_numbers<[1], [0], [0], [1], [0, 0, 1, 1], [], []>, transpose_lhs_hint = false} : vector<16x32xf32>, vector<32x768xf32>, vector<16x768xf32> -> vector<16x768xf32>
    %get3A_48 = arith.constant 0 : index
    %get3A_49 = arith.constant 0 : index
    %get3A_50 = vector.load %arg11[%get3A_48, %get3A_49] : memref<1x768xf32, #tpu.memory_space<vmem>>, vector<1x768xf32>
    %get3A_51 = vector.shape_cast %get3A_50 : vector<1x768xf32> to vector<768xf32>
    %broadcast_in_dim3A_52 = vector.shape_cast %get3A_51 : vector<768xf32> to vector<1x768xf32>
    %add3A_53 = vector.broadcast %broadcast_in_dim3A_52 : vector<1x768xf32> to vector<16x768xf32>
    %add3A_54 = arith.addf %dot_general3A_47, %add3A_53 : vector<16x768xf32>
    %get3A_55 = arith.constant 0 : index
    %get3A_56 = arith.constant 0 : index
    %get3A_57 = vector.load %arg12[%get3A_55, %get3A_56] : memref<1x768xf32, #tpu.memory_space<vmem>>, vector<1x768xf32>
    %get3A_58 = vector.shape_cast %get3A_57 : vector<1x768xf32> to vector<768xf32>
    %broadcast_in_dim3A_59 = vector.shape_cast %get3A_58 : vector<768xf32> to vector<1x768xf32>
    %add3A_60 = vector.broadcast %broadcast_in_dim3A_59 : vector<1x768xf32> to vector<16x768xf32>
    %add3A_61 = arith.addf %add3A_54, %add3A_60 : vector<16x768xf32>
    %get3A_62 = arith.constant 0 : index
    %get3A_63 = arith.constant 0 : index
    %get3A_64 = vector.load %arg10[%get3A_62, %get3A_63] : memref<768x768xf32, #tpu.memory_space<vmem>>, vector<768x768xf32>
    %convert_element_type3A = arith.truncf %get3A_64 : vector<768x768xf32> to vector<768x768xbf16>
    %tanh3A = math.tanh %add3A_61 : vector<16x768xf32>
    %get3A_65 = arith.constant 0 : index
    %get3A_66 = arith.constant 0 : index
    %get3A_67 = vector.load %arg10[%get3A_65, %get3A_66] : memref<768x768xf32, #tpu.memory_space<vmem>>, vector<768x768xf32>
    %dot_general3A_68 = arith.constant dense<0.000000e+00> : vector<16x768xf32>
    %dot_general3A_69 = tpu.matmul %tanh3A, %get3A_67, %dot_general3A_68 {dimension_numbers = #tpu.dot_dimension_numbers<[1], [0], [0], [1], [0, 0, 1, 1], [], []>, transpose_lhs_hint = false} : vector<16x768xf32>, vector<768x768xf32>, vector<16x768xf32> -> vector<16x768xf32>
    %broadcast_in_dim3A_70 = vector.shape_cast %dot_general3A_69 : vector<16x768xf32> to vector<16x1x768xf32>
    %broadcast_in_dim3A_71 = vector.shape_cast %add3A_61 : vector<16x768xf32> to vector<1x16x768xf32>
    %add3A_72 = vector.broadcast %broadcast_in_dim3A_70 : vector<16x1x768xf32> to vector<16x16x768xf32>
    %add3A_73 = vector.broadcast %broadcast_in_dim3A_71 : vector<1x16x768xf32> to vector<16x16x768xf32>
    %add3A_74 = arith.addf %add3A_72, %add3A_73 : vector<16x16x768xf32>
    %tanh3A_75 = math.tanh %add3A_74 : vector<16x16x768xf32>
    %reshape3A = vector.shape_cast %tanh3A_75 : vector<16x16x768xf32> to vector<256x768xf32>
    %get3A_76 = arith.constant 0 : index
    %get3A_77 = arith.constant 0 : index
    %get3A_78 = vector.load %arg6[%get3A_76, %get3A_77] : memref<512x12xi32, #tpu.memory_space<vmem>>, vector<512x12xi32>
    %iota3A = tpu.iota {dimensions = array<i32: 1>} : vector<512x16xi32>
    %iota3A_79 = tpu.iota {dimensions = array<i32: 1>} : vector<512x256xi32>
    %slice3A = vector.extract_strided_slice %get3A_78 {offsets = [0, 0], sizes = [512, 1], strides = [1, 1]} : vector<512x12xi32> to vector<512x1xi32>
    %squeeze3A = vector.shape_cast %slice3A : vector<512x1xi32> to vector<512xi32>
    %mul3A_80 = arith.constant 16 : i32
    %mul3A_81 = vector.broadcast %mul3A_80 : i32 to vector<512xi32>
    %mul3A_82 = arith.muli %squeeze3A, %mul3A_81 : vector<512xi32>
    %slice3A_83 = vector.extract_strided_slice %get3A_78 {offsets = [0, 1], sizes = [512, 1], strides = [1, 1]} : vector<512x12xi32> to vector<512x1xi32>
    %squeeze3A_84 = vector.shape_cast %slice3A_83 : vector<512x1xi32> to vector<512xi32>
    %add3A_85 = arith.addi %mul3A_82, %squeeze3A_84 : vector<512xi32>
    %broadcast_in_dim3A_86 = vector.shape_cast %add3A_85 : vector<512xi32> to vector<512x1xi32>
    %eq3A = vector.broadcast %broadcast_in_dim3A_86 : vector<512x1xi32> to vector<512x256xi32>
    %eq3A_87 = arith.cmpi eq, %eq3A, %iota3A_79 : vector<512x256xi32>
    %convert_element_type3A_88 = arith.extui %eq3A_87 : vector<512x256xi1> to vector<512x256xi32>
    %convert_element_type3A_89 = arith.sitofp %convert_element_type3A_88 : vector<512x256xi32> to vector<512x256xf32>
    %dot_general3A_90 = arith.constant dense<0.000000e+00> : vector<512x768xf32>
    %dot_general3A_91 = tpu.matmul %convert_element_type3A_89, %reshape3A, %dot_general3A_90 {dimension_numbers = #tpu.dot_dimension_numbers<[1], [0], [0], [1], [0, 0, 1, 1], [], []>, transpose_lhs_hint = false} : vector<512x256xf32>, vector<256x768xf32>, vector<512x768xf32> -> vector<512x768xf32>
    %convert_element_type3A_92 = arith.truncf %dot_general3A_91 : vector<512x768xf32> to vector<512x768xbf16>
    %dot_general3A_93 = arith.constant dense<0.000000e+00> : vector<512x768xf32>
    %dot_general3A_94 = tpu.matmul %convert_element_type3A_92, %convert_element_type3A, %dot_general3A_93 {dimension_numbers = #tpu.dot_dimension_numbers<[1], [0], [0], [1], [0, 0, 1, 1], [], []>, transpose_lhs_hint = false} : vector<512x768xbf16>, vector<768x768xbf16>, vector<512x768xf32> -> vector<512x768xf32>
    %slice3A_95 = vector.extract_strided_slice %get3A_78 {offsets = [0, 2], sizes = [512, 1], strides = [1, 1]} : vector<512x12xi32> to vector<512x1xi32>
    %squeeze3A_96 = vector.shape_cast %slice3A_95 : vector<512x1xi32> to vector<512xi32>
    %broadcast_in_dim3A_97 = vector.shape_cast %squeeze3A_96 : vector<512xi32> to vector<512x1xi32>
    %eq3A_98 = vector.broadcast %broadcast_in_dim3A_97 : vector<512x1xi32> to vector<512x16xi32>
    %eq3A_99 = arith.cmpi eq, %eq3A_98, %iota3A : vector<512x16xi32>
    %convert_element_type3A_100 = arith.extui %eq3A_99 : vector<512x16xi1> to vector<512x16xi32>
    %convert_element_type3A_101 = arith.sitofp %convert_element_type3A_100 : vector<512x16xi32> to vector<512x16xf32>
    %dot_general3A_102 = arith.constant dense<0.000000e+00> : vector<512x768xf32>
    %dot_general3A_103 = tpu.matmul %convert_element_type3A_101, %add3A_61, %dot_general3A_102 {dimension_numbers = #tpu.dot_dimension_numbers<[1], [0], [0], [1], [0, 0, 1, 1], [], []>, transpose_lhs_hint = false} : vector<512x16xf32>, vector<16x768xf32>, vector<512x768xf32> -> vector<512x768xf32>
    %add3A_104 = arith.addf %dot_general3A_103, %dot_general3A_94 : vector<512x768xf32>
    %tanh3A_105 = math.tanh %add3A_104 : vector<512x768xf32>
    %convert_element_type3A_106 = arith.truncf %tanh3A_105 : vector<512x768xf32> to vector<512x768xbf16>
    %dot_general3A_107 = arith.constant dense<0.000000e+00> : vector<512x768xf32>
    %dot_general3A_108 = tpu.matmul %convert_element_type3A_106, %convert_element_type3A, %dot_general3A_107 {dimension_numbers = #tpu.dot_dimension_numbers<[1], [0], [0], [1], [0, 0, 1, 1], [], []>, transpose_lhs_hint = false} : vector<512x768xbf16>, vector<768x768xbf16>, vector<512x768xf32> -> vector<512x768xf32>
    %slice3A_109 = vector.extract_strided_slice %get3A_78 {offsets = [0, 3], sizes = [512, 1], strides = [1, 1]} : vector<512x12xi32> to vector<512x1xi32>
    %squeeze3A_110 = vector.shape_cast %slice3A_109 : vector<512x1xi32> to vector<512xi32>
    %broadcast_in_dim3A_111 = vector.shape_cast %squeeze3A_110 : vector<512xi32> to vector<512x1xi32>
    %eq3A_112 = vector.broadcast %broadcast_in_dim3A_111 : vector<512x1xi32> to vector<512x16xi32>
    %eq3A_113 = arith.cmpi eq, %eq3A_112, %iota3A : vector<512x16xi32>
    %convert_element_type3A_114 = arith.extui %eq3A_113 : vector<512x16xi1> to vector<512x16xi32>
    %convert_element_type3A_115 = arith.sitofp %convert_element_type3A_114 : vector<512x16xi32> to vector<512x16xf32>
    %dot_general3A_116 = arith.constant dense<0.000000e+00> : vector<512x768xf32>
    %dot_general3A_117 = tpu.matmul %convert_element_type3A_115, %add3A_61, %dot_general3A_116 {dimension_numbers = #tpu.dot_dimension_numbers<[1], [0], [0], [1], [0, 0, 1, 1], [], []>, transpose_lhs_hint = false} : vector<512x16xf32>, vector<16x768xf32>, vector<512x768xf32> -> vector<512x768xf32>
    %add3A_118 = arith.addf %dot_general3A_117, %dot_general3A_108 : vector<512x768xf32>
    %tanh3A_119 = math.tanh %add3A_118 : vector<512x768xf32>
    %convert_element_type3A_120 = arith.truncf %tanh3A_119 : vector<512x768xf32> to vector<512x768xbf16>
    %dot_general3A_121 = arith.constant dense<0.000000e+00> : vector<512x768xf32>
    %dot_general3A_122 = tpu.matmul %convert_element_type3A_120, %convert_element_type3A, %dot_general3A_121 {dimension_numbers = #tpu.dot_dimension_numbers<[1], [0], [0], [1], [0, 0, 1, 1], [], []>, transpose_lhs_hint = false} : vector<512x768xbf16>, vector<768x768xbf16>, vector<512x768xf32> -> vector<512x768xf32>
    %slice3A_123 = vector.extract_strided_slice %get3A_78 {offsets = [0, 4], sizes = [512, 1], strides = [1, 1]} : vector<512x12xi32> to vector<512x1xi32>
    %squeeze3A_124 = vector.shape_cast %slice3A_123 : vector<512x1xi32> to vector<512xi32>
    %broadcast_in_dim3A_125 = vector.shape_cast %squeeze3A_124 : vector<512xi32> to vector<512x1xi32>
    %eq3A_126 = vector.broadcast %broadcast_in_dim3A_125 : vector<512x1xi32> to vector<512x16xi32>
    %eq3A_127 = arith.cmpi eq, %eq3A_126, %iota3A : vector<512x16xi32>
    %convert_element_type3A_128 = arith.extui %eq3A_127 : vector<512x16xi1> to vector<512x16xi32>
    %convert_element_type3A_129 = arith.sitofp %convert_element_type3A_128 : vector<512x16xi32> to vector<512x16xf32>
    %dot_general3A_130 = arith.constant dense<0.000000e+00> : vector<512x768xf32>
    %dot_general3A_131 = tpu.matmul %convert_element_type3A_129, %add3A_61, %dot_general3A_130 {dimension_numbers = #tpu.dot_dimension_numbers<[1], [0], [0], [1], [0, 0, 1, 1], [], []>, transpose_lhs_hint = false} : vector<512x16xf32>, vector<16x768xf32>, vector<512x768xf32> -> vector<512x768xf32>
    %add3A_132 = arith.addf %dot_general3A_131, %dot_general3A_122 : vector<512x768xf32>
    %tanh3A_133 = math.tanh %add3A_132 : vector<512x768xf32>
    %convert_element_type3A_134 = arith.truncf %tanh3A_133 : vector<512x768xf32> to vector<512x768xbf16>
    %dot_general3A_135 = arith.constant dense<0.000000e+00> : vector<512x768xf32>
    %dot_general3A_136 = tpu.matmul %convert_element_type3A_134, %convert_element_type3A, %dot_general3A_135 {dimension_numbers = #tpu.dot_dimension_numbers<[1], [0], [0], [1], [0, 0, 1, 1], [], []>, transpose_lhs_hint = false} : vector<512x768xbf16>, vector<768x768xbf16>, vector<512x768xf32> -> vector<512x768xf32>
    %slice3A_137 = vector.extract_strided_slice %get3A_78 {offsets = [0, 5], sizes = [512, 1], strides = [1, 1]} : vector<512x12xi32> to vector<512x1xi32>
    %squeeze3A_138 = vector.shape_cast %slice3A_137 : vector<512x1xi32> to vector<512xi32>
    %broadcast_in_dim3A_139 = vector.shape_cast %squeeze3A_138 : vector<512xi32> to vector<512x1xi32>
    %eq3A_140 = vector.broadcast %broadcast_in_dim3A_139 : vector<512x1xi32> to vector<512x16xi32>
    %eq3A_141 = arith.cmpi eq, %eq3A_140, %iota3A : vector<512x16xi32>
    %convert_element_type3A_142 = arith.extui %eq3A_141 : vector<512x16xi1> to vector<512x16xi32>
    %convert_element_type3A_143 = arith.sitofp %convert_element_type3A_142 : vector<512x16xi32> to vector<512x16xf32>
    %dot_general3A_144 = arith.constant dense<0.000000e+00> : vector<512x768xf32>
    %dot_general3A_145 = tpu.matmul %convert_element_type3A_143, %add3A_61, %dot_general3A_144 {dimension_numbers = #tpu.dot_dimension_numbers<[1], [0], [0], [1], [0, 0, 1, 1], [], []>, transpose_lhs_hint = false} : vector<512x16xf32>, vector<16x768xf32>, vector<512x768xf32> -> vector<512x768xf32>
    %add3A_146 = arith.addf %dot_general3A_145, %dot_general3A_136 : vector<512x768xf32>
    %tanh3A_147 = math.tanh %add3A_146 : vector<512x768xf32>
    %convert_element_type3A_148 = arith.truncf %tanh3A_147 : vector<512x768xf32> to vector<512x768xbf16>
    %dot_general3A_149 = arith.constant dense<0.000000e+00> : vector<512x768xf32>
    %dot_general3A_150 = tpu.matmul %convert_element_type3A_148, %convert_element_type3A, %dot_general3A_149 {dimension_numbers = #tpu.dot_dimension_numbers<[1], [0], [0], [1], [0, 0, 1, 1], [], []>, transpose_lhs_hint = false} : vector<512x768xbf16>, vector<768x768xbf16>, vector<512x768xf32> -> vector<512x768xf32>
    %slice3A_151 = vector.extract_strided_slice %get3A_78 {offsets = [0, 6], sizes = [512, 1], strides = [1, 1]} : vector<512x12xi32> to vector<512x1xi32>
    %squeeze3A_152 = vector.shape_cast %slice3A_151 : vector<512x1xi32> to vector<512xi32>
    %broadcast_in_dim3A_153 = vector.shape_cast %squeeze3A_152 : vector<512xi32> to vector<512x1xi32>
    %eq3A_154 = vector.broadcast %broadcast_in_dim3A_153 : vector<512x1xi32> to vector<512x16xi32>
    %eq3A_155 = arith.cmpi eq, %eq3A_154, %iota3A : vector<512x16xi32>
    %convert_element_type3A_156 = arith.extui %eq3A_155 : vector<512x16xi1> to vector<512x16xi32>
    %convert_element_type3A_157 = arith.sitofp %convert_element_type3A_156 : vector<512x16xi32> to vector<512x16xf32>
    %dot_general3A_158 = arith.constant dense<0.000000e+00> : vector<512x768xf32>
    %dot_general3A_159 = tpu.matmul %convert_element_type3A_157, %add3A_61, %dot_general3A_158 {dimension_numbers = #tpu.dot_dimension_numbers<[1], [0], [0], [1], [0, 0, 1, 1], [], []>, transpose_lhs_hint = false} : vector<512x16xf32>, vector<16x768xf32>, vector<512x768xf32> -> vector<512x768xf32>
    %add3A_160 = arith.addf %dot_general3A_159, %dot_general3A_150 : vector<512x768xf32>
    %tanh3A_161 = math.tanh %add3A_160 : vector<512x768xf32>
    %convert_element_type3A_162 = arith.truncf %tanh3A_161 : vector<512x768xf32> to vector<512x768xbf16>
    %dot_general3A_163 = arith.constant dense<0.000000e+00> : vector<512x768xf32>
    %dot_general3A_164 = tpu.matmul %convert_element_type3A_162, %convert_element_type3A, %dot_general3A_163 {dimension_numbers = #tpu.dot_dimension_numbers<[1], [0], [0], [1], [0, 0, 1, 1], [], []>, transpose_lhs_hint = false} : vector<512x768xbf16>, vector<768x768xbf16>, vector<512x768xf32> -> vector<512x768xf32>
    %slice3A_165 = vector.extract_strided_slice %get3A_78 {offsets = [0, 7], sizes = [512, 1], strides = [1, 1]} : vector<512x12xi32> to vector<512x1xi32>
    %squeeze3A_166 = vector.shape_cast %slice3A_165 : vector<512x1xi32> to vector<512xi32>
    %broadcast_in_dim3A_167 = vector.shape_cast %squeeze3A_166 : vector<512xi32> to vector<512x1xi32>
    %eq3A_168 = vector.broadcast %broadcast_in_dim3A_167 : vector<512x1xi32> to vector<512x16xi32>
    %eq3A_169 = arith.cmpi eq, %eq3A_168, %iota3A : vector<512x16xi32>
    %convert_element_type3A_170 = arith.extui %eq3A_169 : vector<512x16xi1> to vector<512x16xi32>
    %convert_element_type3A_171 = arith.sitofp %convert_element_type3A_170 : vector<512x16xi32> to vector<512x16xf32>
    %dot_general3A_172 = arith.constant dense<0.000000e+00> : vector<512x768xf32>
    %dot_general3A_173 = tpu.matmul %convert_element_type3A_171, %add3A_61, %dot_general3A_172 {dimension_numbers = #tpu.dot_dimension_numbers<[1], [0], [0], [1], [0, 0, 1, 1], [], []>, transpose_lhs_hint = false} : vector<512x16xf32>, vector<16x768xf32>, vector<512x768xf32> -> vector<512x768xf32>
    %add3A_174 = arith.addf %dot_general3A_173, %dot_general3A_164 : vector<512x768xf32>
    %tanh3A_175 = math.tanh %add3A_174 : vector<512x768xf32>
    %convert_element_type3A_176 = arith.truncf %tanh3A_175 : vector<512x768xf32> to vector<512x768xbf16>
    %dot_general3A_177 = arith.constant dense<0.000000e+00> : vector<512x768xf32>
    %dot_general3A_178 = tpu.matmul %convert_element_type3A_176, %convert_element_type3A, %dot_general3A_177 {dimension_numbers = #tpu.dot_dimension_numbers<[1], [0], [0], [1], [0, 0, 1, 1], [], []>, transpose_lhs_hint = false} : vector<512x768xbf16>, vector<768x768xbf16>, vector<512x768xf32> -> vector<512x768xf32>
    %slice3A_179 = vector.extract_strided_slice %get3A_78 {offsets = [0, 8], sizes = [512, 1], strides = [1, 1]} : vector<512x12xi32> to vector<512x1xi32>
    %squeeze3A_180 = vector.shape_cast %slice3A_179 : vector<512x1xi32> to vector<512xi32>
    %broadcast_in_dim3A_181 = vector.shape_cast %squeeze3A_180 : vector<512xi32> to vector<512x1xi32>
    %eq3A_182 = vector.broadcast %broadcast_in_dim3A_181 : vector<512x1xi32> to vector<512x16xi32>
    %eq3A_183 = arith.cmpi eq, %eq3A_182, %iota3A : vector<512x16xi32>
    %convert_element_type3A_184 = arith.extui %eq3A_183 : vector<512x16xi1> to vector<512x16xi32>
    %convert_element_type3A_185 = arith.sitofp %convert_element_type3A_184 : vector<512x16xi32> to vector<512x16xf32>
    %dot_general3A_186 = arith.constant dense<0.000000e+00> : vector<512x768xf32>
    %dot_general3A_187 = tpu.matmul %convert_element_type3A_185, %add3A_61, %dot_general3A_186 {dimension_numbers = #tpu.dot_dimension_numbers<[1], [0], [0], [1], [0, 0, 1, 1], [], []>, transpose_lhs_hint = false} : vector<512x16xf32>, vector<16x768xf32>, vector<512x768xf32> -> vector<512x768xf32>
    %add3A_188 = arith.addf %dot_general3A_187, %dot_general3A_178 : vector<512x768xf32>
    %tanh3A_189 = math.tanh %add3A_188 : vector<512x768xf32>
    %convert_element_type3A_190 = arith.truncf %tanh3A_189 : vector<512x768xf32> to vector<512x768xbf16>
    %dot_general3A_191 = arith.constant dense<0.000000e+00> : vector<512x768xf32>
    %dot_general3A_192 = tpu.matmul %convert_element_type3A_190, %convert_element_type3A, %dot_general3A_191 {dimension_numbers = #tpu.dot_dimension_numbers<[1], [0], [0], [1], [0, 0, 1, 1], [], []>, transpose_lhs_hint = false} : vector<512x768xbf16>, vector<768x768xbf16>, vector<512x768xf32> -> vector<512x768xf32>
    %slice3A_193 = vector.extract_strided_slice %get3A_78 {offsets = [0, 9], sizes = [512, 1], strides = [1, 1]} : vector<512x12xi32> to vector<512x1xi32>
    %squeeze3A_194 = vector.shape_cast %slice3A_193 : vector<512x1xi32> to vector<512xi32>
    %broadcast_in_dim3A_195 = vector.shape_cast %squeeze3A_194 : vector<512xi32> to vector<512x1xi32>
    %eq3A_196 = vector.broadcast %broadcast_in_dim3A_195 : vector<512x1xi32> to vector<512x16xi32>
    %eq3A_197 = arith.cmpi eq, %eq3A_196, %iota3A : vector<512x16xi32>
    %convert_element_type3A_198 = arith.extui %eq3A_197 : vector<512x16xi1> to vector<512x16xi32>
    %convert_element_type3A_199 = arith.sitofp %convert_element_type3A_198 : vector<512x16xi32> to vector<512x16xf32>
    %dot_general3A_200 = arith.constant dense<0.000000e+00> : vector<512x768xf32>
    %dot_general3A_201 = tpu.matmul %convert_element_type3A_199, %add3A_61, %dot_general3A_200 {dimension_numbers = #tpu.dot_dimension_numbers<[1], [0], [0], [1], [0, 0, 1, 1], [], []>, transpose_lhs_hint = false} : vector<512x16xf32>, vector<16x768xf32>, vector<512x768xf32> -> vector<512x768xf32>
    %add3A_202 = arith.addf %dot_general3A_201, %dot_general3A_192 : vector<512x768xf32>
    %tanh3A_203 = math.tanh %add3A_202 : vector<512x768xf32>
    %convert_element_type3A_204 = arith.truncf %tanh3A_203 : vector<512x768xf32> to vector<512x768xbf16>
    %dot_general3A_205 = arith.constant dense<0.000000e+00> : vector<512x768xf32>
    %dot_general3A_206 = tpu.matmul %convert_element_type3A_204, %convert_element_type3A, %dot_general3A_205 {dimension_numbers = #tpu.dot_dimension_numbers<[1], [0], [0], [1], [0, 0, 1, 1], [], []>, transpose_lhs_hint = false} : vector<512x768xbf16>, vector<768x768xbf16>, vector<512x768xf32> -> vector<512x768xf32>
    %slice3A_207 = vector.extract_strided_slice %get3A_78 {offsets = [0, 10], sizes = [512, 1], strides = [1, 1]} : vector<512x12xi32> to vector<512x1xi32>
    %squeeze3A_208 = vector.shape_cast %slice3A_207 : vector<512x1xi32> to vector<512xi32>
    %broadcast_in_dim3A_209 = vector.shape_cast %squeeze3A_208 : vector<512xi32> to vector<512x1xi32>
    %eq3A_210 = vector.broadcast %broadcast_in_dim3A_209 : vector<512x1xi32> to vector<512x16xi32>
    %eq3A_211 = arith.cmpi eq, %eq3A_210, %iota3A : vector<512x16xi32>
    %convert_element_type3A_212 = arith.extui %eq3A_211 : vector<512x16xi1> to vector<512x16xi32>
    %convert_element_type3A_213 = arith.sitofp %convert_element_type3A_212 : vector<512x16xi32> to vector<512x16xf32>
    %dot_general3A_214 = arith.constant dense<0.000000e+00> : vector<512x768xf32>
    %dot_general3A_215 = tpu.matmul %convert_element_type3A_213, %add3A_61, %dot_general3A_214 {dimension_numbers = #tpu.dot_dimension_numbers<[1], [0], [0], [1], [0, 0, 1, 1], [], []>, transpose_lhs_hint = false} : vector<512x16xf32>, vector<16x768xf32>, vector<512x768xf32> -> vector<512x768xf32>
    %add3A_216 = arith.addf %dot_general3A_215, %dot_general3A_206 : vector<512x768xf32>
    %tanh3A_217 = math.tanh %add3A_216 : vector<512x768xf32>
    %convert_element_type3A_218 = arith.truncf %tanh3A_217 : vector<512x768xf32> to vector<512x768xbf16>
    %dot_general3A_219 = arith.constant dense<0.000000e+00> : vector<512x768xf32>
    %dot_general3A_220 = tpu.matmul %convert_element_type3A_218, %convert_element_type3A, %dot_general3A_219 {dimension_numbers = #tpu.dot_dimension_numbers<[1], [0], [0], [1], [0, 0, 1, 1], [], []>, transpose_lhs_hint = false} : vector<512x768xbf16>, vector<768x768xbf16>, vector<512x768xf32> -> vector<512x768xf32>
    %slice3A_221 = vector.extract_strided_slice %get3A_78 {offsets = [0, 11], sizes = [512, 1], strides = [1, 1]} : vector<512x12xi32> to vector<512x1xi32>
    %squeeze3A_222 = vector.shape_cast %slice3A_221 : vector<512x1xi32> to vector<512xi32>
    %broadcast_in_dim3A_223 = vector.shape_cast %squeeze3A_222 : vector<512xi32> to vector<512x1xi32>
    %eq3A_224 = vector.broadcast %broadcast_in_dim3A_223 : vector<512x1xi32> to vector<512x16xi32>
    %eq3A_225 = arith.cmpi eq, %eq3A_224, %iota3A : vector<512x16xi32>
    %convert_element_type3A_226 = arith.extui %eq3A_225 : vector<512x16xi1> to vector<512x16xi32>
    %convert_element_type3A_227 = arith.sitofp %convert_element_type3A_226 : vector<512x16xi32> to vector<512x16xf32>
    %dot_general3A_228 = arith.constant dense<0.000000e+00> : vector<512x768xf32>
    %dot_general3A_229 = tpu.matmul %convert_element_type3A_227, %add3A_61, %dot_general3A_228 {dimension_numbers = #tpu.dot_dimension_numbers<[1], [0], [0], [1], [0, 0, 1, 1], [], []>, transpose_lhs_hint = false} : vector<512x16xf32>, vector<16x768xf32>, vector<512x768xf32> -> vector<512x768xf32>
    %add3A_230 = arith.addf %dot_general3A_229, %dot_general3A_220 : vector<512x768xf32>
    %tanh3A_231 = math.tanh %add3A_230 : vector<512x768xf32>
    %get3A_232 = arith.constant 0 : index
    %get3A_233 = arith.constant 0 : index
    %get3A_234 = vector.load %arg7[%get3A_232, %get3A_233] : memref<512x1xf32, #tpu.memory_space<vmem>>, vector<512x1xf32>
    %mul3A_235 = vector.broadcast %get3A_234 : vector<512x1xf32> to vector<512x768xf32>
    %mul3A_236 = arith.mulf %tanh3A_231, %mul3A_235 : vector<512x768xf32>
    %add3A_237 = arith.addf %add3A_40, %mul3A_236 : vector<512x768xf32>
    %swap3A = arith.constant 0 : index
    %swap3A_238 = arith.constant 0 : index
    %swap3A_239 = vector.load %arg13[%swap3A, %swap3A_238] : memref<512x768xf32, #tpu.memory_space<vmem>>, vector<512x768xf32>
    tpu.vector_store %arg13[%swap3A, %swap3A_238], %add3A_237 {strides = array<i32>} : memref<512x768xf32, #tpu.memory_space<vmem>>, vector<512x768xf32>,
    return
  }
  func.func @transform_0(%arg0: i32) -> (i32, i32) {
    %c0_i32 = arith.constant 0 : i32
    %c0_i32_0 = arith.constant 0 : i32
    return %arg0, %c0_i32 : i32, i32
  }
  func.func @transform_1(%arg0: i32) -> (i32, i32) {
    %add3A = arith.constant 0 : i32
    %add3A_0 = arith.addi %add3A, %arg0 : i32
    %jit3A = arith.constant 4 : i32
    %eq3A = arith.constant 0 : i32
    %eq3A_1 = arith.cmpi eq, %jit3A, %eq3A : i32
    %jit3A_2 = arith.constant 1 : i32
    %select_n3A = arith.select %eq3A_1, %jit3A_2, %jit3A : i32
    %rem3A = arith.remsi %add3A_0, %select_n3A : i32
    %ne3A = arith.constant 0 : i32
    %ne3A_3 = arith.cmpi ne, %rem3A, %ne3A : i32
    %lt3A = arith.constant 0 : i32
    %lt3A_4 = arith.cmpi slt, %rem3A, %lt3A : i32
    %lt3A_5 = arith.constant 0 : i32
    %lt3A_6 = arith.cmpi slt, %select_n3A, %lt3A_5 : i32
    %ne3A_7 = arith.xori %lt3A_4, %lt3A_6 : i1
    %and3A = arith.andi %ne3A_7, %ne3A_3 : i1
    %add3A_8 = arith.addi %rem3A, %select_n3A : i32
    %select_n3A_9 = arith.select %and3A, %add3A_8, %rem3A : i32
    %c0_i32 = arith.constant 0 : i32
    %c0_i32_10 = arith.constant 0 : i32
    return %select_n3A_9, %c0_i32 : i32, i32
  }
  func.func @transform_2(%arg0: i32) -> (i32, i32) {
    %c0_i32 = arith.constant 0 : i32
    %c0_i32_0 = arith.constant 0 : i32
    %c0_i32_1 = arith.constant 0 : i32
    return %c0_i32, %c0_i32_0 : i32, i32
  }
  func.func @transform_3(%arg0: i32) -> (i32, i32) {
    %c0_i32 = arith.constant 0 : i32
    %c0_i32_0 = arith.constant 0 : i32
    %c0_i32_1 = arith.constant 0 : i32
    return %c0_i32, %c0_i32_0 : i32, i32
  }
  func.func @transform_4(%arg0: i32) -> (i32, i32) {
    %c0_i32 = arith.constant 0 : i32
    %c0_i32_0 = arith.constant 0 : i32
    %c0_i32_1 = arith.constant 0 : i32
    return %c0_i32, %c0_i32_0 : i32, i32
  }
  func.func @transform_5(%arg0: i32) -> (i32, i32) {
    %add3A = arith.constant 0 : i32
    %add3A_0 = arith.addi %add3A, %arg0 : i32
    %c0_i32 = arith.constant 0 : i32
    %c0_i32_1 = arith.constant 0 : i32
    return %add3A_0, %c0_i32 : i32, i32
  }
  func.func @transform_6(%arg0: i32) -> (i32, i32) {
    %add3A = arith.constant 0 : i32
    %add3A_0 = arith.addi %add3A, %arg0 : i32
    %c0_i32 = arith.constant 0 : i32
    %c0_i32_1 = arith.constant 0 : i32
    return %add3A_0, %c0_i32 : i32, i32
  }
  func.func @transform_7(%arg0: i32) -> (i32, i32) {
    %c0_i32 = arith.constant 0 : i32
    %c0_i32_0 = arith.constant 0 : i32
    %c0_i32_1 = arith.constant 0 : i32
    return %c0_i32, %c0_i32_0 : i32, i32
  }
  func.func @transform_8(%arg0: i32) -> (i32, i32) {
    %c0_i32 = arith.constant 0 : i32
    %c0_i32_0 = arith.constant 0 : i32
    %c0_i32_1 = arith.constant 0 : i32
    return %c0_i32, %c0_i32_0 : i32, i32
  }
  func.func @transform_9(%arg0: i32) -> (i32, i32) {
    %c0_i32 = arith.constant 0 : i32
    %c0_i32_0 = arith.constant 0 : i32
    %c0_i32_1 = arith.constant 0 : i32
    return %c0_i32, %c0_i32_0 : i32, i32
  }
  func.func @transform_10(%arg0: i32) -> (i32, i32) {
    %c0_i32 = arith.constant 0 : i32
    %c0_i32_0 = arith.constant 0 : i32
    %c0_i32_1 = arith.constant 0 : i32
    return %c0_i32, %c0_i32_0 : i32, i32
  }
  func.func @transform_11(%arg0: i32) -> (i32, i32) {
    %c0_i32 = arith.constant 0 : i32
    %c0_i32_0 = arith.constant 0 : i32
    %c0_i32_1 = arith.constant 0 : i32
    return %c0_i32, %c0_i32_0 : i32, i32
  }
  func.func @transform_12(%arg0: i32) -> (i32, i32) {
    %add3A = arith.constant 0 : i32
    %add3A_0 = arith.addi %add3A, %arg0 : i32
    %c0_i32 = arith.constant 0 : i32
    %c0_i32_1 = arith.constant 0 : i32
    return %add3A_0, %c0_i32 : i32, i32
  }
}

module attributes {stable_mosaic.version = 14 : i64} {
  func.func @_tc_body(%arg0: i32, %arg1: memref<512x768xf32, #tpu.memory_space<vmem>>, %arg2: memref<512x768xf32, #tpu.memory_space<vmem>>, %arg3: memref<2x768xf32, #tpu.memory_space<vmem>>, %arg4: memref<1x768xf32, #tpu.memory_space<vmem>>, %arg5: memref<1x768xf32, #tpu.memory_space<vmem>>, %arg6: memref<512x12xi32, #tpu.memory_space<vmem>>, %arg7: memref<512x1xf32, #tpu.memory_space<vmem>>, %arg8: memref<16x32xf32, #tpu.memory_space<vmem>>, %arg9: memref<32x768xf32, #tpu.memory_space<vmem>>, %arg10: memref<768x768xf32, #tpu.memory_space<vmem>>, %arg11: memref<1x768xf32, #tpu.memory_space<vmem>>, %arg12: memref<1x768xf32, #tpu.memory_space<vmem>>, %arg13: memref<8192x768xf32, #tpu.memory_space<any>>, %arg14: memref<512x768xf32, #tpu.memory_space<vmem>>) attributes {dimension_semantics = [#tpu.dimension_semantics<arbitrary>], iteration_bounds = array<i64: 4>, scalar_prefetch = 0 : i64, scratch_operands = 0 : i64, tpu.core_type = #tpu.core_type<tc>, window_params = [{transform_indices = @transform_0, window_bounds = array<i64: 512, 768>}, {transform_indices = @transform_1, window_bounds = array<i64: 512, 768>}, {pipeline_mode = #tpu.pipeline_mode<synchronous>, transform_indices = @transform_2, window_bounds = array<i64: 2, 768>}, {pipeline_mode = #tpu.pipeline_mode<synchronous>, transform_indices = @transform_3, window_bounds = array<i64: 1, 768>}, {pipeline_mode = #tpu.pipeline_mode<synchronous>, transform_indices = @transform_4, window_bounds = array<i64: 1, 768>}, {transform_indices = @transform_5, window_bounds = array<i64: 512, 12>}, {transform_indices = @transform_6, window_bounds = array<i64: 512, 1>}, {pipeline_mode = #tpu.pipeline_mode<synchronous>, transform_indices = @transform_7, window_bounds = array<i64: 16, 32>}, {pipeline_mode = #tpu.pipeline_mode<synchronous>, transform_indices = @transform_8, window_bounds = array<i64: 32, 768>}, {pipeline_mode = #tpu.pipeline_mode<synchronous>, transform_indices = @transform_9, window_bounds = array<i64: 768, 768>}, {pipeline_mode = #tpu.pipeline_mode<synchronous>, transform_indices = @transform_10, window_bounds = array<i64: 1, 768>}, {pipeline_mode = #tpu.pipeline_mode<synchronous>, transform_indices = @transform_11, window_bounds = array<i64: 1, 768>}, {}, {transform_indices = @transform_13, window_bounds = array<i64: 512, 768>}]} {
    %get3A = arith.constant 0 : index
    %get3A_0 = arith.constant 0 : index
    %get3A_1 = vector.load %arg1[%get3A, %get3A_0] : memref<512x768xf32, #tpu.memory_space<vmem>>, vector<512x768xf32>
    %get3A_2 = arith.constant 0 : index
    %get3A_3 = arith.constant 0 : index
    %get3A_4 = vector.load %arg2[%get3A_2, %get3A_3] : memref<512x768xf32, #tpu.memory_space<vmem>>, vector<512x768xf32>
    %add3A = arith.addf %get3A_1, %get3A_4 : vector<512x768xf32>
    %get3A_5 = arith.constant 0 : index
    %get3A_6 = arith.constant 0 : index
    %get3A_7 = vector.load %arg3[%get3A_5, %get3A_6] : memref<2x768xf32, #tpu.memory_space<vmem>>, vector<1x768xf32>
    %get3A_8 = vector.shape_cast %get3A_7 : vector<1x768xf32> to vector<768xf32>
    %broadcast_in_dim3A = vector.shape_cast %get3A_8 : vector<768xf32> to vector<1x768xf32>
    %add3A_9 = vector.broadcast %broadcast_in_dim3A : vector<1x768xf32> to vector<512x768xf32>
    %add3A_10 = arith.addf %add3A, %add3A_9 : vector<512x768xf32>
    %reduce_sum3A = arith.constant dense<0.000000e+00> : vector<512xf32>
    %reduce_sum3A_11 = vector.multi_reduction <add>, %add3A_10, %reduce_sum3A [1] : vector<512x768xf32> to vector<512xf32>
    %broadcast_in_dim3A_12 = vector.shape_cast %reduce_sum3A_11 : vector<512xf32> to vector<512x1xf32>
    %div3A = arith.constant 7.680000e+02 : f32
    %div3A_13 = vector.broadcast %div3A : f32 to vector<512x1xf32>
    %div3A_14 = arith.divf %broadcast_in_dim3A_12, %div3A_13 : vector<512x1xf32>
    %sub3A = vector.broadcast %div3A_14 : vector<512x1xf32> to vector<512x768xf32>
    %sub3A_15 = arith.subf %add3A_10, %sub3A : vector<512x768xf32>
    %mul3A = arith.mulf %sub3A_15, %sub3A_15 : vector<512x768xf32>
    %reduce_sum3A_16 = arith.constant dense<0.000000e+00> : vector<512xf32>
    %reduce_sum3A_17 = vector.multi_reduction <add>, %mul3A, %reduce_sum3A_16 [1] : vector<512x768xf32> to vector<512xf32>
    %broadcast_in_dim3A_18 = vector.shape_cast %reduce_sum3A_17 : vector<512xf32> to vector<512x1xf32>
    %div3A_19 = arith.constant 7.680000e+02 : f32
    %div3A_20 = vector.broadcast %div3A_19 : f32 to vector<512x1xf32>
    %div3A_21 = arith.divf %broadcast_in_dim3A_18, %div3A_20 : vector<512x1xf32>
    %add3A_22 = arith.constant 9.99999996E-13 : f32
    %add3A_23 = vector.broadcast %add3A_22 : f32 to vector<512x1xf32>
    %add3A_24 = arith.addf %div3A_21, %add3A_23 : vector<512x1xf32>
    %rsqrt3A = math.rsqrt %add3A_24 : vector<512x1xf32>
    %mul3A_25 = vector.broadcast %rsqrt3A : vector<512x1xf32> to vector<512x768xf32>
    %mul3A_26 = arith.mulf %sub3A_15, %mul3A_25 : vector<512x768xf32>
    %get3A_27 = arith.constant 0 : index
    %get3A_28 = arith.constant 0 : index
    %get3A_29 = vector.load %arg4[%get3A_27, %get3A_28] : memref<1x768xf32, #tpu.memory_space<vmem>>, vector<1x768xf32>
    %get3A_30 = vector.shape_cast %get3A_29 : vector<1x768xf32> to vector<768xf32>
    %broadcast_in_dim3A_31 = vector.shape_cast %get3A_30 : vector<768xf32> to vector<1x768xf32>
    %mul3A_32 = vector.broadcast %broadcast_in_dim3A_31 : vector<1x768xf32> to vector<512x768xf32>
    %mul3A_33 = arith.mulf %mul3A_26, %mul3A_32 : vector<512x768xf32>
    %get3A_34 = arith.constant 0 : index
    %get3A_35 = arith.constant 0 : index
    %get3A_36 = vector.load %arg5[%get3A_34, %get3A_35] : memref<1x768xf32, #tpu.memory_space<vmem>>, vector<1x768xf32>
    %get3A_37 = vector.shape_cast %get3A_36 : vector<1x768xf32> to vector<768xf32>
    %broadcast_in_dim3A_38 = vector.shape_cast %get3A_37 : vector<768xf32> to vector<1x768xf32>
    %add3A_39 = vector.broadcast %broadcast_in_dim3A_38 : vector<1x768xf32> to vector<512x768xf32>
    %add3A_40 = arith.addf %mul3A_33, %add3A_39 : vector<512x768xf32>
    %get3A_41 = arith.constant 0 : index
    %get3A_42 = arith.constant 0 : index
    %get3A_43 = vector.load %arg8[%get3A_41, %get3A_42] : memref<16x32xf32, #tpu.memory_space<vmem>>, vector<16x32xf32>
    %get3A_44 = arith.constant 0 : index
    %get3A_45 = arith.constant 0 : index
    %get3A_46 = vector.load %arg9[%get3A_44, %get3A_45] : memref<32x768xf32, #tpu.memory_space<vmem>>, vector<32x768xf32>
    %dot_general3A = arith.constant dense<0.000000e+00> : vector<16x768xf32>
    %dot_general3A_47 = tpu.matmul %get3A_43, %get3A_46, %dot_general3A {dimension_numbers = #tpu.dot_dimension_numbers<[1], [0], [0], [1], [0, 0, 1, 1], [], []>, transpose_lhs_hint = false} : vector<16x32xf32>, vector<32x768xf32>, vector<16x768xf32> -> vector<16x768xf32>
    %get3A_48 = arith.constant 0 : index
    %get3A_49 = arith.constant 0 : index
    %get3A_50 = vector.load %arg11[%get3A_48, %get3A_49] : memref<1x768xf32, #tpu.memory_space<vmem>>, vector<1x768xf32>
    %get3A_51 = vector.shape_cast %get3A_50 : vector<1x768xf32> to vector<768xf32>
    %broadcast_in_dim3A_52 = vector.shape_cast %get3A_51 : vector<768xf32> to vector<1x768xf32>
    %add3A_53 = vector.broadcast %broadcast_in_dim3A_52 : vector<1x768xf32> to vector<16x768xf32>
    %add3A_54 = arith.addf %dot_general3A_47, %add3A_53 : vector<16x768xf32>
    %get3A_55 = arith.constant 0 : index
    %get3A_56 = arith.constant 0 : index
    %get3A_57 = vector.load %arg12[%get3A_55, %get3A_56] : memref<1x768xf32, #tpu.memory_space<vmem>>, vector<1x768xf32>
    %get3A_58 = vector.shape_cast %get3A_57 : vector<1x768xf32> to vector<768xf32>
    %broadcast_in_dim3A_59 = vector.shape_cast %get3A_58 : vector<768xf32> to vector<1x768xf32>
    %add3A_60 = vector.broadcast %broadcast_in_dim3A_59 : vector<1x768xf32> to vector<16x768xf32>
    %add3A_61 = arith.addf %add3A_54, %add3A_60 : vector<16x768xf32>
    %get3A_62 = arith.constant 0 : index
    %get3A_63 = arith.constant 0 : index
    %get3A_64 = vector.load %arg10[%get3A_62, %get3A_63] : memref<768x768xf32, #tpu.memory_space<vmem>>, vector<768x768xf32>
    %convert_element_type3A = arith.truncf %get3A_64 : vector<768x768xf32> to vector<768x768xbf16>
    %tanh3A = math.tanh %add3A_61 : vector<16x768xf32>
    %get3A_65 = arith.constant 0 : index
    %get3A_66 = arith.constant 0 : index
    %get3A_67 = vector.load %arg10[%get3A_65, %get3A_66] : memref<768x768xf32, #tpu.memory_space<vmem>>, vector<768x768xf32>
    %dot_general3A_68 = arith.constant dense<0.000000e+00> : vector<16x768xf32>
    %dot_general3A_69 = tpu.matmul %tanh3A, %get3A_67, %dot_general3A_68 {dimension_numbers = #tpu.dot_dimension_numbers<[1], [0], [0], [1], [0, 0, 1, 1], [], []>, transpose_lhs_hint = false} : vector<16x768xf32>, vector<768x768xf32>, vector<16x768xf32> -> vector<16x768xf32>
    %broadcast_in_dim3A_70 = vector.shape_cast %dot_general3A_69 : vector<16x768xf32> to vector<16x1x768xf32>
    %broadcast_in_dim3A_71 = vector.shape_cast %add3A_61 : vector<16x768xf32> to vector<1x16x768xf32>
    %add3A_72 = vector.broadcast %broadcast_in_dim3A_70 : vector<16x1x768xf32> to vector<16x16x768xf32>
    %add3A_73 = vector.broadcast %broadcast_in_dim3A_71 : vector<1x16x768xf32> to vector<16x16x768xf32>
    %add3A_74 = arith.addf %add3A_72, %add3A_73 : vector<16x16x768xf32>
    %tanh3A_75 = math.tanh %add3A_74 : vector<16x16x768xf32>
    %reshape3A = vector.shape_cast %tanh3A_75 : vector<16x16x768xf32> to vector<256x768xf32>
    %get3A_76 = arith.constant 0 : index
    %get3A_77 = arith.constant 0 : index
    %get3A_78 = vector.load %arg6[%get3A_76, %get3A_77] : memref<512x12xi32, #tpu.memory_space<vmem>>, vector<512x12xi32>
    %iota3A = tpu.iota {dimensions = array<i32: 1>} : vector<512x16xi32>
    %iota3A_79 = tpu.iota {dimensions = array<i32: 1>} : vector<512x256xi32>
    %slice3A = vector.extract_strided_slice %get3A_78 {offsets = [0, 0], sizes = [512, 1], strides = [1, 1]} : vector<512x12xi32> to vector<512x1xi32>
    %squeeze3A = vector.shape_cast %slice3A : vector<512x1xi32> to vector<512xi32>
    %mul3A_80 = arith.constant 16 : i32
    %mul3A_81 = vector.broadcast %mul3A_80 : i32 to vector<512xi32>
    %mul3A_82 = arith.muli %squeeze3A, %mul3A_81 : vector<512xi32>
    %slice3A_83 = vector.extract_strided_slice %get3A_78 {offsets = [0, 1], sizes = [512, 1], strides = [1, 1]} : vector<512x12xi32> to vector<512x1xi32>
    %squeeze3A_84 = vector.shape_cast %slice3A_83 : vector<512x1xi32> to vector<512xi32>
    %add3A_85 = arith.addi %mul3A_82, %squeeze3A_84 : vector<512xi32>
    %broadcast_in_dim3A_86 = vector.shape_cast %add3A_85 : vector<512xi32> to vector<512x1xi32>
    %eq3A = vector.broadcast %broadcast_in_dim3A_86 : vector<512x1xi32> to vector<512x256xi32>
    %eq3A_87 = arith.cmpi eq, %eq3A, %iota3A_79 : vector<512x256xi32>
    %convert_element_type3A_88 = arith.extui %eq3A_87 : vector<512x256xi1> to vector<512x256xi32>
    %convert_element_type3A_89 = arith.sitofp %convert_element_type3A_88 : vector<512x256xi32> to vector<512x256xf32>
    %dot_general3A_90 = arith.constant dense<0.000000e+00> : vector<512x768xf32>
    %dot_general3A_91 = tpu.matmul %convert_element_type3A_89, %reshape3A, %dot_general3A_90 {dimension_numbers = #tpu.dot_dimension_numbers<[1], [0], [0], [1], [0, 0, 1, 1], [], []>, transpose_lhs_hint = false} : vector<512x256xf32>, vector<256x768xf32>, vector<512x768xf32> -> vector<512x768xf32>
    %convert_element_type3A_92 = arith.truncf %dot_general3A_91 : vector<512x768xf32> to vector<512x768xbf16>
    %dot_general3A_93 = arith.constant dense<0.000000e+00> : vector<512x768xf32>
    %dot_general3A_94 = tpu.matmul %convert_element_type3A_92, %convert_element_type3A, %dot_general3A_93 {dimension_numbers = #tpu.dot_dimension_numbers<[1], [0], [0], [1], [0, 0, 1, 1], [], []>, transpose_lhs_hint = false} : vector<512x768xbf16>, vector<768x768xbf16>, vector<512x768xf32> -> vector<512x768xf32>
    %slice3A_95 = vector.extract_strided_slice %get3A_78 {offsets = [0, 2], sizes = [512, 1], strides = [1, 1]} : vector<512x12xi32> to vector<512x1xi32>
    %squeeze3A_96 = vector.shape_cast %slice3A_95 : vector<512x1xi32> to vector<512xi32>
    %broadcast_in_dim3A_97 = vector.shape_cast %squeeze3A_96 : vector<512xi32> to vector<512x1xi32>
    %eq3A_98 = vector.broadcast %broadcast_in_dim3A_97 : vector<512x1xi32> to vector<512x16xi32>
    %eq3A_99 = arith.cmpi eq, %eq3A_98, %iota3A : vector<512x16xi32>
    %convert_element_type3A_100 = arith.extui %eq3A_99 : vector<512x16xi1> to vector<512x16xi32>
    %convert_element_type3A_101 = arith.sitofp %convert_element_type3A_100 : vector<512x16xi32> to vector<512x16xf32>
    %dot_general3A_102 = arith.constant dense<0.000000e+00> : vector<512x768xf32>
    %dot_general3A_103 = tpu.matmul %convert_element_type3A_101, %add3A_61, %dot_general3A_102 {dimension_numbers = #tpu.dot_dimension_numbers<[1], [0], [0], [1], [0, 0, 1, 1], [], []>, transpose_lhs_hint = false} : vector<512x16xf32>, vector<16x768xf32>, vector<512x768xf32> -> vector<512x768xf32>
    %add3A_104 = arith.addf %dot_general3A_103, %dot_general3A_94 : vector<512x768xf32>
    %tanh3A_105 = math.tanh %add3A_104 : vector<512x768xf32>
    %convert_element_type3A_106 = arith.truncf %tanh3A_105 : vector<512x768xf32> to vector<512x768xbf16>
    %dot_general3A_107 = arith.constant dense<0.000000e+00> : vector<512x768xf32>
    %dot_general3A_108 = tpu.matmul %convert_element_type3A_106, %convert_element_type3A, %dot_general3A_107 {dimension_numbers = #tpu.dot_dimension_numbers<[1], [0], [0], [1], [0, 0, 1, 1], [], []>, transpose_lhs_hint = false} : vector<512x768xbf16>, vector<768x768xbf16>, vector<512x768xf32> -> vector<512x768xf32>
    %slice3A_109 = vector.extract_strided_slice %get3A_78 {offsets = [0, 3], sizes = [512, 1], strides = [1, 1]} : vector<512x12xi32> to vector<512x1xi32>
    %squeeze3A_110 = vector.shape_cast %slice3A_109 : vector<512x1xi32> to vector<512xi32>
    %broadcast_in_dim3A_111 = vector.shape_cast %squeeze3A_110 : vector<512xi32> to vector<512x1xi32>
    %eq3A_112 = vector.broadcast %broadcast_in_dim3A_111 : vector<512x1xi32> to vector<512x16xi32>
    %eq3A_113 = arith.cmpi eq, %eq3A_112, %iota3A : vector<512x16xi32>
    %convert_element_type3A_114 = arith.extui %eq3A_113 : vector<512x16xi1> to vector<512x16xi32>
    %convert_element_type3A_115 = arith.sitofp %convert_element_type3A_114 : vector<512x16xi32> to vector<512x16xf32>
    %dot_general3A_116 = arith.constant dense<0.000000e+00> : vector<512x768xf32>
    %dot_general3A_117 = tpu.matmul %convert_element_type3A_115, %add3A_61, %dot_general3A_116 {dimension_numbers = #tpu.dot_dimension_numbers<[1], [0], [0], [1], [0, 0, 1, 1], [], []>, transpose_lhs_hint = false} : vector<512x16xf32>, vector<16x768xf32>, vector<512x768xf32> -> vector<512x768xf32>
    %add3A_118 = arith.addf %dot_general3A_117, %dot_general3A_108 : vector<512x768xf32>
    %tanh3A_119 = math.tanh %add3A_118 : vector<512x768xf32>
    %convert_element_type3A_120 = arith.truncf %tanh3A_119 : vector<512x768xf32> to vector<512x768xbf16>
    %dot_general3A_121 = arith.constant dense<0.000000e+00> : vector<512x768xf32>
    %dot_general3A_122 = tpu.matmul %convert_element_type3A_120, %convert_element_type3A, %dot_general3A_121 {dimension_numbers = #tpu.dot_dimension_numbers<[1], [0], [0], [1], [0, 0, 1, 1], [], []>, transpose_lhs_hint = false} : vector<512x768xbf16>, vector<768x768xbf16>, vector<512x768xf32> -> vector<512x768xf32>
    %slice3A_123 = vector.extract_strided_slice %get3A_78 {offsets = [0, 4], sizes = [512, 1], strides = [1, 1]} : vector<512x12xi32> to vector<512x1xi32>
    %squeeze3A_124 = vector.shape_cast %slice3A_123 : vector<512x1xi32> to vector<512xi32>
    %broadcast_in_dim3A_125 = vector.shape_cast %squeeze3A_124 : vector<512xi32> to vector<512x1xi32>
    %eq3A_126 = vector.broadcast %broadcast_in_dim3A_125 : vector<512x1xi32> to vector<512x16xi32>
    %eq3A_127 = arith.cmpi eq, %eq3A_126, %iota3A : vector<512x16xi32>
    %convert_element_type3A_128 = arith.extui %eq3A_127 : vector<512x16xi1> to vector<512x16xi32>
    %convert_element_type3A_129 = arith.sitofp %convert_element_type3A_128 : vector<512x16xi32> to vector<512x16xf32>
    %dot_general3A_130 = arith.constant dense<0.000000e+00> : vector<512x768xf32>
    %dot_general3A_131 = tpu.matmul %convert_element_type3A_129, %add3A_61, %dot_general3A_130 {dimension_numbers = #tpu.dot_dimension_numbers<[1], [0], [0], [1], [0, 0, 1, 1], [], []>, transpose_lhs_hint = false} : vector<512x16xf32>, vector<16x768xf32>, vector<512x768xf32> -> vector<512x768xf32>
    %add3A_132 = arith.addf %dot_general3A_131, %dot_general3A_122 : vector<512x768xf32>
    %tanh3A_133 = math.tanh %add3A_132 : vector<512x768xf32>
    %convert_element_type3A_134 = arith.truncf %tanh3A_133 : vector<512x768xf32> to vector<512x768xbf16>
    %dot_general3A_135 = arith.constant dense<0.000000e+00> : vector<512x768xf32>
    %dot_general3A_136 = tpu.matmul %convert_element_type3A_134, %convert_element_type3A, %dot_general3A_135 {dimension_numbers = #tpu.dot_dimension_numbers<[1], [0], [0], [1], [0, 0, 1, 1], [], []>, transpose_lhs_hint = false} : vector<512x768xbf16>, vector<768x768xbf16>, vector<512x768xf32> -> vector<512x768xf32>
    %slice3A_137 = vector.extract_strided_slice %get3A_78 {offsets = [0, 5], sizes = [512, 1], strides = [1, 1]} : vector<512x12xi32> to vector<512x1xi32>
    %squeeze3A_138 = vector.shape_cast %slice3A_137 : vector<512x1xi32> to vector<512xi32>
    %broadcast_in_dim3A_139 = vector.shape_cast %squeeze3A_138 : vector<512xi32> to vector<512x1xi32>
    %eq3A_140 = vector.broadcast %broadcast_in_dim3A_139 : vector<512x1xi32> to vector<512x16xi32>
    %eq3A_141 = arith.cmpi eq, %eq3A_140, %iota3A : vector<512x16xi32>
    %convert_element_type3A_142 = arith.extui %eq3A_141 : vector<512x16xi1> to vector<512x16xi32>
    %convert_element_type3A_143 = arith.sitofp %convert_element_type3A_142 : vector<512x16xi32> to vector<512x16xf32>
    %dot_general3A_144 = arith.constant dense<0.000000e+00> : vector<512x768xf32>
    %dot_general3A_145 = tpu.matmul %convert_element_type3A_143, %add3A_61, %dot_general3A_144 {dimension_numbers = #tpu.dot_dimension_numbers<[1], [0], [0], [1], [0, 0, 1, 1], [], []>, transpose_lhs_hint = false} : vector<512x16xf32>, vector<16x768xf32>, vector<512x768xf32> -> vector<512x768xf32>
    %add3A_146 = arith.addf %dot_general3A_145, %dot_general3A_136 : vector<512x768xf32>
    %tanh3A_147 = math.tanh %add3A_146 : vector<512x768xf32>
    %convert_element_type3A_148 = arith.truncf %tanh3A_147 : vector<512x768xf32> to vector<512x768xbf16>
    %dot_general3A_149 = arith.constant dense<0.000000e+00> : vector<512x768xf32>
    %dot_general3A_150 = tpu.matmul %convert_element_type3A_148, %convert_element_type3A, %dot_general3A_149 {dimension_numbers = #tpu.dot_dimension_numbers<[1], [0], [0], [1], [0, 0, 1, 1], [], []>, transpose_lhs_hint = false} : vector<512x768xbf16>, vector<768x768xbf16>, vector<512x768xf32> -> vector<512x768xf32>
    %slice3A_151 = vector.extract_strided_slice %get3A_78 {offsets = [0, 6], sizes = [512, 1], strides = [1, 1]} : vector<512x12xi32> to vector<512x1xi32>
    %squeeze3A_152 = vector.shape_cast %slice3A_151 : vector<512x1xi32> to vector<512xi32>
    %broadcast_in_dim3A_153 = vector.shape_cast %squeeze3A_152 : vector<512xi32> to vector<512x1xi32>
    %eq3A_154 = vector.broadcast %broadcast_in_dim3A_153 : vector<512x1xi32> to vector<512x16xi32>
    %eq3A_155 = arith.cmpi eq, %eq3A_154, %iota3A : vector<512x16xi32>
    %convert_element_type3A_156 = arith.extui %eq3A_155 : vector<512x16xi1> to vector<512x16xi32>
    %convert_element_type3A_157 = arith.sitofp %convert_element_type3A_156 : vector<512x16xi32> to vector<512x16xf32>
    %dot_general3A_158 = arith.constant dense<0.000000e+00> : vector<512x768xf32>
    %dot_general3A_159 = tpu.matmul %convert_element_type3A_157, %add3A_61, %dot_general3A_158 {dimension_numbers = #tpu.dot_dimension_numbers<[1], [0], [0], [1], [0, 0, 1, 1], [], []>, transpose_lhs_hint = false} : vector<512x16xf32>, vector<16x768xf32>, vector<512x768xf32> -> vector<512x768xf32>
    %add3A_160 = arith.addf %dot_general3A_159, %dot_general3A_150 : vector<512x768xf32>
    %tanh3A_161 = math.tanh %add3A_160 : vector<512x768xf32>
    %convert_element_type3A_162 = arith.truncf %tanh3A_161 : vector<512x768xf32> to vector<512x768xbf16>
    %dot_general3A_163 = arith.constant dense<0.000000e+00> : vector<512x768xf32>
    %dot_general3A_164 = tpu.matmul %convert_element_type3A_162, %convert_element_type3A, %dot_general3A_163 {dimension_numbers = #tpu.dot_dimension_numbers<[1], [0], [0], [1], [0, 0, 1, 1], [], []>, transpose_lhs_hint = false} : vector<512x768xbf16>, vector<768x768xbf16>, vector<512x768xf32> -> vector<512x768xf32>
    %slice3A_165 = vector.extract_strided_slice %get3A_78 {offsets = [0, 7], sizes = [512, 1], strides = [1, 1]} : vector<512x12xi32> to vector<512x1xi32>
    %squeeze3A_166 = vector.shape_cast %slice3A_165 : vector<512x1xi32> to vector<512xi32>
    %broadcast_in_dim3A_167 = vector.shape_cast %squeeze3A_166 : vector<512xi32> to vector<512x1xi32>
    %eq3A_168 = vector.broadcast %broadcast_in_dim3A_167 : vector<512x1xi32> to vector<512x16xi32>
    %eq3A_169 = arith.cmpi eq, %eq3A_168, %iota3A : vector<512x16xi32>
    %convert_element_type3A_170 = arith.extui %eq3A_169 : vector<512x16xi1> to vector<512x16xi32>
    %convert_element_type3A_171 = arith.sitofp %convert_element_type3A_170 : vector<512x16xi32> to vector<512x16xf32>
    %dot_general3A_172 = arith.constant dense<0.000000e+00> : vector<512x768xf32>
    %dot_general3A_173 = tpu.matmul %convert_element_type3A_171, %add3A_61, %dot_general3A_172 {dimension_numbers = #tpu.dot_dimension_numbers<[1], [0], [0], [1], [0, 0, 1, 1], [], []>, transpose_lhs_hint = false} : vector<512x16xf32>, vector<16x768xf32>, vector<512x768xf32> -> vector<512x768xf32>
    %add3A_174 = arith.addf %dot_general3A_173, %dot_general3A_164 : vector<512x768xf32>
    %tanh3A_175 = math.tanh %add3A_174 : vector<512x768xf32>
    %convert_element_type3A_176 = arith.truncf %tanh3A_175 : vector<512x768xf32> to vector<512x768xbf16>
    %dot_general3A_177 = arith.constant dense<0.000000e+00> : vector<512x768xf32>
    %dot_general3A_178 = tpu.matmul %convert_element_type3A_176, %convert_element_type3A, %dot_general3A_177 {dimension_numbers = #tpu.dot_dimension_numbers<[1], [0], [0], [1], [0, 0, 1, 1], [], []>, transpose_lhs_hint = false} : vector<512x768xbf16>, vector<768x768xbf16>, vector<512x768xf32> -> vector<512x768xf32>
    %slice3A_179 = vector.extract_strided_slice %get3A_78 {offsets = [0, 8], sizes = [512, 1], strides = [1, 1]} : vector<512x12xi32> to vector<512x1xi32>
    %squeeze3A_180 = vector.shape_cast %slice3A_179 : vector<512x1xi32> to vector<512xi32>
    %broadcast_in_dim3A_181 = vector.shape_cast %squeeze3A_180 : vector<512xi32> to vector<512x1xi32>
    %eq3A_182 = vector.broadcast %broadcast_in_dim3A_181 : vector<512x1xi32> to vector<512x16xi32>
    %eq3A_183 = arith.cmpi eq, %eq3A_182, %iota3A : vector<512x16xi32>
    %convert_element_type3A_184 = arith.extui %eq3A_183 : vector<512x16xi1> to vector<512x16xi32>
    %convert_element_type3A_185 = arith.sitofp %convert_element_type3A_184 : vector<512x16xi32> to vector<512x16xf32>
    %dot_general3A_186 = arith.constant dense<0.000000e+00> : vector<512x768xf32>
    %dot_general3A_187 = tpu.matmul %convert_element_type3A_185, %add3A_61, %dot_general3A_186 {dimension_numbers = #tpu.dot_dimension_numbers<[1], [0], [0], [1], [0, 0, 1, 1], [], []>, transpose_lhs_hint = false} : vector<512x16xf32>, vector<16x768xf32>, vector<512x768xf32> -> vector<512x768xf32>
    %add3A_188 = arith.addf %dot_general3A_187, %dot_general3A_178 : vector<512x768xf32>
    %tanh3A_189 = math.tanh %add3A_188 : vector<512x768xf32>
    %convert_element_type3A_190 = arith.truncf %tanh3A_189 : vector<512x768xf32> to vector<512x768xbf16>
    %dot_general3A_191 = arith.constant dense<0.000000e+00> : vector<512x768xf32>
    %dot_general3A_192 = tpu.matmul %convert_element_type3A_190, %convert_element_type3A, %dot_general3A_191 {dimension_numbers = #tpu.dot_dimension_numbers<[1], [0], [0], [1], [0, 0, 1, 1], [], []>, transpose_lhs_hint = false} : vector<512x768xbf16>, vector<768x768xbf16>, vector<512x768xf32> -> vector<512x768xf32>
    %slice3A_193 = vector.extract_strided_slice %get3A_78 {offsets = [0, 9], sizes = [512, 1], strides = [1, 1]} : vector<512x12xi32> to vector<512x1xi32>
    %squeeze3A_194 = vector.shape_cast %slice3A_193 : vector<512x1xi32> to vector<512xi32>
    %broadcast_in_dim3A_195 = vector.shape_cast %squeeze3A_194 : vector<512xi32> to vector<512x1xi32>
    %eq3A_196 = vector.broadcast %broadcast_in_dim3A_195 : vector<512x1xi32> to vector<512x16xi32>
    %eq3A_197 = arith.cmpi eq, %eq3A_196, %iota3A : vector<512x16xi32>
    %convert_element_type3A_198 = arith.extui %eq3A_197 : vector<512x16xi1> to vector<512x16xi32>
    %convert_element_type3A_199 = arith.sitofp %convert_element_type3A_198 : vector<512x16xi32> to vector<512x16xf32>
    %dot_general3A_200 = arith.constant dense<0.000000e+00> : vector<512x768xf32>
    %dot_general3A_201 = tpu.matmul %convert_element_type3A_199, %add3A_61, %dot_general3A_200 {dimension_numbers = #tpu.dot_dimension_numbers<[1], [0], [0], [1], [0, 0, 1, 1], [], []>, transpose_lhs_hint = false} : vector<512x16xf32>, vector<16x768xf32>, vector<512x768xf32> -> vector<512x768xf32>
    %add3A_202 = arith.addf %dot_general3A_201, %dot_general3A_192 : vector<512x768xf32>
    %tanh3A_203 = math.tanh %add3A_202 : vector<512x768xf32>
    %convert_element_type3A_204 = arith.truncf %tanh3A_203 : vector<512x768xf32> to vector<512x768xbf16>
    %dot_general3A_205 = arith.constant dense<0.000000e+00> : vector<512x768xf32>
    %dot_general3A_206 = tpu.matmul %convert_element_type3A_204, %convert_element_type3A, %dot_general3A_205 {dimension_numbers = #tpu.dot_dimension_numbers<[1], [0], [0], [1], [0, 0, 1, 1], [], []>, transpose_lhs_hint = false} : vector<512x768xbf16>, vector<768x768xbf16>, vector<512x768xf32> -> vector<512x768xf32>
    %slice3A_207 = vector.extract_strided_slice %get3A_78 {offsets = [0, 10], sizes = [512, 1], strides = [1, 1]} : vector<512x12xi32> to vector<512x1xi32>
    %squeeze3A_208 = vector.shape_cast %slice3A_207 : vector<512x1xi32> to vector<512xi32>
    %broadcast_in_dim3A_209 = vector.shape_cast %squeeze3A_208 : vector<512xi32> to vector<512x1xi32>
    %eq3A_210 = vector.broadcast %broadcast_in_dim3A_209 : vector<512x1xi32> to vector<512x16xi32>
    %eq3A_211 = arith.cmpi eq, %eq3A_210, %iota3A : vector<512x16xi32>
    %convert_element_type3A_212 = arith.extui %eq3A_211 : vector<512x16xi1> to vector<512x16xi32>
    %convert_element_type3A_213 = arith.sitofp %convert_element_type3A_212 : vector<512x16xi32> to vector<512x16xf32>
    %dot_general3A_214 = arith.constant dense<0.000000e+00> : vector<512x768xf32>
    %dot_general3A_215 = tpu.matmul %convert_element_type3A_213, %add3A_61, %dot_general3A_214 {dimension_numbers = #tpu.dot_dimension_numbers<[1], [0], [0], [1], [0, 0, 1, 1], [], []>, transpose_lhs_hint = false} : vector<512x16xf32>, vector<16x768xf32>, vector<512x768xf32> -> vector<512x768xf32>
    %add3A_216 = arith.addf %dot_general3A_215, %dot_general3A_206 : vector<512x768xf32>
    %tanh3A_217 = math.tanh %add3A_216 : vector<512x768xf32>
    %convert_element_type3A_218 = arith.truncf %tanh3A_217 : vector<512x768xf32> to vector<512x768xbf16>
    %dot_general3A_219 = arith.constant dense<0.000000e+00> : vector<512x768xf32>
    %dot_general3A_220 = tpu.matmul %convert_element_type3A_218, %convert_element_type3A, %dot_general3A_219 {dimension_numbers = #tpu.dot_dimension_numbers<[1], [0], [0], [1], [0, 0, 1, 1], [], []>, transpose_lhs_hint = false} : vector<512x768xbf16>, vector<768x768xbf16>, vector<512x768xf32> -> vector<512x768xf32>
    %slice3A_221 = vector.extract_strided_slice %get3A_78 {offsets = [0, 11], sizes = [512, 1], strides = [1, 1]} : vector<512x12xi32> to vector<512x1xi32>
    %squeeze3A_222 = vector.shape_cast %slice3A_221 : vector<512x1xi32> to vector<512xi32>
    %broadcast_in_dim3A_223 = vector.shape_cast %squeeze3A_222 : vector<512xi32> to vector<512x1xi32>
    %eq3A_224 = vector.broadcast %broadcast_in_dim3A_223 : vector<512x1xi32> to vector<512x16xi32>
    %eq3A_225 = arith.cmpi eq, %eq3A_224, %iota3A : vector<512x16xi32>
    %convert_element_type3A_226 = arith.extui %eq3A_225 : vector<512x16xi1> to vector<512x16xi32>
    %convert_element_type3A_227 = arith.sitofp %convert_element_type3A_226 : vector<512x16xi32> to vector<512x16xf32>
    %dot_general3A_228 = arith.constant dense<0.000000e+00> : vector<512x768xf32>
    %dot_general3A_229 = tpu.matmul %convert_element_type3A_227, %add3A_61, %dot_general3A_228 {dimension_numbers = #tpu.dot_dimension_numbers<[1], [0], [0], [1], [0, 0, 1, 1], [], []>, transpose_lhs_hint = false} : vector<512x16xf32>, vector<16x768xf32>, vector<512x768xf32> -> vector<512x768xf32>
    %add3A_230 = arith.addf %dot_general3A_229, %dot_general3A_220 : vector<512x768xf32>
    %tanh3A_231 = math.tanh %add3A_230 : vector<512x768xf32>
    %get3A_232 = arith.constant 0 : index
    %get3A_233 = arith.constant 0 : index
    %get3A_234 = vector.load %arg7[%get3A_232, %get3A_233] : memref<512x1xf32, #tpu.memory_space<vmem>>, vector<512x1xf32>
    %mul3A_235 = vector.broadcast %get3A_234 : vector<512x1xf32> to vector<512x768xf32>
    %mul3A_236 = arith.mulf %tanh3A_231, %mul3A_235 : vector<512x768xf32>
    %add3A_237 = arith.addf %add3A_40, %mul3A_236 : vector<512x768xf32>
    %swap3A = arith.constant 0 : index
    %swap3A_238 = arith.constant 0 : index
    %swap3A_239 = vector.load %arg14[%swap3A, %swap3A_238] : memref<512x768xf32, #tpu.memory_space<vmem>>, vector<512x768xf32>
    tpu.vector_store %arg14[%swap3A, %swap3A_238], %add3A_237 {strides = array<i32>} : memref<512x768xf32, #tpu.memory_space<vmem>>, vector<512x768xf32>,
    return
  }
  func.func @transform_0(%arg0: i32) -> (i32, i32) {
    %c0_i32 = arith.constant 0 : i32
    %c0_i32_0 = arith.constant 0 : i32
    return %arg0, %c0_i32 : i32, i32
  }
  func.func @transform_1(%arg0: i32) -> (i32, i32) {
    %add3A = arith.constant 4 : i32
    %add3A_0 = arith.addi %add3A, %arg0 : i32
    %jit3A = arith.constant 4 : i32
    %eq3A = arith.constant 0 : i32
    %eq3A_1 = arith.cmpi eq, %jit3A, %eq3A : i32
    %jit3A_2 = arith.constant 1 : i32
    %select_n3A = arith.select %eq3A_1, %jit3A_2, %jit3A : i32
    %rem3A = arith.remsi %add3A_0, %select_n3A : i32
    %ne3A = arith.constant 0 : i32
    %ne3A_3 = arith.cmpi ne, %rem3A, %ne3A : i32
    %lt3A = arith.constant 0 : i32
    %lt3A_4 = arith.cmpi slt, %rem3A, %lt3A : i32
    %lt3A_5 = arith.constant 0 : i32
    %lt3A_6 = arith.cmpi slt, %select_n3A, %lt3A_5 : i32
    %ne3A_7 = arith.xori %lt3A_4, %lt3A_6 : i1
    %and3A = arith.andi %ne3A_7, %ne3A_3 : i1
    %add3A_8 = arith.addi %rem3A, %select_n3A : i32
    %select_n3A_9 = arith.select %and3A, %add3A_8, %rem3A : i32
    %c0_i32 = arith.constant 0 : i32
    %c0_i32_10 = arith.constant 0 : i32
    return %select_n3A_9, %c0_i32 : i32, i32
  }
  func.func @transform_2(%arg0: i32) -> (i32, i32) {
    %c0_i32 = arith.constant 0 : i32
    %c0_i32_0 = arith.constant 0 : i32
    %c0_i32_1 = arith.constant 0 : i32
    return %c0_i32, %c0_i32_0 : i32, i32
  }
  func.func @transform_3(%arg0: i32) -> (i32, i32) {
    %c0_i32 = arith.constant 0 : i32
    %c0_i32_0 = arith.constant 0 : i32
    %c0_i32_1 = arith.constant 0 : i32
    return %c0_i32, %c0_i32_0 : i32, i32
  }
  func.func @transform_4(%arg0: i32) -> (i32, i32) {
    %c0_i32 = arith.constant 0 : i32
    %c0_i32_0 = arith.constant 0 : i32
    %c0_i32_1 = arith.constant 0 : i32
    return %c0_i32, %c0_i32_0 : i32, i32
  }
  func.func @transform_5(%arg0: i32) -> (i32, i32) {
    %add3A = arith.constant 4 : i32
    %add3A_0 = arith.addi %add3A, %arg0 : i32
    %c0_i32 = arith.constant 0 : i32
    %c0_i32_1 = arith.constant 0 : i32
    return %add3A_0, %c0_i32 : i32, i32
  }
  func.func @transform_6(%arg0: i32) -> (i32, i32) {
    %add3A = arith.constant 4 : i32
    %add3A_0 = arith.addi %add3A, %arg0 : i32
    %c0_i32 = arith.constant 0 : i32
    %c0_i32_1 = arith.constant 0 : i32
    return %add3A_0, %c0_i32 : i32, i32
  }
  func.func @transform_7(%arg0: i32) -> (i32, i32) {
    %c0_i32 = arith.constant 0 : i32
    %c0_i32_0 = arith.constant 0 : i32
    %c0_i32_1 = arith.constant 0 : i32
    return %c0_i32, %c0_i32_0 : i32, i32
  }
  func.func @transform_8(%arg0: i32) -> (i32, i32) {
    %c0_i32 = arith.constant 0 : i32
    %c0_i32_0 = arith.constant 0 : i32
    %c0_i32_1 = arith.constant 0 : i32
    return %c0_i32, %c0_i32_0 : i32, i32
  }
  func.func @transform_9(%arg0: i32) -> (i32, i32) {
    %c0_i32 = arith.constant 0 : i32
    %c0_i32_0 = arith.constant 0 : i32
    %c0_i32_1 = arith.constant 0 : i32
    return %c0_i32, %c0_i32_0 : i32, i32
  }
  func.func @transform_10(%arg0: i32) -> (i32, i32) {
    %c0_i32 = arith.constant 0 : i32
    %c0_i32_0 = arith.constant 0 : i32
    %c0_i32_1 = arith.constant 0 : i32
    return %c0_i32, %c0_i32_0 : i32, i32
  }
  func.func @transform_11(%arg0: i32) -> (i32, i32) {
    %c0_i32 = arith.constant 0 : i32
    %c0_i32_0 = arith.constant 0 : i32
    %c0_i32_1 = arith.constant 0 : i32
    return %c0_i32, %c0_i32_0 : i32, i32
  }
  func.func @transform_13(%arg0: i32) -> (i32, i32) {
    %add3A = arith.constant 4 : i32
    %add3A_0 = arith.addi %add3A, %arg0 : i32
    %c0_i32 = arith.constant 0 : i32
    %c0_i32_1 = arith.constant 0 : i32
    return %add3A_0, %c0_i32 : i32, i32
  }
}

module attributes {stable_mosaic.version = 14 : i64} {
  func.func @_tc_body(%arg0: i32, %arg1: memref<512x768xf32, #tpu.memory_space<vmem>>, %arg2: memref<512x768xf32, #tpu.memory_space<vmem>>, %arg3: memref<2x768xf32, #tpu.memory_space<vmem>>, %arg4: memref<1x768xf32, #tpu.memory_space<vmem>>, %arg5: memref<1x768xf32, #tpu.memory_space<vmem>>, %arg6: memref<512x12xi32, #tpu.memory_space<vmem>>, %arg7: memref<512x1xf32, #tpu.memory_space<vmem>>, %arg8: memref<16x32xf32, #tpu.memory_space<vmem>>, %arg9: memref<32x768xf32, #tpu.memory_space<vmem>>, %arg10: memref<768x768xf32, #tpu.memory_space<vmem>>, %arg11: memref<1x768xf32, #tpu.memory_space<vmem>>, %arg12: memref<1x768xf32, #tpu.memory_space<vmem>>, %arg13: memref<8192x768xf32, #tpu.memory_space<any>>, %arg14: memref<512x768xf32, #tpu.memory_space<vmem>>) attributes {dimension_semantics = [#tpu.dimension_semantics<arbitrary>], iteration_bounds = array<i64: 4>, scalar_prefetch = 0 : i64, scratch_operands = 0 : i64, tpu.core_type = #tpu.core_type<tc>, window_params = [{transform_indices = @transform_0, window_bounds = array<i64: 512, 768>}, {transform_indices = @transform_1, window_bounds = array<i64: 512, 768>}, {pipeline_mode = #tpu.pipeline_mode<synchronous>, transform_indices = @transform_2, window_bounds = array<i64: 2, 768>}, {pipeline_mode = #tpu.pipeline_mode<synchronous>, transform_indices = @transform_3, window_bounds = array<i64: 1, 768>}, {pipeline_mode = #tpu.pipeline_mode<synchronous>, transform_indices = @transform_4, window_bounds = array<i64: 1, 768>}, {transform_indices = @transform_5, window_bounds = array<i64: 512, 12>}, {transform_indices = @transform_6, window_bounds = array<i64: 512, 1>}, {pipeline_mode = #tpu.pipeline_mode<synchronous>, transform_indices = @transform_7, window_bounds = array<i64: 16, 32>}, {pipeline_mode = #tpu.pipeline_mode<synchronous>, transform_indices = @transform_8, window_bounds = array<i64: 32, 768>}, {pipeline_mode = #tpu.pipeline_mode<synchronous>, transform_indices = @transform_9, window_bounds = array<i64: 768, 768>}, {pipeline_mode = #tpu.pipeline_mode<synchronous>, transform_indices = @transform_10, window_bounds = array<i64: 1, 768>}, {pipeline_mode = #tpu.pipeline_mode<synchronous>, transform_indices = @transform_11, window_bounds = array<i64: 1, 768>}, {}, {transform_indices = @transform_13, window_bounds = array<i64: 512, 768>}]} {
    %get3A = arith.constant 0 : index
    %get3A_0 = arith.constant 0 : index
    %get3A_1 = vector.load %arg1[%get3A, %get3A_0] : memref<512x768xf32, #tpu.memory_space<vmem>>, vector<512x768xf32>
    %get3A_2 = arith.constant 0 : index
    %get3A_3 = arith.constant 0 : index
    %get3A_4 = vector.load %arg2[%get3A_2, %get3A_3] : memref<512x768xf32, #tpu.memory_space<vmem>>, vector<512x768xf32>
    %add3A = arith.addf %get3A_1, %get3A_4 : vector<512x768xf32>
    %get3A_5 = arith.constant 0 : index
    %get3A_6 = arith.constant 0 : index
    %get3A_7 = vector.load %arg3[%get3A_5, %get3A_6] : memref<2x768xf32, #tpu.memory_space<vmem>>, vector<1x768xf32>
    %get3A_8 = vector.shape_cast %get3A_7 : vector<1x768xf32> to vector<768xf32>
    %broadcast_in_dim3A = vector.shape_cast %get3A_8 : vector<768xf32> to vector<1x768xf32>
    %add3A_9 = vector.broadcast %broadcast_in_dim3A : vector<1x768xf32> to vector<512x768xf32>
    %add3A_10 = arith.addf %add3A, %add3A_9 : vector<512x768xf32>
    %reduce_sum3A = arith.constant dense<0.000000e+00> : vector<512xf32>
    %reduce_sum3A_11 = vector.multi_reduction <add>, %add3A_10, %reduce_sum3A [1] : vector<512x768xf32> to vector<512xf32>
    %broadcast_in_dim3A_12 = vector.shape_cast %reduce_sum3A_11 : vector<512xf32> to vector<512x1xf32>
    %div3A = arith.constant 7.680000e+02 : f32
    %div3A_13 = vector.broadcast %div3A : f32 to vector<512x1xf32>
    %div3A_14 = arith.divf %broadcast_in_dim3A_12, %div3A_13 : vector<512x1xf32>
    %sub3A = vector.broadcast %div3A_14 : vector<512x1xf32> to vector<512x768xf32>
    %sub3A_15 = arith.subf %add3A_10, %sub3A : vector<512x768xf32>
    %mul3A = arith.mulf %sub3A_15, %sub3A_15 : vector<512x768xf32>
    %reduce_sum3A_16 = arith.constant dense<0.000000e+00> : vector<512xf32>
    %reduce_sum3A_17 = vector.multi_reduction <add>, %mul3A, %reduce_sum3A_16 [1] : vector<512x768xf32> to vector<512xf32>
    %broadcast_in_dim3A_18 = vector.shape_cast %reduce_sum3A_17 : vector<512xf32> to vector<512x1xf32>
    %div3A_19 = arith.constant 7.680000e+02 : f32
    %div3A_20 = vector.broadcast %div3A_19 : f32 to vector<512x1xf32>
    %div3A_21 = arith.divf %broadcast_in_dim3A_18, %div3A_20 : vector<512x1xf32>
    %add3A_22 = arith.constant 9.99999996E-13 : f32
    %add3A_23 = vector.broadcast %add3A_22 : f32 to vector<512x1xf32>
    %add3A_24 = arith.addf %div3A_21, %add3A_23 : vector<512x1xf32>
    %rsqrt3A = math.rsqrt %add3A_24 : vector<512x1xf32>
    %mul3A_25 = vector.broadcast %rsqrt3A : vector<512x1xf32> to vector<512x768xf32>
    %mul3A_26 = arith.mulf %sub3A_15, %mul3A_25 : vector<512x768xf32>
    %get3A_27 = arith.constant 0 : index
    %get3A_28 = arith.constant 0 : index
    %get3A_29 = vector.load %arg4[%get3A_27, %get3A_28] : memref<1x768xf32, #tpu.memory_space<vmem>>, vector<1x768xf32>
    %get3A_30 = vector.shape_cast %get3A_29 : vector<1x768xf32> to vector<768xf32>
    %broadcast_in_dim3A_31 = vector.shape_cast %get3A_30 : vector<768xf32> to vector<1x768xf32>
    %mul3A_32 = vector.broadcast %broadcast_in_dim3A_31 : vector<1x768xf32> to vector<512x768xf32>
    %mul3A_33 = arith.mulf %mul3A_26, %mul3A_32 : vector<512x768xf32>
    %get3A_34 = arith.constant 0 : index
    %get3A_35 = arith.constant 0 : index
    %get3A_36 = vector.load %arg5[%get3A_34, %get3A_35] : memref<1x768xf32, #tpu.memory_space<vmem>>, vector<1x768xf32>
    %get3A_37 = vector.shape_cast %get3A_36 : vector<1x768xf32> to vector<768xf32>
    %broadcast_in_dim3A_38 = vector.shape_cast %get3A_37 : vector<768xf32> to vector<1x768xf32>
    %add3A_39 = vector.broadcast %broadcast_in_dim3A_38 : vector<1x768xf32> to vector<512x768xf32>
    %add3A_40 = arith.addf %mul3A_33, %add3A_39 : vector<512x768xf32>
    %get3A_41 = arith.constant 0 : index
    %get3A_42 = arith.constant 0 : index
    %get3A_43 = vector.load %arg8[%get3A_41, %get3A_42] : memref<16x32xf32, #tpu.memory_space<vmem>>, vector<16x32xf32>
    %get3A_44 = arith.constant 0 : index
    %get3A_45 = arith.constant 0 : index
    %get3A_46 = vector.load %arg9[%get3A_44, %get3A_45] : memref<32x768xf32, #tpu.memory_space<vmem>>, vector<32x768xf32>
    %dot_general3A = arith.constant dense<0.000000e+00> : vector<16x768xf32>
    %dot_general3A_47 = tpu.matmul %get3A_43, %get3A_46, %dot_general3A {dimension_numbers = #tpu.dot_dimension_numbers<[1], [0], [0], [1], [0, 0, 1, 1], [], []>, transpose_lhs_hint = false} : vector<16x32xf32>, vector<32x768xf32>, vector<16x768xf32> -> vector<16x768xf32>
    %get3A_48 = arith.constant 0 : index
    %get3A_49 = arith.constant 0 : index
    %get3A_50 = vector.load %arg11[%get3A_48, %get3A_49] : memref<1x768xf32, #tpu.memory_space<vmem>>, vector<1x768xf32>
    %get3A_51 = vector.shape_cast %get3A_50 : vector<1x768xf32> to vector<768xf32>
    %broadcast_in_dim3A_52 = vector.shape_cast %get3A_51 : vector<768xf32> to vector<1x768xf32>
    %add3A_53 = vector.broadcast %broadcast_in_dim3A_52 : vector<1x768xf32> to vector<16x768xf32>
    %add3A_54 = arith.addf %dot_general3A_47, %add3A_53 : vector<16x768xf32>
    %get3A_55 = arith.constant 0 : index
    %get3A_56 = arith.constant 0 : index
    %get3A_57 = vector.load %arg12[%get3A_55, %get3A_56] : memref<1x768xf32, #tpu.memory_space<vmem>>, vector<1x768xf32>
    %get3A_58 = vector.shape_cast %get3A_57 : vector<1x768xf32> to vector<768xf32>
    %broadcast_in_dim3A_59 = vector.shape_cast %get3A_58 : vector<768xf32> to vector<1x768xf32>
    %add3A_60 = vector.broadcast %broadcast_in_dim3A_59 : vector<1x768xf32> to vector<16x768xf32>
    %add3A_61 = arith.addf %add3A_54, %add3A_60 : vector<16x768xf32>
    %get3A_62 = arith.constant 0 : index
    %get3A_63 = arith.constant 0 : index
    %get3A_64 = vector.load %arg10[%get3A_62, %get3A_63] : memref<768x768xf32, #tpu.memory_space<vmem>>, vector<768x768xf32>
    %convert_element_type3A = arith.truncf %get3A_64 : vector<768x768xf32> to vector<768x768xbf16>
    %tanh3A = math.tanh %add3A_61 : vector<16x768xf32>
    %get3A_65 = arith.constant 0 : index
    %get3A_66 = arith.constant 0 : index
    %get3A_67 = vector.load %arg10[%get3A_65, %get3A_66] : memref<768x768xf32, #tpu.memory_space<vmem>>, vector<768x768xf32>
    %dot_general3A_68 = arith.constant dense<0.000000e+00> : vector<16x768xf32>
    %dot_general3A_69 = tpu.matmul %tanh3A, %get3A_67, %dot_general3A_68 {dimension_numbers = #tpu.dot_dimension_numbers<[1], [0], [0], [1], [0, 0, 1, 1], [], []>, transpose_lhs_hint = false} : vector<16x768xf32>, vector<768x768xf32>, vector<16x768xf32> -> vector<16x768xf32>
    %broadcast_in_dim3A_70 = vector.shape_cast %dot_general3A_69 : vector<16x768xf32> to vector<16x1x768xf32>
    %broadcast_in_dim3A_71 = vector.shape_cast %add3A_61 : vector<16x768xf32> to vector<1x16x768xf32>
    %add3A_72 = vector.broadcast %broadcast_in_dim3A_70 : vector<16x1x768xf32> to vector<16x16x768xf32>
    %add3A_73 = vector.broadcast %broadcast_in_dim3A_71 : vector<1x16x768xf32> to vector<16x16x768xf32>
    %add3A_74 = arith.addf %add3A_72, %add3A_73 : vector<16x16x768xf32>
    %tanh3A_75 = math.tanh %add3A_74 : vector<16x16x768xf32>
    %reshape3A = vector.shape_cast %tanh3A_75 : vector<16x16x768xf32> to vector<256x768xf32>
    %get3A_76 = arith.constant 0 : index
    %get3A_77 = arith.constant 0 : index
    %get3A_78 = vector.load %arg6[%get3A_76, %get3A_77] : memref<512x12xi32, #tpu.memory_space<vmem>>, vector<512x12xi32>
    %iota3A = tpu.iota {dimensions = array<i32: 1>} : vector<512x16xi32>
    %iota3A_79 = tpu.iota {dimensions = array<i32: 1>} : vector<512x256xi32>
    %slice3A = vector.extract_strided_slice %get3A_78 {offsets = [0, 0], sizes = [512, 1], strides = [1, 1]} : vector<512x12xi32> to vector<512x1xi32>
    %squeeze3A = vector.shape_cast %slice3A : vector<512x1xi32> to vector<512xi32>
    %mul3A_80 = arith.constant 16 : i32
    %mul3A_81 = vector.broadcast %mul3A_80 : i32 to vector<512xi32>
    %mul3A_82 = arith.muli %squeeze3A, %mul3A_81 : vector<512xi32>
    %slice3A_83 = vector.extract_strided_slice %get3A_78 {offsets = [0, 1], sizes = [512, 1], strides = [1, 1]} : vector<512x12xi32> to vector<512x1xi32>
    %squeeze3A_84 = vector.shape_cast %slice3A_83 : vector<512x1xi32> to vector<512xi32>
    %add3A_85 = arith.addi %mul3A_82, %squeeze3A_84 : vector<512xi32>
    %broadcast_in_dim3A_86 = vector.shape_cast %add3A_85 : vector<512xi32> to vector<512x1xi32>
    %eq3A = vector.broadcast %broadcast_in_dim3A_86 : vector<512x1xi32> to vector<512x256xi32>
    %eq3A_87 = arith.cmpi eq, %eq3A, %iota3A_79 : vector<512x256xi32>
    %convert_element_type3A_88 = arith.extui %eq3A_87 : vector<512x256xi1> to vector<512x256xi32>
    %convert_element_type3A_89 = arith.sitofp %convert_element_type3A_88 : vector<512x256xi32> to vector<512x256xf32>
    %dot_general3A_90 = arith.constant dense<0.000000e+00> : vector<512x768xf32>
    %dot_general3A_91 = tpu.matmul %convert_element_type3A_89, %reshape3A, %dot_general3A_90 {dimension_numbers = #tpu.dot_dimension_numbers<[1], [0], [0], [1], [0, 0, 1, 1], [], []>, transpose_lhs_hint = false} : vector<512x256xf32>, vector<256x768xf32>, vector<512x768xf32> -> vector<512x768xf32>
    %convert_element_type3A_92 = arith.truncf %dot_general3A_91 : vector<512x768xf32> to vector<512x768xbf16>
    %dot_general3A_93 = arith.constant dense<0.000000e+00> : vector<512x768xf32>
    %dot_general3A_94 = tpu.matmul %convert_element_type3A_92, %convert_element_type3A, %dot_general3A_93 {dimension_numbers = #tpu.dot_dimension_numbers<[1], [0], [0], [1], [0, 0, 1, 1], [], []>, transpose_lhs_hint = false} : vector<512x768xbf16>, vector<768x768xbf16>, vector<512x768xf32> -> vector<512x768xf32>
    %slice3A_95 = vector.extract_strided_slice %get3A_78 {offsets = [0, 2], sizes = [512, 1], strides = [1, 1]} : vector<512x12xi32> to vector<512x1xi32>
    %squeeze3A_96 = vector.shape_cast %slice3A_95 : vector<512x1xi32> to vector<512xi32>
    %broadcast_in_dim3A_97 = vector.shape_cast %squeeze3A_96 : vector<512xi32> to vector<512x1xi32>
    %eq3A_98 = vector.broadcast %broadcast_in_dim3A_97 : vector<512x1xi32> to vector<512x16xi32>
    %eq3A_99 = arith.cmpi eq, %eq3A_98, %iota3A : vector<512x16xi32>
    %convert_element_type3A_100 = arith.extui %eq3A_99 : vector<512x16xi1> to vector<512x16xi32>
    %convert_element_type3A_101 = arith.sitofp %convert_element_type3A_100 : vector<512x16xi32> to vector<512x16xf32>
    %dot_general3A_102 = arith.constant dense<0.000000e+00> : vector<512x768xf32>
    %dot_general3A_103 = tpu.matmul %convert_element_type3A_101, %add3A_61, %dot_general3A_102 {dimension_numbers = #tpu.dot_dimension_numbers<[1], [0], [0], [1], [0, 0, 1, 1], [], []>, transpose_lhs_hint = false} : vector<512x16xf32>, vector<16x768xf32>, vector<512x768xf32> -> vector<512x768xf32>
    %add3A_104 = arith.addf %dot_general3A_103, %dot_general3A_94 : vector<512x768xf32>
    %tanh3A_105 = math.tanh %add3A_104 : vector<512x768xf32>
    %convert_element_type3A_106 = arith.truncf %tanh3A_105 : vector<512x768xf32> to vector<512x768xbf16>
    %dot_general3A_107 = arith.constant dense<0.000000e+00> : vector<512x768xf32>
    %dot_general3A_108 = tpu.matmul %convert_element_type3A_106, %convert_element_type3A, %dot_general3A_107 {dimension_numbers = #tpu.dot_dimension_numbers<[1], [0], [0], [1], [0, 0, 1, 1], [], []>, transpose_lhs_hint = false} : vector<512x768xbf16>, vector<768x768xbf16>, vector<512x768xf32> -> vector<512x768xf32>
    %slice3A_109 = vector.extract_strided_slice %get3A_78 {offsets = [0, 3], sizes = [512, 1], strides = [1, 1]} : vector<512x12xi32> to vector<512x1xi32>
    %squeeze3A_110 = vector.shape_cast %slice3A_109 : vector<512x1xi32> to vector<512xi32>
    %broadcast_in_dim3A_111 = vector.shape_cast %squeeze3A_110 : vector<512xi32> to vector<512x1xi32>
    %eq3A_112 = vector.broadcast %broadcast_in_dim3A_111 : vector<512x1xi32> to vector<512x16xi32>
    %eq3A_113 = arith.cmpi eq, %eq3A_112, %iota3A : vector<512x16xi32>
    %convert_element_type3A_114 = arith.extui %eq3A_113 : vector<512x16xi1> to vector<512x16xi32>
    %convert_element_type3A_115 = arith.sitofp %convert_element_type3A_114 : vector<512x16xi32> to vector<512x16xf32>
    %dot_general3A_116 = arith.constant dense<0.000000e+00> : vector<512x768xf32>
    %dot_general3A_117 = tpu.matmul %convert_element_type3A_115, %add3A_61, %dot_general3A_116 {dimension_numbers = #tpu.dot_dimension_numbers<[1], [0], [0], [1], [0, 0, 1, 1], [], []>, transpose_lhs_hint = false} : vector<512x16xf32>, vector<16x768xf32>, vector<512x768xf32> -> vector<512x768xf32>
    %add3A_118 = arith.addf %dot_general3A_117, %dot_general3A_108 : vector<512x768xf32>
    %tanh3A_119 = math.tanh %add3A_118 : vector<512x768xf32>
    %convert_element_type3A_120 = arith.truncf %tanh3A_119 : vector<512x768xf32> to vector<512x768xbf16>
    %dot_general3A_121 = arith.constant dense<0.000000e+00> : vector<512x768xf32>
    %dot_general3A_122 = tpu.matmul %convert_element_type3A_120, %convert_element_type3A, %dot_general3A_121 {dimension_numbers = #tpu.dot_dimension_numbers<[1], [0], [0], [1], [0, 0, 1, 1], [], []>, transpose_lhs_hint = false} : vector<512x768xbf16>, vector<768x768xbf16>, vector<512x768xf32> -> vector<512x768xf32>
    %slice3A_123 = vector.extract_strided_slice %get3A_78 {offsets = [0, 4], sizes = [512, 1], strides = [1, 1]} : vector<512x12xi32> to vector<512x1xi32>
    %squeeze3A_124 = vector.shape_cast %slice3A_123 : vector<512x1xi32> to vector<512xi32>
    %broadcast_in_dim3A_125 = vector.shape_cast %squeeze3A_124 : vector<512xi32> to vector<512x1xi32>
    %eq3A_126 = vector.broadcast %broadcast_in_dim3A_125 : vector<512x1xi32> to vector<512x16xi32>
    %eq3A_127 = arith.cmpi eq, %eq3A_126, %iota3A : vector<512x16xi32>
    %convert_element_type3A_128 = arith.extui %eq3A_127 : vector<512x16xi1> to vector<512x16xi32>
    %convert_element_type3A_129 = arith.sitofp %convert_element_type3A_128 : vector<512x16xi32> to vector<512x16xf32>
    %dot_general3A_130 = arith.constant dense<0.000000e+00> : vector<512x768xf32>
    %dot_general3A_131 = tpu.matmul %convert_element_type3A_129, %add3A_61, %dot_general3A_130 {dimension_numbers = #tpu.dot_dimension_numbers<[1], [0], [0], [1], [0, 0, 1, 1], [], []>, transpose_lhs_hint = false} : vector<512x16xf32>, vector<16x768xf32>, vector<512x768xf32> -> vector<512x768xf32>
    %add3A_132 = arith.addf %dot_general3A_131, %dot_general3A_122 : vector<512x768xf32>
    %tanh3A_133 = math.tanh %add3A_132 : vector<512x768xf32>
    %convert_element_type3A_134 = arith.truncf %tanh3A_133 : vector<512x768xf32> to vector<512x768xbf16>
    %dot_general3A_135 = arith.constant dense<0.000000e+00> : vector<512x768xf32>
    %dot_general3A_136 = tpu.matmul %convert_element_type3A_134, %convert_element_type3A, %dot_general3A_135 {dimension_numbers = #tpu.dot_dimension_numbers<[1], [0], [0], [1], [0, 0, 1, 1], [], []>, transpose_lhs_hint = false} : vector<512x768xbf16>, vector<768x768xbf16>, vector<512x768xf32> -> vector<512x768xf32>
    %slice3A_137 = vector.extract_strided_slice %get3A_78 {offsets = [0, 5], sizes = [512, 1], strides = [1, 1]} : vector<512x12xi32> to vector<512x1xi32>
    %squeeze3A_138 = vector.shape_cast %slice3A_137 : vector<512x1xi32> to vector<512xi32>
    %broadcast_in_dim3A_139 = vector.shape_cast %squeeze3A_138 : vector<512xi32> to vector<512x1xi32>
    %eq3A_140 = vector.broadcast %broadcast_in_dim3A_139 : vector<512x1xi32> to vector<512x16xi32>
    %eq3A_141 = arith.cmpi eq, %eq3A_140, %iota3A : vector<512x16xi32>
    %convert_element_type3A_142 = arith.extui %eq3A_141 : vector<512x16xi1> to vector<512x16xi32>
    %convert_element_type3A_143 = arith.sitofp %convert_element_type3A_142 : vector<512x16xi32> to vector<512x16xf32>
    %dot_general3A_144 = arith.constant dense<0.000000e+00> : vector<512x768xf32>
    %dot_general3A_145 = tpu.matmul %convert_element_type3A_143, %add3A_61, %dot_general3A_144 {dimension_numbers = #tpu.dot_dimension_numbers<[1], [0], [0], [1], [0, 0, 1, 1], [], []>, transpose_lhs_hint = false} : vector<512x16xf32>, vector<16x768xf32>, vector<512x768xf32> -> vector<512x768xf32>
    %add3A_146 = arith.addf %dot_general3A_145, %dot_general3A_136 : vector<512x768xf32>
    %tanh3A_147 = math.tanh %add3A_146 : vector<512x768xf32>
    %convert_element_type3A_148 = arith.truncf %tanh3A_147 : vector<512x768xf32> to vector<512x768xbf16>
    %dot_general3A_149 = arith.constant dense<0.000000e+00> : vector<512x768xf32>
    %dot_general3A_150 = tpu.matmul %convert_element_type3A_148, %convert_element_type3A, %dot_general3A_149 {dimension_numbers = #tpu.dot_dimension_numbers<[1], [0], [0], [1], [0, 0, 1, 1], [], []>, transpose_lhs_hint = false} : vector<512x768xbf16>, vector<768x768xbf16>, vector<512x768xf32> -> vector<512x768xf32>
    %slice3A_151 = vector.extract_strided_slice %get3A_78 {offsets = [0, 6], sizes = [512, 1], strides = [1, 1]} : vector<512x12xi32> to vector<512x1xi32>
    %squeeze3A_152 = vector.shape_cast %slice3A_151 : vector<512x1xi32> to vector<512xi32>
    %broadcast_in_dim3A_153 = vector.shape_cast %squeeze3A_152 : vector<512xi32> to vector<512x1xi32>
    %eq3A_154 = vector.broadcast %broadcast_in_dim3A_153 : vector<512x1xi32> to vector<512x16xi32>
    %eq3A_155 = arith.cmpi eq, %eq3A_154, %iota3A : vector<512x16xi32>
    %convert_element_type3A_156 = arith.extui %eq3A_155 : vector<512x16xi1> to vector<512x16xi32>
    %convert_element_type3A_157 = arith.sitofp %convert_element_type3A_156 : vector<512x16xi32> to vector<512x16xf32>
    %dot_general3A_158 = arith.constant dense<0.000000e+00> : vector<512x768xf32>
    %dot_general3A_159 = tpu.matmul %convert_element_type3A_157, %add3A_61, %dot_general3A_158 {dimension_numbers = #tpu.dot_dimension_numbers<[1], [0], [0], [1], [0, 0, 1, 1], [], []>, transpose_lhs_hint = false} : vector<512x16xf32>, vector<16x768xf32>, vector<512x768xf32> -> vector<512x768xf32>
    %add3A_160 = arith.addf %dot_general3A_159, %dot_general3A_150 : vector<512x768xf32>
    %tanh3A_161 = math.tanh %add3A_160 : vector<512x768xf32>
    %convert_element_type3A_162 = arith.truncf %tanh3A_161 : vector<512x768xf32> to vector<512x768xbf16>
    %dot_general3A_163 = arith.constant dense<0.000000e+00> : vector<512x768xf32>
    %dot_general3A_164 = tpu.matmul %convert_element_type3A_162, %convert_element_type3A, %dot_general3A_163 {dimension_numbers = #tpu.dot_dimension_numbers<[1], [0], [0], [1], [0, 0, 1, 1], [], []>, transpose_lhs_hint = false} : vector<512x768xbf16>, vector<768x768xbf16>, vector<512x768xf32> -> vector<512x768xf32>
    %slice3A_165 = vector.extract_strided_slice %get3A_78 {offsets = [0, 7], sizes = [512, 1], strides = [1, 1]} : vector<512x12xi32> to vector<512x1xi32>
    %squeeze3A_166 = vector.shape_cast %slice3A_165 : vector<512x1xi32> to vector<512xi32>
    %broadcast_in_dim3A_167 = vector.shape_cast %squeeze3A_166 : vector<512xi32> to vector<512x1xi32>
    %eq3A_168 = vector.broadcast %broadcast_in_dim3A_167 : vector<512x1xi32> to vector<512x16xi32>
    %eq3A_169 = arith.cmpi eq, %eq3A_168, %iota3A : vector<512x16xi32>
    %convert_element_type3A_170 = arith.extui %eq3A_169 : vector<512x16xi1> to vector<512x16xi32>
    %convert_element_type3A_171 = arith.sitofp %convert_element_type3A_170 : vector<512x16xi32> to vector<512x16xf32>
    %dot_general3A_172 = arith.constant dense<0.000000e+00> : vector<512x768xf32>
    %dot_general3A_173 = tpu.matmul %convert_element_type3A_171, %add3A_61, %dot_general3A_172 {dimension_numbers = #tpu.dot_dimension_numbers<[1], [0], [0], [1], [0, 0, 1, 1], [], []>, transpose_lhs_hint = false} : vector<512x16xf32>, vector<16x768xf32>, vector<512x768xf32> -> vector<512x768xf32>
    %add3A_174 = arith.addf %dot_general3A_173, %dot_general3A_164 : vector<512x768xf32>
    %tanh3A_175 = math.tanh %add3A_174 : vector<512x768xf32>
    %convert_element_type3A_176 = arith.truncf %tanh3A_175 : vector<512x768xf32> to vector<512x768xbf16>
    %dot_general3A_177 = arith.constant dense<0.000000e+00> : vector<512x768xf32>
    %dot_general3A_178 = tpu.matmul %convert_element_type3A_176, %convert_element_type3A, %dot_general3A_177 {dimension_numbers = #tpu.dot_dimension_numbers<[1], [0], [0], [1], [0, 0, 1, 1], [], []>, transpose_lhs_hint = false} : vector<512x768xbf16>, vector<768x768xbf16>, vector<512x768xf32> -> vector<512x768xf32>
    %slice3A_179 = vector.extract_strided_slice %get3A_78 {offsets = [0, 8], sizes = [512, 1], strides = [1, 1]} : vector<512x12xi32> to vector<512x1xi32>
    %squeeze3A_180 = vector.shape_cast %slice3A_179 : vector<512x1xi32> to vector<512xi32>
    %broadcast_in_dim3A_181 = vector.shape_cast %squeeze3A_180 : vector<512xi32> to vector<512x1xi32>
    %eq3A_182 = vector.broadcast %broadcast_in_dim3A_181 : vector<512x1xi32> to vector<512x16xi32>
    %eq3A_183 = arith.cmpi eq, %eq3A_182, %iota3A : vector<512x16xi32>
    %convert_element_type3A_184 = arith.extui %eq3A_183 : vector<512x16xi1> to vector<512x16xi32>
    %convert_element_type3A_185 = arith.sitofp %convert_element_type3A_184 : vector<512x16xi32> to vector<512x16xf32>
    %dot_general3A_186 = arith.constant dense<0.000000e+00> : vector<512x768xf32>
    %dot_general3A_187 = tpu.matmul %convert_element_type3A_185, %add3A_61, %dot_general3A_186 {dimension_numbers = #tpu.dot_dimension_numbers<[1], [0], [0], [1], [0, 0, 1, 1], [], []>, transpose_lhs_hint = false} : vector<512x16xf32>, vector<16x768xf32>, vector<512x768xf32> -> vector<512x768xf32>
    %add3A_188 = arith.addf %dot_general3A_187, %dot_general3A_178 : vector<512x768xf32>
    %tanh3A_189 = math.tanh %add3A_188 : vector<512x768xf32>
    %convert_element_type3A_190 = arith.truncf %tanh3A_189 : vector<512x768xf32> to vector<512x768xbf16>
    %dot_general3A_191 = arith.constant dense<0.000000e+00> : vector<512x768xf32>
    %dot_general3A_192 = tpu.matmul %convert_element_type3A_190, %convert_element_type3A, %dot_general3A_191 {dimension_numbers = #tpu.dot_dimension_numbers<[1], [0], [0], [1], [0, 0, 1, 1], [], []>, transpose_lhs_hint = false} : vector<512x768xbf16>, vector<768x768xbf16>, vector<512x768xf32> -> vector<512x768xf32>
    %slice3A_193 = vector.extract_strided_slice %get3A_78 {offsets = [0, 9], sizes = [512, 1], strides = [1, 1]} : vector<512x12xi32> to vector<512x1xi32>
    %squeeze3A_194 = vector.shape_cast %slice3A_193 : vector<512x1xi32> to vector<512xi32>
    %broadcast_in_dim3A_195 = vector.shape_cast %squeeze3A_194 : vector<512xi32> to vector<512x1xi32>
    %eq3A_196 = vector.broadcast %broadcast_in_dim3A_195 : vector<512x1xi32> to vector<512x16xi32>
    %eq3A_197 = arith.cmpi eq, %eq3A_196, %iota3A : vector<512x16xi32>
    %convert_element_type3A_198 = arith.extui %eq3A_197 : vector<512x16xi1> to vector<512x16xi32>
    %convert_element_type3A_199 = arith.sitofp %convert_element_type3A_198 : vector<512x16xi32> to vector<512x16xf32>
    %dot_general3A_200 = arith.constant dense<0.000000e+00> : vector<512x768xf32>
    %dot_general3A_201 = tpu.matmul %convert_element_type3A_199, %add3A_61, %dot_general3A_200 {dimension_numbers = #tpu.dot_dimension_numbers<[1], [0], [0], [1], [0, 0, 1, 1], [], []>, transpose_lhs_hint = false} : vector<512x16xf32>, vector<16x768xf32>, vector<512x768xf32> -> vector<512x768xf32>
    %add3A_202 = arith.addf %dot_general3A_201, %dot_general3A_192 : vector<512x768xf32>
    %tanh3A_203 = math.tanh %add3A_202 : vector<512x768xf32>
    %convert_element_type3A_204 = arith.truncf %tanh3A_203 : vector<512x768xf32> to vector<512x768xbf16>
    %dot_general3A_205 = arith.constant dense<0.000000e+00> : vector<512x768xf32>
    %dot_general3A_206 = tpu.matmul %convert_element_type3A_204, %convert_element_type3A, %dot_general3A_205 {dimension_numbers = #tpu.dot_dimension_numbers<[1], [0], [0], [1], [0, 0, 1, 1], [], []>, transpose_lhs_hint = false} : vector<512x768xbf16>, vector<768x768xbf16>, vector<512x768xf32> -> vector<512x768xf32>
    %slice3A_207 = vector.extract_strided_slice %get3A_78 {offsets = [0, 10], sizes = [512, 1], strides = [1, 1]} : vector<512x12xi32> to vector<512x1xi32>
    %squeeze3A_208 = vector.shape_cast %slice3A_207 : vector<512x1xi32> to vector<512xi32>
    %broadcast_in_dim3A_209 = vector.shape_cast %squeeze3A_208 : vector<512xi32> to vector<512x1xi32>
    %eq3A_210 = vector.broadcast %broadcast_in_dim3A_209 : vector<512x1xi32> to vector<512x16xi32>
    %eq3A_211 = arith.cmpi eq, %eq3A_210, %iota3A : vector<512x16xi32>
    %convert_element_type3A_212 = arith.extui %eq3A_211 : vector<512x16xi1> to vector<512x16xi32>
    %convert_element_type3A_213 = arith.sitofp %convert_element_type3A_212 : vector<512x16xi32> to vector<512x16xf32>
    %dot_general3A_214 = arith.constant dense<0.000000e+00> : vector<512x768xf32>
    %dot_general3A_215 = tpu.matmul %convert_element_type3A_213, %add3A_61, %dot_general3A_214 {dimension_numbers = #tpu.dot_dimension_numbers<[1], [0], [0], [1], [0, 0, 1, 1], [], []>, transpose_lhs_hint = false} : vector<512x16xf32>, vector<16x768xf32>, vector<512x768xf32> -> vector<512x768xf32>
    %add3A_216 = arith.addf %dot_general3A_215, %dot_general3A_206 : vector<512x768xf32>
    %tanh3A_217 = math.tanh %add3A_216 : vector<512x768xf32>
    %convert_element_type3A_218 = arith.truncf %tanh3A_217 : vector<512x768xf32> to vector<512x768xbf16>
    %dot_general3A_219 = arith.constant dense<0.000000e+00> : vector<512x768xf32>
    %dot_general3A_220 = tpu.matmul %convert_element_type3A_218, %convert_element_type3A, %dot_general3A_219 {dimension_numbers = #tpu.dot_dimension_numbers<[1], [0], [0], [1], [0, 0, 1, 1], [], []>, transpose_lhs_hint = false} : vector<512x768xbf16>, vector<768x768xbf16>, vector<512x768xf32> -> vector<512x768xf32>
    %slice3A_221 = vector.extract_strided_slice %get3A_78 {offsets = [0, 11], sizes = [512, 1], strides = [1, 1]} : vector<512x12xi32> to vector<512x1xi32>
    %squeeze3A_222 = vector.shape_cast %slice3A_221 : vector<512x1xi32> to vector<512xi32>
    %broadcast_in_dim3A_223 = vector.shape_cast %squeeze3A_222 : vector<512xi32> to vector<512x1xi32>
    %eq3A_224 = vector.broadcast %broadcast_in_dim3A_223 : vector<512x1xi32> to vector<512x16xi32>
    %eq3A_225 = arith.cmpi eq, %eq3A_224, %iota3A : vector<512x16xi32>
    %convert_element_type3A_226 = arith.extui %eq3A_225 : vector<512x16xi1> to vector<512x16xi32>
    %convert_element_type3A_227 = arith.sitofp %convert_element_type3A_226 : vector<512x16xi32> to vector<512x16xf32>
    %dot_general3A_228 = arith.constant dense<0.000000e+00> : vector<512x768xf32>
    %dot_general3A_229 = tpu.matmul %convert_element_type3A_227, %add3A_61, %dot_general3A_228 {dimension_numbers = #tpu.dot_dimension_numbers<[1], [0], [0], [1], [0, 0, 1, 1], [], []>, transpose_lhs_hint = false} : vector<512x16xf32>, vector<16x768xf32>, vector<512x768xf32> -> vector<512x768xf32>
    %add3A_230 = arith.addf %dot_general3A_229, %dot_general3A_220 : vector<512x768xf32>
    %tanh3A_231 = math.tanh %add3A_230 : vector<512x768xf32>
    %get3A_232 = arith.constant 0 : index
    %get3A_233 = arith.constant 0 : index
    %get3A_234 = vector.load %arg7[%get3A_232, %get3A_233] : memref<512x1xf32, #tpu.memory_space<vmem>>, vector<512x1xf32>
    %mul3A_235 = vector.broadcast %get3A_234 : vector<512x1xf32> to vector<512x768xf32>
    %mul3A_236 = arith.mulf %tanh3A_231, %mul3A_235 : vector<512x768xf32>
    %add3A_237 = arith.addf %add3A_40, %mul3A_236 : vector<512x768xf32>
    %swap3A = arith.constant 0 : index
    %swap3A_238 = arith.constant 0 : index
    %swap3A_239 = vector.load %arg14[%swap3A, %swap3A_238] : memref<512x768xf32, #tpu.memory_space<vmem>>, vector<512x768xf32>
    tpu.vector_store %arg14[%swap3A, %swap3A_238], %add3A_237 {strides = array<i32>} : memref<512x768xf32, #tpu.memory_space<vmem>>, vector<512x768xf32>,
    return
  }
  func.func @transform_0(%arg0: i32) -> (i32, i32) {
    %c0_i32 = arith.constant 0 : i32
    %c0_i32_0 = arith.constant 0 : i32
    return %arg0, %c0_i32 : i32, i32
  }
  func.func @transform_1(%arg0: i32) -> (i32, i32) {
    %add3A = arith.constant 8 : i32
    %add3A_0 = arith.addi %add3A, %arg0 : i32
    %jit3A = arith.constant 4 : i32
    %eq3A = arith.constant 0 : i32
    %eq3A_1 = arith.cmpi eq, %jit3A, %eq3A : i32
    %jit3A_2 = arith.constant 1 : i32
    %select_n3A = arith.select %eq3A_1, %jit3A_2, %jit3A : i32
    %rem3A = arith.remsi %add3A_0, %select_n3A : i32
    %ne3A = arith.constant 0 : i32
    %ne3A_3 = arith.cmpi ne, %rem3A, %ne3A : i32
    %lt3A = arith.constant 0 : i32
    %lt3A_4 = arith.cmpi slt, %rem3A, %lt3A : i32
    %lt3A_5 = arith.constant 0 : i32
    %lt3A_6 = arith.cmpi slt, %select_n3A, %lt3A_5 : i32
    %ne3A_7 = arith.xori %lt3A_4, %lt3A_6 : i1
    %and3A = arith.andi %ne3A_7, %ne3A_3 : i1
    %add3A_8 = arith.addi %rem3A, %select_n3A : i32
    %select_n3A_9 = arith.select %and3A, %add3A_8, %rem3A : i32
    %c0_i32 = arith.constant 0 : i32
    %c0_i32_10 = arith.constant 0 : i32
    return %select_n3A_9, %c0_i32 : i32, i32
  }
  func.func @transform_2(%arg0: i32) -> (i32, i32) {
    %c0_i32 = arith.constant 0 : i32
    %c0_i32_0 = arith.constant 0 : i32
    %c0_i32_1 = arith.constant 0 : i32
    return %c0_i32, %c0_i32_0 : i32, i32
  }
  func.func @transform_3(%arg0: i32) -> (i32, i32) {
    %c0_i32 = arith.constant 0 : i32
    %c0_i32_0 = arith.constant 0 : i32
    %c0_i32_1 = arith.constant 0 : i32
    return %c0_i32, %c0_i32_0 : i32, i32
  }
  func.func @transform_4(%arg0: i32) -> (i32, i32) {
    %c0_i32 = arith.constant 0 : i32
    %c0_i32_0 = arith.constant 0 : i32
    %c0_i32_1 = arith.constant 0 : i32
    return %c0_i32, %c0_i32_0 : i32, i32
  }
  func.func @transform_5(%arg0: i32) -> (i32, i32) {
    %add3A = arith.constant 8 : i32
    %add3A_0 = arith.addi %add3A, %arg0 : i32
    %c0_i32 = arith.constant 0 : i32
    %c0_i32_1 = arith.constant 0 : i32
    return %add3A_0, %c0_i32 : i32, i32
  }
  func.func @transform_6(%arg0: i32) -> (i32, i32) {
    %add3A = arith.constant 8 : i32
    %add3A_0 = arith.addi %add3A, %arg0 : i32
    %c0_i32 = arith.constant 0 : i32
    %c0_i32_1 = arith.constant 0 : i32
    return %add3A_0, %c0_i32 : i32, i32
  }
  func.func @transform_7(%arg0: i32) -> (i32, i32) {
    %c0_i32 = arith.constant 0 : i32
    %c0_i32_0 = arith.constant 0 : i32
    %c0_i32_1 = arith.constant 0 : i32
    return %c0_i32, %c0_i32_0 : i32, i32
  }
  func.func @transform_8(%arg0: i32) -> (i32, i32) {
    %c0_i32 = arith.constant 0 : i32
    %c0_i32_0 = arith.constant 0 : i32
    %c0_i32_1 = arith.constant 0 : i32
    return %c0_i32, %c0_i32_0 : i32, i32
  }
  func.func @transform_9(%arg0: i32) -> (i32, i32) {
    %c0_i32 = arith.constant 0 : i32
    %c0_i32_0 = arith.constant 0 : i32
    %c0_i32_1 = arith.constant 0 : i32
    return %c0_i32, %c0_i32_0 : i32, i32
  }
  func.func @transform_10(%arg0: i32) -> (i32, i32) {
    %c0_i32 = arith.constant 0 : i32
    %c0_i32_0 = arith.constant 0 : i32
    %c0_i32_1 = arith.constant 0 : i32
    return %c0_i32, %c0_i32_0 : i32, i32
  }
  func.func @transform_11(%arg0: i32) -> (i32, i32) {
    %c0_i32 = arith.constant 0 : i32
    %c0_i32_0 = arith.constant 0 : i32
    %c0_i32_1 = arith.constant 0 : i32
    return %c0_i32, %c0_i32_0 : i32, i32
  }
  func.func @transform_13(%arg0: i32) -> (i32, i32) {
    %add3A = arith.constant 8 : i32
    %add3A_0 = arith.addi %add3A, %arg0 : i32
    %c0_i32 = arith.constant 0 : i32
    %c0_i32_1 = arith.constant 0 : i32
    return %add3A_0, %c0_i32 : i32, i32
  }
}

module attributes {stable_mosaic.version = 14 : i64} {
  func.func @_tc_body(%arg0: i32, %arg1: memref<512x768xf32, #tpu.memory_space<vmem>>, %arg2: memref<512x768xf32, #tpu.memory_space<vmem>>, %arg3: memref<2x768xf32, #tpu.memory_space<vmem>>, %arg4: memref<1x768xf32, #tpu.memory_space<vmem>>, %arg5: memref<1x768xf32, #tpu.memory_space<vmem>>, %arg6: memref<512x12xi32, #tpu.memory_space<vmem>>, %arg7: memref<512x1xf32, #tpu.memory_space<vmem>>, %arg8: memref<16x32xf32, #tpu.memory_space<vmem>>, %arg9: memref<32x768xf32, #tpu.memory_space<vmem>>, %arg10: memref<768x768xf32, #tpu.memory_space<vmem>>, %arg11: memref<1x768xf32, #tpu.memory_space<vmem>>, %arg12: memref<1x768xf32, #tpu.memory_space<vmem>>, %arg13: memref<8192x768xf32, #tpu.memory_space<any>>, %arg14: memref<512x768xf32, #tpu.memory_space<vmem>>) attributes {dimension_semantics = [#tpu.dimension_semantics<arbitrary>], iteration_bounds = array<i64: 4>, scalar_prefetch = 0 : i64, scratch_operands = 0 : i64, tpu.core_type = #tpu.core_type<tc>, window_params = [{transform_indices = @transform_0, window_bounds = array<i64: 512, 768>}, {transform_indices = @transform_1, window_bounds = array<i64: 512, 768>}, {pipeline_mode = #tpu.pipeline_mode<synchronous>, transform_indices = @transform_2, window_bounds = array<i64: 2, 768>}, {pipeline_mode = #tpu.pipeline_mode<synchronous>, transform_indices = @transform_3, window_bounds = array<i64: 1, 768>}, {pipeline_mode = #tpu.pipeline_mode<synchronous>, transform_indices = @transform_4, window_bounds = array<i64: 1, 768>}, {transform_indices = @transform_5, window_bounds = array<i64: 512, 12>}, {transform_indices = @transform_6, window_bounds = array<i64: 512, 1>}, {pipeline_mode = #tpu.pipeline_mode<synchronous>, transform_indices = @transform_7, window_bounds = array<i64: 16, 32>}, {pipeline_mode = #tpu.pipeline_mode<synchronous>, transform_indices = @transform_8, window_bounds = array<i64: 32, 768>}, {pipeline_mode = #tpu.pipeline_mode<synchronous>, transform_indices = @transform_9, window_bounds = array<i64: 768, 768>}, {pipeline_mode = #tpu.pipeline_mode<synchronous>, transform_indices = @transform_10, window_bounds = array<i64: 1, 768>}, {pipeline_mode = #tpu.pipeline_mode<synchronous>, transform_indices = @transform_11, window_bounds = array<i64: 1, 768>}, {}, {transform_indices = @transform_13, window_bounds = array<i64: 512, 768>}]} {
    %get3A = arith.constant 0 : index
    %get3A_0 = arith.constant 0 : index
    %get3A_1 = vector.load %arg1[%get3A, %get3A_0] : memref<512x768xf32, #tpu.memory_space<vmem>>, vector<512x768xf32>
    %get3A_2 = arith.constant 0 : index
    %get3A_3 = arith.constant 0 : index
    %get3A_4 = vector.load %arg2[%get3A_2, %get3A_3] : memref<512x768xf32, #tpu.memory_space<vmem>>, vector<512x768xf32>
    %add3A = arith.addf %get3A_1, %get3A_4 : vector<512x768xf32>
    %get3A_5 = arith.constant 0 : index
    %get3A_6 = arith.constant 0 : index
    %get3A_7 = vector.load %arg3[%get3A_5, %get3A_6] : memref<2x768xf32, #tpu.memory_space<vmem>>, vector<1x768xf32>
    %get3A_8 = vector.shape_cast %get3A_7 : vector<1x768xf32> to vector<768xf32>
    %broadcast_in_dim3A = vector.shape_cast %get3A_8 : vector<768xf32> to vector<1x768xf32>
    %add3A_9 = vector.broadcast %broadcast_in_dim3A : vector<1x768xf32> to vector<512x768xf32>
    %add3A_10 = arith.addf %add3A, %add3A_9 : vector<512x768xf32>
    %reduce_sum3A = arith.constant dense<0.000000e+00> : vector<512xf32>
    %reduce_sum3A_11 = vector.multi_reduction <add>, %add3A_10, %reduce_sum3A [1] : vector<512x768xf32> to vector<512xf32>
    %broadcast_in_dim3A_12 = vector.shape_cast %reduce_sum3A_11 : vector<512xf32> to vector<512x1xf32>
    %div3A = arith.constant 7.680000e+02 : f32
    %div3A_13 = vector.broadcast %div3A : f32 to vector<512x1xf32>
    %div3A_14 = arith.divf %broadcast_in_dim3A_12, %div3A_13 : vector<512x1xf32>
    %sub3A = vector.broadcast %div3A_14 : vector<512x1xf32> to vector<512x768xf32>
    %sub3A_15 = arith.subf %add3A_10, %sub3A : vector<512x768xf32>
    %mul3A = arith.mulf %sub3A_15, %sub3A_15 : vector<512x768xf32>
    %reduce_sum3A_16 = arith.constant dense<0.000000e+00> : vector<512xf32>
    %reduce_sum3A_17 = vector.multi_reduction <add>, %mul3A, %reduce_sum3A_16 [1] : vector<512x768xf32> to vector<512xf32>
    %broadcast_in_dim3A_18 = vector.shape_cast %reduce_sum3A_17 : vector<512xf32> to vector<512x1xf32>
    %div3A_19 = arith.constant 7.680000e+02 : f32
    %div3A_20 = vector.broadcast %div3A_19 : f32 to vector<512x1xf32>
    %div3A_21 = arith.divf %broadcast_in_dim3A_18, %div3A_20 : vector<512x1xf32>
    %add3A_22 = arith.constant 9.99999996E-13 : f32
    %add3A_23 = vector.broadcast %add3A_22 : f32 to vector<512x1xf32>
    %add3A_24 = arith.addf %div3A_21, %add3A_23 : vector<512x1xf32>
    %rsqrt3A = math.rsqrt %add3A_24 : vector<512x1xf32>
    %mul3A_25 = vector.broadcast %rsqrt3A : vector<512x1xf32> to vector<512x768xf32>
    %mul3A_26 = arith.mulf %sub3A_15, %mul3A_25 : vector<512x768xf32>
    %get3A_27 = arith.constant 0 : index
    %get3A_28 = arith.constant 0 : index
    %get3A_29 = vector.load %arg4[%get3A_27, %get3A_28] : memref<1x768xf32, #tpu.memory_space<vmem>>, vector<1x768xf32>
    %get3A_30 = vector.shape_cast %get3A_29 : vector<1x768xf32> to vector<768xf32>
    %broadcast_in_dim3A_31 = vector.shape_cast %get3A_30 : vector<768xf32> to vector<1x768xf32>
    %mul3A_32 = vector.broadcast %broadcast_in_dim3A_31 : vector<1x768xf32> to vector<512x768xf32>
    %mul3A_33 = arith.mulf %mul3A_26, %mul3A_32 : vector<512x768xf32>
    %get3A_34 = arith.constant 0 : index
    %get3A_35 = arith.constant 0 : index
    %get3A_36 = vector.load %arg5[%get3A_34, %get3A_35] : memref<1x768xf32, #tpu.memory_space<vmem>>, vector<1x768xf32>
    %get3A_37 = vector.shape_cast %get3A_36 : vector<1x768xf32> to vector<768xf32>
    %broadcast_in_dim3A_38 = vector.shape_cast %get3A_37 : vector<768xf32> to vector<1x768xf32>
    %add3A_39 = vector.broadcast %broadcast_in_dim3A_38 : vector<1x768xf32> to vector<512x768xf32>
    %add3A_40 = arith.addf %mul3A_33, %add3A_39 : vector<512x768xf32>
    %get3A_41 = arith.constant 0 : index
    %get3A_42 = arith.constant 0 : index
    %get3A_43 = vector.load %arg8[%get3A_41, %get3A_42] : memref<16x32xf32, #tpu.memory_space<vmem>>, vector<16x32xf32>
    %get3A_44 = arith.constant 0 : index
    %get3A_45 = arith.constant 0 : index
    %get3A_46 = vector.load %arg9[%get3A_44, %get3A_45] : memref<32x768xf32, #tpu.memory_space<vmem>>, vector<32x768xf32>
    %dot_general3A = arith.constant dense<0.000000e+00> : vector<16x768xf32>
    %dot_general3A_47 = tpu.matmul %get3A_43, %get3A_46, %dot_general3A {dimension_numbers = #tpu.dot_dimension_numbers<[1], [0], [0], [1], [0, 0, 1, 1], [], []>, transpose_lhs_hint = false} : vector<16x32xf32>, vector<32x768xf32>, vector<16x768xf32> -> vector<16x768xf32>
    %get3A_48 = arith.constant 0 : index
    %get3A_49 = arith.constant 0 : index
    %get3A_50 = vector.load %arg11[%get3A_48, %get3A_49] : memref<1x768xf32, #tpu.memory_space<vmem>>, vector<1x768xf32>
    %get3A_51 = vector.shape_cast %get3A_50 : vector<1x768xf32> to vector<768xf32>
    %broadcast_in_dim3A_52 = vector.shape_cast %get3A_51 : vector<768xf32> to vector<1x768xf32>
    %add3A_53 = vector.broadcast %broadcast_in_dim3A_52 : vector<1x768xf32> to vector<16x768xf32>
    %add3A_54 = arith.addf %dot_general3A_47, %add3A_53 : vector<16x768xf32>
    %get3A_55 = arith.constant 0 : index
    %get3A_56 = arith.constant 0 : index
    %get3A_57 = vector.load %arg12[%get3A_55, %get3A_56] : memref<1x768xf32, #tpu.memory_space<vmem>>, vector<1x768xf32>
    %get3A_58 = vector.shape_cast %get3A_57 : vector<1x768xf32> to vector<768xf32>
    %broadcast_in_dim3A_59 = vector.shape_cast %get3A_58 : vector<768xf32> to vector<1x768xf32>
    %add3A_60 = vector.broadcast %broadcast_in_dim3A_59 : vector<1x768xf32> to vector<16x768xf32>
    %add3A_61 = arith.addf %add3A_54, %add3A_60 : vector<16x768xf32>
    %get3A_62 = arith.constant 0 : index
    %get3A_63 = arith.constant 0 : index
    %get3A_64 = vector.load %arg10[%get3A_62, %get3A_63] : memref<768x768xf32, #tpu.memory_space<vmem>>, vector<768x768xf32>
    %convert_element_type3A = arith.truncf %get3A_64 : vector<768x768xf32> to vector<768x768xbf16>
    %tanh3A = math.tanh %add3A_61 : vector<16x768xf32>
    %get3A_65 = arith.constant 0 : index
    %get3A_66 = arith.constant 0 : index
    %get3A_67 = vector.load %arg10[%get3A_65, %get3A_66] : memref<768x768xf32, #tpu.memory_space<vmem>>, vector<768x768xf32>
    %dot_general3A_68 = arith.constant dense<0.000000e+00> : vector<16x768xf32>
    %dot_general3A_69 = tpu.matmul %tanh3A, %get3A_67, %dot_general3A_68 {dimension_numbers = #tpu.dot_dimension_numbers<[1], [0], [0], [1], [0, 0, 1, 1], [], []>, transpose_lhs_hint = false} : vector<16x768xf32>, vector<768x768xf32>, vector<16x768xf32> -> vector<16x768xf32>
    %broadcast_in_dim3A_70 = vector.shape_cast %dot_general3A_69 : vector<16x768xf32> to vector<16x1x768xf32>
    %broadcast_in_dim3A_71 = vector.shape_cast %add3A_61 : vector<16x768xf32> to vector<1x16x768xf32>
    %add3A_72 = vector.broadcast %broadcast_in_dim3A_70 : vector<16x1x768xf32> to vector<16x16x768xf32>
    %add3A_73 = vector.broadcast %broadcast_in_dim3A_71 : vector<1x16x768xf32> to vector<16x16x768xf32>
    %add3A_74 = arith.addf %add3A_72, %add3A_73 : vector<16x16x768xf32>
    %tanh3A_75 = math.tanh %add3A_74 : vector<16x16x768xf32>
    %reshape3A = vector.shape_cast %tanh3A_75 : vector<16x16x768xf32> to vector<256x768xf32>
    %get3A_76 = arith.constant 0 : index
    %get3A_77 = arith.constant 0 : index
    %get3A_78 = vector.load %arg6[%get3A_76, %get3A_77] : memref<512x12xi32, #tpu.memory_space<vmem>>, vector<512x12xi32>
    %iota3A = tpu.iota {dimensions = array<i32: 1>} : vector<512x16xi32>
    %iota3A_79 = tpu.iota {dimensions = array<i32: 1>} : vector<512x256xi32>
    %slice3A = vector.extract_strided_slice %get3A_78 {offsets = [0, 0], sizes = [512, 1], strides = [1, 1]} : vector<512x12xi32> to vector<512x1xi32>
    %squeeze3A = vector.shape_cast %slice3A : vector<512x1xi32> to vector<512xi32>
    %mul3A_80 = arith.constant 16 : i32
    %mul3A_81 = vector.broadcast %mul3A_80 : i32 to vector<512xi32>
    %mul3A_82 = arith.muli %squeeze3A, %mul3A_81 : vector<512xi32>
    %slice3A_83 = vector.extract_strided_slice %get3A_78 {offsets = [0, 1], sizes = [512, 1], strides = [1, 1]} : vector<512x12xi32> to vector<512x1xi32>
    %squeeze3A_84 = vector.shape_cast %slice3A_83 : vector<512x1xi32> to vector<512xi32>
    %add3A_85 = arith.addi %mul3A_82, %squeeze3A_84 : vector<512xi32>
    %broadcast_in_dim3A_86 = vector.shape_cast %add3A_85 : vector<512xi32> to vector<512x1xi32>
    %eq3A = vector.broadcast %broadcast_in_dim3A_86 : vector<512x1xi32> to vector<512x256xi32>
    %eq3A_87 = arith.cmpi eq, %eq3A, %iota3A_79 : vector<512x256xi32>
    %convert_element_type3A_88 = arith.extui %eq3A_87 : vector<512x256xi1> to vector<512x256xi32>
    %convert_element_type3A_89 = arith.sitofp %convert_element_type3A_88 : vector<512x256xi32> to vector<512x256xf32>
    %dot_general3A_90 = arith.constant dense<0.000000e+00> : vector<512x768xf32>
    %dot_general3A_91 = tpu.matmul %convert_element_type3A_89, %reshape3A, %dot_general3A_90 {dimension_numbers = #tpu.dot_dimension_numbers<[1], [0], [0], [1], [0, 0, 1, 1], [], []>, transpose_lhs_hint = false} : vector<512x256xf32>, vector<256x768xf32>, vector<512x768xf32> -> vector<512x768xf32>
    %convert_element_type3A_92 = arith.truncf %dot_general3A_91 : vector<512x768xf32> to vector<512x768xbf16>
    %dot_general3A_93 = arith.constant dense<0.000000e+00> : vector<512x768xf32>
    %dot_general3A_94 = tpu.matmul %convert_element_type3A_92, %convert_element_type3A, %dot_general3A_93 {dimension_numbers = #tpu.dot_dimension_numbers<[1], [0], [0], [1], [0, 0, 1, 1], [], []>, transpose_lhs_hint = false} : vector<512x768xbf16>, vector<768x768xbf16>, vector<512x768xf32> -> vector<512x768xf32>
    %slice3A_95 = vector.extract_strided_slice %get3A_78 {offsets = [0, 2], sizes = [512, 1], strides = [1, 1]} : vector<512x12xi32> to vector<512x1xi32>
    %squeeze3A_96 = vector.shape_cast %slice3A_95 : vector<512x1xi32> to vector<512xi32>
    %broadcast_in_dim3A_97 = vector.shape_cast %squeeze3A_96 : vector<512xi32> to vector<512x1xi32>
    %eq3A_98 = vector.broadcast %broadcast_in_dim3A_97 : vector<512x1xi32> to vector<512x16xi32>
    %eq3A_99 = arith.cmpi eq, %eq3A_98, %iota3A : vector<512x16xi32>
    %convert_element_type3A_100 = arith.extui %eq3A_99 : vector<512x16xi1> to vector<512x16xi32>
    %convert_element_type3A_101 = arith.sitofp %convert_element_type3A_100 : vector<512x16xi32> to vector<512x16xf32>
    %dot_general3A_102 = arith.constant dense<0.000000e+00> : vector<512x768xf32>
    %dot_general3A_103 = tpu.matmul %convert_element_type3A_101, %add3A_61, %dot_general3A_102 {dimension_numbers = #tpu.dot_dimension_numbers<[1], [0], [0], [1], [0, 0, 1, 1], [], []>, transpose_lhs_hint = false} : vector<512x16xf32>, vector<16x768xf32>, vector<512x768xf32> -> vector<512x768xf32>
    %add3A_104 = arith.addf %dot_general3A_103, %dot_general3A_94 : vector<512x768xf32>
    %tanh3A_105 = math.tanh %add3A_104 : vector<512x768xf32>
    %convert_element_type3A_106 = arith.truncf %tanh3A_105 : vector<512x768xf32> to vector<512x768xbf16>
    %dot_general3A_107 = arith.constant dense<0.000000e+00> : vector<512x768xf32>
    %dot_general3A_108 = tpu.matmul %convert_element_type3A_106, %convert_element_type3A, %dot_general3A_107 {dimension_numbers = #tpu.dot_dimension_numbers<[1], [0], [0], [1], [0, 0, 1, 1], [], []>, transpose_lhs_hint = false} : vector<512x768xbf16>, vector<768x768xbf16>, vector<512x768xf32> -> vector<512x768xf32>
    %slice3A_109 = vector.extract_strided_slice %get3A_78 {offsets = [0, 3], sizes = [512, 1], strides = [1, 1]} : vector<512x12xi32> to vector<512x1xi32>
    %squeeze3A_110 = vector.shape_cast %slice3A_109 : vector<512x1xi32> to vector<512xi32>
    %broadcast_in_dim3A_111 = vector.shape_cast %squeeze3A_110 : vector<512xi32> to vector<512x1xi32>
    %eq3A_112 = vector.broadcast %broadcast_in_dim3A_111 : vector<512x1xi32> to vector<512x16xi32>
    %eq3A_113 = arith.cmpi eq, %eq3A_112, %iota3A : vector<512x16xi32>
    %convert_element_type3A_114 = arith.extui %eq3A_113 : vector<512x16xi1> to vector<512x16xi32>
    %convert_element_type3A_115 = arith.sitofp %convert_element_type3A_114 : vector<512x16xi32> to vector<512x16xf32>
    %dot_general3A_116 = arith.constant dense<0.000000e+00> : vector<512x768xf32>
    %dot_general3A_117 = tpu.matmul %convert_element_type3A_115, %add3A_61, %dot_general3A_116 {dimension_numbers = #tpu.dot_dimension_numbers<[1], [0], [0], [1], [0, 0, 1, 1], [], []>, transpose_lhs_hint = false} : vector<512x16xf32>, vector<16x768xf32>, vector<512x768xf32> -> vector<512x768xf32>
    %add3A_118 = arith.addf %dot_general3A_117, %dot_general3A_108 : vector<512x768xf32>
    %tanh3A_119 = math.tanh %add3A_118 : vector<512x768xf32>
    %convert_element_type3A_120 = arith.truncf %tanh3A_119 : vector<512x768xf32> to vector<512x768xbf16>
    %dot_general3A_121 = arith.constant dense<0.000000e+00> : vector<512x768xf32>
    %dot_general3A_122 = tpu.matmul %convert_element_type3A_120, %convert_element_type3A, %dot_general3A_121 {dimension_numbers = #tpu.dot_dimension_numbers<[1], [0], [0], [1], [0, 0, 1, 1], [], []>, transpose_lhs_hint = false} : vector<512x768xbf16>, vector<768x768xbf16>, vector<512x768xf32> -> vector<512x768xf32>
    %slice3A_123 = vector.extract_strided_slice %get3A_78 {offsets = [0, 4], sizes = [512, 1], strides = [1, 1]} : vector<512x12xi32> to vector<512x1xi32>
    %squeeze3A_124 = vector.shape_cast %slice3A_123 : vector<512x1xi32> to vector<512xi32>
    %broadcast_in_dim3A_125 = vector.shape_cast %squeeze3A_124 : vector<512xi32> to vector<512x1xi32>
    %eq3A_126 = vector.broadcast %broadcast_in_dim3A_125 : vector<512x1xi32> to vector<512x16xi32>
    %eq3A_127 = arith.cmpi eq, %eq3A_126, %iota3A : vector<512x16xi32>
    %convert_element_type3A_128 = arith.extui %eq3A_127 : vector<512x16xi1> to vector<512x16xi32>
    %convert_element_type3A_129 = arith.sitofp %convert_element_type3A_128 : vector<512x16xi32> to vector<512x16xf32>
    %dot_general3A_130 = arith.constant dense<0.000000e+00> : vector<512x768xf32>
    %dot_general3A_131 = tpu.matmul %convert_element_type3A_129, %add3A_61, %dot_general3A_130 {dimension_numbers = #tpu.dot_dimension_numbers<[1], [0], [0], [1], [0, 0, 1, 1], [], []>, transpose_lhs_hint = false} : vector<512x16xf32>, vector<16x768xf32>, vector<512x768xf32> -> vector<512x768xf32>
    %add3A_132 = arith.addf %dot_general3A_131, %dot_general3A_122 : vector<512x768xf32>
    %tanh3A_133 = math.tanh %add3A_132 : vector<512x768xf32>
    %convert_element_type3A_134 = arith.truncf %tanh3A_133 : vector<512x768xf32> to vector<512x768xbf16>
    %dot_general3A_135 = arith.constant dense<0.000000e+00> : vector<512x768xf32>
    %dot_general3A_136 = tpu.matmul %convert_element_type3A_134, %convert_element_type3A, %dot_general3A_135 {dimension_numbers = #tpu.dot_dimension_numbers<[1], [0], [0], [1], [0, 0, 1, 1], [], []>, transpose_lhs_hint = false} : vector<512x768xbf16>, vector<768x768xbf16>, vector<512x768xf32> -> vector<512x768xf32>
    %slice3A_137 = vector.extract_strided_slice %get3A_78 {offsets = [0, 5], sizes = [512, 1], strides = [1, 1]} : vector<512x12xi32> to vector<512x1xi32>
    %squeeze3A_138 = vector.shape_cast %slice3A_137 : vector<512x1xi32> to vector<512xi32>
    %broadcast_in_dim3A_139 = vector.shape_cast %squeeze3A_138 : vector<512xi32> to vector<512x1xi32>
    %eq3A_140 = vector.broadcast %broadcast_in_dim3A_139 : vector<512x1xi32> to vector<512x16xi32>
    %eq3A_141 = arith.cmpi eq, %eq3A_140, %iota3A : vector<512x16xi32>
    %convert_element_type3A_142 = arith.extui %eq3A_141 : vector<512x16xi1> to vector<512x16xi32>
    %convert_element_type3A_143 = arith.sitofp %convert_element_type3A_142 : vector<512x16xi32> to vector<512x16xf32>
    %dot_general3A_144 = arith.constant dense<0.000000e+00> : vector<512x768xf32>
    %dot_general3A_145 = tpu.matmul %convert_element_type3A_143, %add3A_61, %dot_general3A_144 {dimension_numbers = #tpu.dot_dimension_numbers<[1], [0], [0], [1], [0, 0, 1, 1], [], []>, transpose_lhs_hint = false} : vector<512x16xf32>, vector<16x768xf32>, vector<512x768xf32> -> vector<512x768xf32>
    %add3A_146 = arith.addf %dot_general3A_145, %dot_general3A_136 : vector<512x768xf32>
    %tanh3A_147 = math.tanh %add3A_146 : vector<512x768xf32>
    %convert_element_type3A_148 = arith.truncf %tanh3A_147 : vector<512x768xf32> to vector<512x768xbf16>
    %dot_general3A_149 = arith.constant dense<0.000000e+00> : vector<512x768xf32>
    %dot_general3A_150 = tpu.matmul %convert_element_type3A_148, %convert_element_type3A, %dot_general3A_149 {dimension_numbers = #tpu.dot_dimension_numbers<[1], [0], [0], [1], [0, 0, 1, 1], [], []>, transpose_lhs_hint = false} : vector<512x768xbf16>, vector<768x768xbf16>, vector<512x768xf32> -> vector<512x768xf32>
    %slice3A_151 = vector.extract_strided_slice %get3A_78 {offsets = [0, 6], sizes = [512, 1], strides = [1, 1]} : vector<512x12xi32> to vector<512x1xi32>
    %squeeze3A_152 = vector.shape_cast %slice3A_151 : vector<512x1xi32> to vector<512xi32>
    %broadcast_in_dim3A_153 = vector.shape_cast %squeeze3A_152 : vector<512xi32> to vector<512x1xi32>
    %eq3A_154 = vector.broadcast %broadcast_in_dim3A_153 : vector<512x1xi32> to vector<512x16xi32>
    %eq3A_155 = arith.cmpi eq, %eq3A_154, %iota3A : vector<512x16xi32>
    %convert_element_type3A_156 = arith.extui %eq3A_155 : vector<512x16xi1> to vector<512x16xi32>
    %convert_element_type3A_157 = arith.sitofp %convert_element_type3A_156 : vector<512x16xi32> to vector<512x16xf32>
    %dot_general3A_158 = arith.constant dense<0.000000e+00> : vector<512x768xf32>
    %dot_general3A_159 = tpu.matmul %convert_element_type3A_157, %add3A_61, %dot_general3A_158 {dimension_numbers = #tpu.dot_dimension_numbers<[1], [0], [0], [1], [0, 0, 1, 1], [], []>, transpose_lhs_hint = false} : vector<512x16xf32>, vector<16x768xf32>, vector<512x768xf32> -> vector<512x768xf32>
    %add3A_160 = arith.addf %dot_general3A_159, %dot_general3A_150 : vector<512x768xf32>
    %tanh3A_161 = math.tanh %add3A_160 : vector<512x768xf32>
    %convert_element_type3A_162 = arith.truncf %tanh3A_161 : vector<512x768xf32> to vector<512x768xbf16>
    %dot_general3A_163 = arith.constant dense<0.000000e+00> : vector<512x768xf32>
    %dot_general3A_164 = tpu.matmul %convert_element_type3A_162, %convert_element_type3A, %dot_general3A_163 {dimension_numbers = #tpu.dot_dimension_numbers<[1], [0], [0], [1], [0, 0, 1, 1], [], []>, transpose_lhs_hint = false} : vector<512x768xbf16>, vector<768x768xbf16>, vector<512x768xf32> -> vector<512x768xf32>
    %slice3A_165 = vector.extract_strided_slice %get3A_78 {offsets = [0, 7], sizes = [512, 1], strides = [1, 1]} : vector<512x12xi32> to vector<512x1xi32>
    %squeeze3A_166 = vector.shape_cast %slice3A_165 : vector<512x1xi32> to vector<512xi32>
    %broadcast_in_dim3A_167 = vector.shape_cast %squeeze3A_166 : vector<512xi32> to vector<512x1xi32>
    %eq3A_168 = vector.broadcast %broadcast_in_dim3A_167 : vector<512x1xi32> to vector<512x16xi32>
    %eq3A_169 = arith.cmpi eq, %eq3A_168, %iota3A : vector<512x16xi32>
    %convert_element_type3A_170 = arith.extui %eq3A_169 : vector<512x16xi1> to vector<512x16xi32>
    %convert_element_type3A_171 = arith.sitofp %convert_element_type3A_170 : vector<512x16xi32> to vector<512x16xf32>
    %dot_general3A_172 = arith.constant dense<0.000000e+00> : vector<512x768xf32>
    %dot_general3A_173 = tpu.matmul %convert_element_type3A_171, %add3A_61, %dot_general3A_172 {dimension_numbers = #tpu.dot_dimension_numbers<[1], [0], [0], [1], [0, 0, 1, 1], [], []>, transpose_lhs_hint = false} : vector<512x16xf32>, vector<16x768xf32>, vector<512x768xf32> -> vector<512x768xf32>
    %add3A_174 = arith.addf %dot_general3A_173, %dot_general3A_164 : vector<512x768xf32>
    %tanh3A_175 = math.tanh %add3A_174 : vector<512x768xf32>
    %convert_element_type3A_176 = arith.truncf %tanh3A_175 : vector<512x768xf32> to vector<512x768xbf16>
    %dot_general3A_177 = arith.constant dense<0.000000e+00> : vector<512x768xf32>
    %dot_general3A_178 = tpu.matmul %convert_element_type3A_176, %convert_element_type3A, %dot_general3A_177 {dimension_numbers = #tpu.dot_dimension_numbers<[1], [0], [0], [1], [0, 0, 1, 1], [], []>, transpose_lhs_hint = false} : vector<512x768xbf16>, vector<768x768xbf16>, vector<512x768xf32> -> vector<512x768xf32>
    %slice3A_179 = vector.extract_strided_slice %get3A_78 {offsets = [0, 8], sizes = [512, 1], strides = [1, 1]} : vector<512x12xi32> to vector<512x1xi32>
    %squeeze3A_180 = vector.shape_cast %slice3A_179 : vector<512x1xi32> to vector<512xi32>
    %broadcast_in_dim3A_181 = vector.shape_cast %squeeze3A_180 : vector<512xi32> to vector<512x1xi32>
    %eq3A_182 = vector.broadcast %broadcast_in_dim3A_181 : vector<512x1xi32> to vector<512x16xi32>
    %eq3A_183 = arith.cmpi eq, %eq3A_182, %iota3A : vector<512x16xi32>
    %convert_element_type3A_184 = arith.extui %eq3A_183 : vector<512x16xi1> to vector<512x16xi32>
    %convert_element_type3A_185 = arith.sitofp %convert_element_type3A_184 : vector<512x16xi32> to vector<512x16xf32>
    %dot_general3A_186 = arith.constant dense<0.000000e+00> : vector<512x768xf32>
    %dot_general3A_187 = tpu.matmul %convert_element_type3A_185, %add3A_61, %dot_general3A_186 {dimension_numbers = #tpu.dot_dimension_numbers<[1], [0], [0], [1], [0, 0, 1, 1], [], []>, transpose_lhs_hint = false} : vector<512x16xf32>, vector<16x768xf32>, vector<512x768xf32> -> vector<512x768xf32>
    %add3A_188 = arith.addf %dot_general3A_187, %dot_general3A_178 : vector<512x768xf32>
    %tanh3A_189 = math.tanh %add3A_188 : vector<512x768xf32>
    %convert_element_type3A_190 = arith.truncf %tanh3A_189 : vector<512x768xf32> to vector<512x768xbf16>
    %dot_general3A_191 = arith.constant dense<0.000000e+00> : vector<512x768xf32>
    %dot_general3A_192 = tpu.matmul %convert_element_type3A_190, %convert_element_type3A, %dot_general3A_191 {dimension_numbers = #tpu.dot_dimension_numbers<[1], [0], [0], [1], [0, 0, 1, 1], [], []>, transpose_lhs_hint = false} : vector<512x768xbf16>, vector<768x768xbf16>, vector<512x768xf32> -> vector<512x768xf32>
    %slice3A_193 = vector.extract_strided_slice %get3A_78 {offsets = [0, 9], sizes = [512, 1], strides = [1, 1]} : vector<512x12xi32> to vector<512x1xi32>
    %squeeze3A_194 = vector.shape_cast %slice3A_193 : vector<512x1xi32> to vector<512xi32>
    %broadcast_in_dim3A_195 = vector.shape_cast %squeeze3A_194 : vector<512xi32> to vector<512x1xi32>
    %eq3A_196 = vector.broadcast %broadcast_in_dim3A_195 : vector<512x1xi32> to vector<512x16xi32>
    %eq3A_197 = arith.cmpi eq, %eq3A_196, %iota3A : vector<512x16xi32>
    %convert_element_type3A_198 = arith.extui %eq3A_197 : vector<512x16xi1> to vector<512x16xi32>
    %convert_element_type3A_199 = arith.sitofp %convert_element_type3A_198 : vector<512x16xi32> to vector<512x16xf32>
    %dot_general3A_200 = arith.constant dense<0.000000e+00> : vector<512x768xf32>
    %dot_general3A_201 = tpu.matmul %convert_element_type3A_199, %add3A_61, %dot_general3A_200 {dimension_numbers = #tpu.dot_dimension_numbers<[1], [0], [0], [1], [0, 0, 1, 1], [], []>, transpose_lhs_hint = false} : vector<512x16xf32>, vector<16x768xf32>, vector<512x768xf32> -> vector<512x768xf32>
    %add3A_202 = arith.addf %dot_general3A_201, %dot_general3A_192 : vector<512x768xf32>
    %tanh3A_203 = math.tanh %add3A_202 : vector<512x768xf32>
    %convert_element_type3A_204 = arith.truncf %tanh3A_203 : vector<512x768xf32> to vector<512x768xbf16>
    %dot_general3A_205 = arith.constant dense<0.000000e+00> : vector<512x768xf32>
    %dot_general3A_206 = tpu.matmul %convert_element_type3A_204, %convert_element_type3A, %dot_general3A_205 {dimension_numbers = #tpu.dot_dimension_numbers<[1], [0], [0], [1], [0, 0, 1, 1], [], []>, transpose_lhs_hint = false} : vector<512x768xbf16>, vector<768x768xbf16>, vector<512x768xf32> -> vector<512x768xf32>
    %slice3A_207 = vector.extract_strided_slice %get3A_78 {offsets = [0, 10], sizes = [512, 1], strides = [1, 1]} : vector<512x12xi32> to vector<512x1xi32>
    %squeeze3A_208 = vector.shape_cast %slice3A_207 : vector<512x1xi32> to vector<512xi32>
    %broadcast_in_dim3A_209 = vector.shape_cast %squeeze3A_208 : vector<512xi32> to vector<512x1xi32>
    %eq3A_210 = vector.broadcast %broadcast_in_dim3A_209 : vector<512x1xi32> to vector<512x16xi32>
    %eq3A_211 = arith.cmpi eq, %eq3A_210, %iota3A : vector<512x16xi32>
    %convert_element_type3A_212 = arith.extui %eq3A_211 : vector<512x16xi1> to vector<512x16xi32>
    %convert_element_type3A_213 = arith.sitofp %convert_element_type3A_212 : vector<512x16xi32> to vector<512x16xf32>
    %dot_general3A_214 = arith.constant dense<0.000000e+00> : vector<512x768xf32>
    %dot_general3A_215 = tpu.matmul %convert_element_type3A_213, %add3A_61, %dot_general3A_214 {dimension_numbers = #tpu.dot_dimension_numbers<[1], [0], [0], [1], [0, 0, 1, 1], [], []>, transpose_lhs_hint = false} : vector<512x16xf32>, vector<16x768xf32>, vector<512x768xf32> -> vector<512x768xf32>
    %add3A_216 = arith.addf %dot_general3A_215, %dot_general3A_206 : vector<512x768xf32>
    %tanh3A_217 = math.tanh %add3A_216 : vector<512x768xf32>
    %convert_element_type3A_218 = arith.truncf %tanh3A_217 : vector<512x768xf32> to vector<512x768xbf16>
    %dot_general3A_219 = arith.constant dense<0.000000e+00> : vector<512x768xf32>
    %dot_general3A_220 = tpu.matmul %convert_element_type3A_218, %convert_element_type3A, %dot_general3A_219 {dimension_numbers = #tpu.dot_dimension_numbers<[1], [0], [0], [1], [0, 0, 1, 1], [], []>, transpose_lhs_hint = false} : vector<512x768xbf16>, vector<768x768xbf16>, vector<512x768xf32> -> vector<512x768xf32>
    %slice3A_221 = vector.extract_strided_slice %get3A_78 {offsets = [0, 11], sizes = [512, 1], strides = [1, 1]} : vector<512x12xi32> to vector<512x1xi32>
    %squeeze3A_222 = vector.shape_cast %slice3A_221 : vector<512x1xi32> to vector<512xi32>
    %broadcast_in_dim3A_223 = vector.shape_cast %squeeze3A_222 : vector<512xi32> to vector<512x1xi32>
    %eq3A_224 = vector.broadcast %broadcast_in_dim3A_223 : vector<512x1xi32> to vector<512x16xi32>
    %eq3A_225 = arith.cmpi eq, %eq3A_224, %iota3A : vector<512x16xi32>
    %convert_element_type3A_226 = arith.extui %eq3A_225 : vector<512x16xi1> to vector<512x16xi32>
    %convert_element_type3A_227 = arith.sitofp %convert_element_type3A_226 : vector<512x16xi32> to vector<512x16xf32>
    %dot_general3A_228 = arith.constant dense<0.000000e+00> : vector<512x768xf32>
    %dot_general3A_229 = tpu.matmul %convert_element_type3A_227, %add3A_61, %dot_general3A_228 {dimension_numbers = #tpu.dot_dimension_numbers<[1], [0], [0], [1], [0, 0, 1, 1], [], []>, transpose_lhs_hint = false} : vector<512x16xf32>, vector<16x768xf32>, vector<512x768xf32> -> vector<512x768xf32>
    %add3A_230 = arith.addf %dot_general3A_229, %dot_general3A_220 : vector<512x768xf32>
    %tanh3A_231 = math.tanh %add3A_230 : vector<512x768xf32>
    %get3A_232 = arith.constant 0 : index
    %get3A_233 = arith.constant 0 : index
    %get3A_234 = vector.load %arg7[%get3A_232, %get3A_233] : memref<512x1xf32, #tpu.memory_space<vmem>>, vector<512x1xf32>
    %mul3A_235 = vector.broadcast %get3A_234 : vector<512x1xf32> to vector<512x768xf32>
    %mul3A_236 = arith.mulf %tanh3A_231, %mul3A_235 : vector<512x768xf32>
    %add3A_237 = arith.addf %add3A_40, %mul3A_236 : vector<512x768xf32>
    %swap3A = arith.constant 0 : index
    %swap3A_238 = arith.constant 0 : index
    %swap3A_239 = vector.load %arg14[%swap3A, %swap3A_238] : memref<512x768xf32, #tpu.memory_space<vmem>>, vector<512x768xf32>
    tpu.vector_store %arg14[%swap3A, %swap3A_238], %add3A_237 {strides = array<i32>} : memref<512x768xf32, #tpu.memory_space<vmem>>, vector<512x768xf32>,
    return
  }
  func.func @transform_0(%arg0: i32) -> (i32, i32) {
    %c0_i32 = arith.constant 0 : i32
    %c0_i32_0 = arith.constant 0 : i32
    return %arg0, %c0_i32 : i32, i32
  }
  func.func @transform_1(%arg0: i32) -> (i32, i32) {
    %add3A = arith.constant 12 : i32
    %add3A_0 = arith.addi %add3A, %arg0 : i32
    %jit3A = arith.constant 4 : i32
    %eq3A = arith.constant 0 : i32
    %eq3A_1 = arith.cmpi eq, %jit3A, %eq3A : i32
    %jit3A_2 = arith.constant 1 : i32
    %select_n3A = arith.select %eq3A_1, %jit3A_2, %jit3A : i32
    %rem3A = arith.remsi %add3A_0, %select_n3A : i32
    %ne3A = arith.constant 0 : i32
    %ne3A_3 = arith.cmpi ne, %rem3A, %ne3A : i32
    %lt3A = arith.constant 0 : i32
    %lt3A_4 = arith.cmpi slt, %rem3A, %lt3A : i32
    %lt3A_5 = arith.constant 0 : i32
    %lt3A_6 = arith.cmpi slt, %select_n3A, %lt3A_5 : i32
    %ne3A_7 = arith.xori %lt3A_4, %lt3A_6 : i1
    %and3A = arith.andi %ne3A_7, %ne3A_3 : i1
    %add3A_8 = arith.addi %rem3A, %select_n3A : i32
    %select_n3A_9 = arith.select %and3A, %add3A_8, %rem3A : i32
    %c0_i32 = arith.constant 0 : i32
    %c0_i32_10 = arith.constant 0 : i32
    return %select_n3A_9, %c0_i32 : i32, i32
  }
  func.func @transform_2(%arg0: i32) -> (i32, i32) {
    %c0_i32 = arith.constant 0 : i32
    %c0_i32_0 = arith.constant 0 : i32
    %c0_i32_1 = arith.constant 0 : i32
    return %c0_i32, %c0_i32_0 : i32, i32
  }
  func.func @transform_3(%arg0: i32) -> (i32, i32) {
    %c0_i32 = arith.constant 0 : i32
    %c0_i32_0 = arith.constant 0 : i32
    %c0_i32_1 = arith.constant 0 : i32
    return %c0_i32, %c0_i32_0 : i32, i32
  }
  func.func @transform_4(%arg0: i32) -> (i32, i32) {
    %c0_i32 = arith.constant 0 : i32
    %c0_i32_0 = arith.constant 0 : i32
    %c0_i32_1 = arith.constant 0 : i32
    return %c0_i32, %c0_i32_0 : i32, i32
  }
  func.func @transform_5(%arg0: i32) -> (i32, i32) {
    %add3A = arith.constant 12 : i32
    %add3A_0 = arith.addi %add3A, %arg0 : i32
    %c0_i32 = arith.constant 0 : i32
    %c0_i32_1 = arith.constant 0 : i32
    return %add3A_0, %c0_i32 : i32, i32
  }
  func.func @transform_6(%arg0: i32) -> (i32, i32) {
    %add3A = arith.constant 12 : i32
    %add3A_0 = arith.addi %add3A, %arg0 : i32
    %c0_i32 = arith.constant 0 : i32
    %c0_i32_1 = arith.constant 0 : i32
    return %add3A_0, %c0_i32 : i32, i32
  }
  func.func @transform_7(%arg0: i32) -> (i32, i32) {
    %c0_i32 = arith.constant 0 : i32
    %c0_i32_0 = arith.constant 0 : i32
    %c0_i32_1 = arith.constant 0 : i32
    return %c0_i32, %c0_i32_0 : i32, i32
  }
  func.func @transform_8(%arg0: i32) -> (i32, i32) {
    %c0_i32 = arith.constant 0 : i32
    %c0_i32_0 = arith.constant 0 : i32
    %c0_i32_1 = arith.constant 0 : i32
    return %c0_i32, %c0_i32_0 : i32, i32
  }
  func.func @transform_9(%arg0: i32) -> (i32, i32) {
    %c0_i32 = arith.constant 0 : i32
    %c0_i32_0 = arith.constant 0 : i32
    %c0_i32_1 = arith.constant 0 : i32
    return %c0_i32, %c0_i32_0 : i32, i32
  }
  func.func @transform_10(%arg0: i32) -> (i32, i32) {
    %c0_i32 = arith.constant 0 : i32
    %c0_i32_0 = arith.constant 0 : i32
    %c0_i32_1 = arith.constant 0 : i32
    return %c0_i32, %c0_i32_0 : i32, i32
  }
  func.func @transform_11(%arg0: i32) -> (i32, i32) {
    %c0_i32 = arith.constant 0 : i32
    %c0_i32_0 = arith.constant 0 : i32
    %c0_i32_1 = arith.constant 0 : i32
    return %c0_i32, %c0_i32_0 : i32, i32
  }
  func.func @transform_13(%arg0: i32) -> (i32, i32) {
    %add3A = arith.constant 12 : i32
    %add3A_0 = arith.addi %add3A, %arg0 : i32
    %c0_i32 = arith.constant 0 : i32
    %c0_i32_1 = arith.constant 0 : i32
    return %add3A_0, %c0_i32 : i32, i32
  }
}

</mosaic_0001>

<sc_bundles>
// kernel: kernel.10.cloned.1.call-start
scs
__scs_entry_jumppad:
0x0: {  	(pc) =	sbr.rel $0x88, $3  }
0x1: {  	(tag) =	ssettag $0x0;
	lr =	simm.s32 $0x1  }
0x2: {  	[smem:$0x3F94] =	sst lr;
	_ =	strace $0xD0000000  }
0x3: {  	_ = 	snop  }
0x4: {  	_ = 	snop  }
0x5: {  	_ = 	snop  }
0x6: {  	_ = 	snop  }
0x7: {  	_ = 	snop  }
__scs_overlays_trampoline_lowered:
0x8: {  	[smem:$0x3FA3] =	sst s0  }
0x9: {  	[smem:$0x3FA4] =	sst s1  }
0xa: {  	[smem:$0x3FA5] =	sst s2  }
0xb: {  	[smem:$0x3FA6] =	sst s3  }
0xc: {  	[smem:$0x3FA7] =	sst s4  }
0xd: {  	[smem:$0x3FA8] =	sst s5  }
0xe: {  	[smem:$0x3FA9] =	sst s6  }
0xf: {  	[smem:$0x3FAA] =	sst s7  }
0x10: {  	[smem:$0x3FAB] =	sst s8  }
0x11: {  	[smem:$0x3FAC] =	sst s9;
	s0 =	simm.s32 @!p0 $0x0  }
0x12: {  	s1 =	sld [smem:$0x3F92];
	s0 =	simm.s32 @p0 $0x1  }
0x13: {  	[smem:$0x3FAD] =	sst s0;
	s0 =	simm.s32 @!p1 $0x0  }
0x14: {  	s2 =	sld [smem:$0x3F91];
	s0 =	simm.s32 @p1 $0x1  }
0x15: {  	[smem:$0x3FAE] =	sst s0;
	s0 =	simm.s32 @!p2 $0x0  }
0x16: {  	s3 =	sld [smem:$0x3FDB];
	s0 =	simm.s32 @p2 $0x1  }
0x17: {  	s4 =	simm.s32 $0x1BF5;
	[smem:$0x3FB0] =	sst s0  }
0x18: {  	s0 =	sld [smem:$0x3F93];
	_ =	swait.ge [sflag:s4], $0x0  }
0x19: {  	s7 =	sld [smem:$0x3F94]  }
0x1a: {  	s8 =	sadd.s32 $0xFFFFE003, lr  }
0x1b: {  	s9 =	sadd.s32 $0xFFFFFEF7, lr;
	s5 =	simm.s32 $0xFFFFFFFF;
	p2 =	slt.u32 s8, $0xFFFFF086  }
0x1c: {  	p1 =	slt.u32 s9, $0xF7A;
	s5 =	simm.s32 @!p2 $0x0  }
0x1d: {  	s5 =	simm.s32 @p1 $0x1;
	p0 =	seq.s32 s7, s2  }
0x1e: {  	s7 =	smul.u32 @!p0 $0xF7A, s2;
	p2 =	seq.s32 @!p0 s5, $0x0  }
0x1f: {  	s9 =	smul.u32 $0xF7A, s1;
	s8 =	simm.s32 @!p0 $0x1BF5;
	p2 =	por !p2, p0  }
0x20: {  	[sflag:s8] =	ssyncset.s32 @!p0 $0xFFFFF086;
	s6 =	sadd.s32 @!p0 s3, s7;
	s7 =	simm.s32 @!p0 $0x108  }
0x21: {  	s3 =	sadd.s32 s3, s9;
	s6 =	sadd.s32 @!p0 $0x88, s6;
	s7 =	simm.s32 @p2 $0x1082  }
0x22: {  	[simem:s7], [sflag:s8] =	dma.local @!p0 [hbm:s6], $0xF7A  }
0x23: {  	s9 =	sor.u32 $0xD0000000, s2;
	s6 =	simm.s32 $0x108;
	_ =	swait.ge @!p0 [sflag:s8], $0x0  }
0x24: {  	s3 =	sadd.s32 $0x88, s3;
	s6 =	simm.s32 @!p1 $0x1082;
	[sflag:s4] =	ssyncset.s32 $0xFFFFF086  }
0x25: {  	[simem:s6], [sflag:s4] =	dma.local [hbm:s3], $0xF7A  }
0x26: {  	[smem:$0x3F94] =	sst s1;
	(tag) =	ssettag s2;
	_ =	strace s9  }
0x27: {  	s1 =	sld [smem:$0x3FA4]  }
0x28: {  	s2 =	sld [smem:$0x3FA5]  }
0x29: {  	s4 =	sld [smem:$0x3FA7]  }
0x2a: {  	p0 =	seq.s32 s5, $0x0;
	s5 =	sld [smem:$0x3FA8]  }
0x2b: {  	s6 =	sld [smem:$0x3FA9]  }
0x2c: {  	s7 =	sld [smem:$0x3FAA]  }
0x2d: {  	s3 =	simm.s32 $0x108;
	s8 =	sld [smem:$0x3FAB]  }
0x2e: {  	s3 =	simm.s32 @!p0 $0x1082;
	s9 =	sld [smem:$0x3FAC]  }
0x2f: {  	lr =	sadd.s32 s0, s3;
	s0 =	sld [smem:$0x3FA3]  }
0x30: {  	s3 =	sld [smem:$0x3FA6]  }
0x31: {  	[smem:$0x3FAF] =	sst s10  }
0x32: {  	s10 =	sld [smem:$0x3FAD];
	_ =	sdelay $0x3  }
0x33: {  	p0 =	seq.s32 s10, $0x1;
	s10 =	sld [smem:$0x3FAF];
	_ =	sdelay $0x3  }
0x34: {  	[smem:$0x3FAF] =	sst s10  }
0x35: {  	s10 =	sld [smem:$0x3FAE];
	_ =	sdelay $0x3  }
0x36: {  	p1 =	seq.s32 s10, $0x1;
	s10 =	sld [smem:$0x3FAF];
	_ =	sdelay $0x3  }
0x37: {  	[smem:$0x3FAF] =	sst s10  }
0x38: {  	s10 =	sld [smem:$0x3FB0]  }
0x39: {  	_ = 	snop;
	(pc) =	sbr.ind lr, $3  }
0x3a: {  	_ = 	snop  }
0x3b: {  	_ = 	snop  }
0x3c: {  	p2 =	seq.s32 s10, $0x1;
	s10 =	sld [smem:$0x3FAF]  }
0x3d: {  	_ =	shalt  }
0x3e: {  	_ =	shalt  }
0x3f: {  	_ =	shalt  }
0x40: {  	_ =	shalt  }
0x41: {  	_ =	shalt  }
0x42: {  	_ =	shalt  }
0x43: {  	_ =	shalt  }
0x44: {  	_ =	shalt  }
0x45: {  	_ =	shalt  }
0x46: {  	_ =	shalt  }
0x47: {  	_ =	shalt  }
0x48: {  	_ =	shalt  }
0x49: {  	_ =	shalt  }
0x4a: {  	_ =	shalt  }
0x4b: {  	_ =	shalt  }
0x4c: {  	_ =	shalt  }
0x4d: {  	_ =	shalt  }
0x4e: {  	_ =	shalt  }
0x4f: {  	_ =	shalt  }
0x50: {  	_ =	shalt  }
0x51: {  	_ =	shalt  }
0x52: {  	_ =	shalt  }
0x53: {  	_ =	shalt  }
0x54: {  	_ =	shalt  }
0x55: {  	_ =	shalt  }
0x56: {  	_ =	shalt  }
0x57: {  	_ =	shalt  }
0x58: {  	_ =	shalt  }
0x59: {  	_ =	shalt  }
0x5a: {  	_ =	shalt  }
0x5b: {  	_ =	shalt  }
0x5c: {  	_ =	shalt  }
0x5d: {  	_ =	shalt  }
0x5e: {  	_ =	shalt  }
0x5f: {  	_ =	shalt  }
0x60: {  	_ =	shalt  }
0x61: {  	_ =	shalt  }
0x62: {  	_ =	shalt  }
0x63: {  	_ =	shalt  }
0x64: {  	_ =	shalt  }
0x65: {  	_ =	shalt  }
0x66: {  	_ =	shalt  }
0x67: {  	_ =	shalt  }
0x68: {  	_ =	shalt  }
0x69: {  	_ =	shalt  }
0x6a: {  	_ =	shalt  }
0x6b: {  	_ =	shalt  }
0x6c: {  	_ =	shalt  }
0x6d: {  	_ =	shalt  }
0x6e: {  	_ =	shalt  }
0x6f: {  	_ =	shalt  }
0x70: {  	_ =	shalt  }
0x71: {  	_ =	shalt  }
0x72: {  	_ =	shalt  }
0x73: {  	_ =	shalt  }
0x74: {  	_ =	shalt  }
0x75: {  	_ =	shalt  }
0x76: {  	_ =	shalt  }
0x77: {  	_ =	shalt  }
0x78: {  	_ =	shalt  }
0x79: {  	_ =	shalt  }
0x7a: {  	_ =	shalt  }
0x7b: {  	_ =	shalt  }
0x7c: {  	_ =	shalt  }
0x7d: {  	_ =	shalt  }
0x7e: {  	_ =	shalt  }
0x7f: {  	_ =	shalt  }
0x80: {  	_ =	shalt  }
0x81: {  	_ =	shalt  }
0x82: {  	_ =	shalt  }
0x83: {  	_ =	shalt  }
0x84: {  	_ =	shalt  }
0x85: {  	_ =	shalt  }
0x86: {  	_ =	shalt  }
0x87: {  	_ =	shalt  }
.Lfunc_end0:
.L_simem_size_0:
called_computation_lowered:
.L_overlay_start_0:
0x88: {  	s2 =	sld [smem:$0x3FD9]  }
0x89: {  	s3 =	sld [smem:$0x3FFE];
	_ =	sdelay $0x1  }
0x8a: {  	s1 =	srdreg.scid  }
0x8b: {  	s0 =	sand.u32 $0x1, s1  }
0x8c: {  	s17 =	sshll.u32 s0, $0xA;
	s2 =	sadd.s32 s3, s2  }
0x8d: {  	s2 =	sadd.s32 s2, s17  }
0x8e: {  	[smem:$0x3FBB] =	sst s2  }
0x8f: {  	_ = 	snop  }
0x90: {  	s2 =	sld [smem:$0x3FC6]  }
0x91: {  	s18 =	sld [smem:$0x3FD0];
	(tm) =	ssettm $0x1  }
0x92: {  	s4 =	sld [smem:$0x3FFB];
	_ =	sdelay $0x3  }
0x93: {  	_ =	strace s4  }
0x94: {  	s4 =	sld [smem:$0x3FFC];
	_ =	sdelay $0x3  }
0x95: {  	_ =	strace s4  }
0x96: {  	s4 =	sld [smem:$0x3FFD];
	_ =	sdelay $0x3  }
0x97: {  	_ =	strace s4  }
0x98: {  	_ =	strace $0x8FFFFFFF  }
0x99: {  	s19 =	sld [smem:$0x3FDB];
	_ =	sdelay $0x1  }
0x9a: {  	s5 =	simm.s32 $_scs_section_size  }
0x9b: {  	s6 =	simm.s32 $_size__tile_overlayer_lowered;
	s7 =	simm.s32 $_tile_overlayer_lowered  }
0x9c: {  	s22 =	simm.s32 $0x1BFF;
	s21 =	sshll.u32 s7, $0x1;
	s4 =	sadd.s32 s5, s19  }
0x9d: {  	s8 =	simm.s32 $0x0;
	s20 =	sshll.u32 s6, $0x1;
	s6 =	sadd.s32 s21, s4  }
0x9e: {  	[timem:s8], [sflag:s22] =	dma.local [hbm:s6], s20  }
0x9f: {  	_ =	swait.ge [sflag:s22], s20  }
0xa0: {  	s5 =	ssub.s32 $0x0, s20;
	[sflag:s22] =	ssyncset.done $0x0  }
0xa1: {  	[sflag:s22] =	ssyncadd.s32 s5;
	_ =	sdelay $0x1  }
0xa2: {  	s23 =	simm.s32 $0x1B8B  }
0xa3: {  	_ =	swait.ge [sflag:s23], $0x1  }
0xa4: {  	[sflag:s23] =	ssyncset.done $0x0  }
0xa5: {  	s25 =	simm.s32 $0x1B8E;
	s24 =	sld [smem:$0x3FFE];
	[sflag:s23] =	ssyncadd.s32 $0xFFFFFFFF  }
0xa6: {  	s26 =	simm.s32 $execute0_lowered;
	[smem:$0x3FD2] =	sst s25  }
0xa7: {  	s6 =	sshll.u32 s26, $0x1;
	_ =	strace $0x80000046;
	[dreg:$0x1] =	wrdreg $0xFFFFFFFF  }
0xa8: {  	s28 =	simm.s32 $_size_execute0_lowered;
	s4 =	sadd.s32 s4, s6;
	[dreg:$0x0] =	wrdreg $0x0  }
0xa9: {  	s6 =	sshll.u32 s28, $0x1;
	[dreg:$0x2] =	wrdreg s4  }
0xaa: {  	[dreg:$0x3] =	wrdreg s6  }
0xab: {  	[dreg:$0x4] =	wrdreg $0xC0  }
0xac: {  	_ =	task [dreg:s8], $0x5FFFF  }
0xad: {  	[dreg:$0x1] =	wrdreg $0xFFFFFFFF  }
0xae: {  	[dreg:$0x0] =	wrdreg $0x60  }
0xaf: {  	[dreg:$0x2] =	wrdreg s2  }
0xb0: {  	[dreg:$0x3] =	wrdreg s24  }
0xb1: {  	[dreg:$0x4] =	wrdreg s18  }
0xb2: {  	[dreg:$0x5] =	wrdreg $0x9  }
0xb3: {  	_ =	task.clear_ibuf [dreg:s8], $0x6FFFF;
	_ =	strace $0x90000046  }
0xb4: {  	s29 =	simm.s32 $0x9;
	_ =	strace $0x80000048  }
0xb5: {  	_ =	swait.ge [sflag:s29], $0x1  }
0xb6: {  	[sflag:s29] =	ssyncadd.s32 $0xFFFFFFFF  }
0xb7: {  	_ =	strace $0x90000048  }
0xb8: {  	_ =	sfence  }
0xb9: {  	s30 =	sld [smem:$0x0];
	_ =	sdelay $0x2  }
0xba: {  	s31 =	sshll.u32 s1, $0xD;
	s1 =	sshrl.u32 s1, $0x2  }
0xbb: {  	s3 =	sand.u32 $0x4000, s31;
	s1 =	sadd.s32 s1, s30  }
0xbc: {  	s0 =	sor.u32 s3, s0;
	s1 =	sshll.u32 s1, $0x11  }
0xbd: {  	s0 =	sor.u32 s1, s0  }
0xbe: {  	s0 =	sadd.s32 $0x8F2B, s0  }
0xbf: {  	[sflag:s0] =	ssyncadd.remote.s32 $0x1  }
0xc0: {  	_ =	sfence.sel $0xFFFF  }
0xc1: {  	[dreg:$0x0] =	wrdreg $0xFFFFFFFF;
	(pc) =	sbr.abs _section_cstart, $3  }
0xc2: {  	[dreg:$0x1] =	wrdreg $0xFFFFFFFF  }
0xc3: {  	_ =	task.clear_ibuf [dreg:s8], $0x2FFFF;
	_ =	strace $0x9FFFFFFF  }
0xc4: {  	(tm) =	ssettm $0x7FFFFFFF  }
0xc5: {  	_ =	shalt  }
tec
execute0_lowered:
.L_overlay_start_1:
0x0: {  	(tag) =	ssettag $0x1  }
0x1: {  	s1 =	rddreg [dreg:$0x0]  }
0x2: {  	s0 =	rddreg [dreg:$0x1]  }
0x3: {  	s5 =	rddreg [dreg:$0x2]  }
0x4: {  	s3 =	srdreg.scid;
	s2 =	stileid.u32;
	s8 =	simm.s32 $0x80  }
0x5: {  	s26 =	simm.s32 $0x880;
	s9 =	simm.s32 $0x1080;
	s10 =	simm.s32 $0x1880  }
0x6: {  	s11 =	simm.s32 $0x2080;
	s12 =	simm.s32 $0x2880;
	s13 =	simm.s32 $0x3080  }
0x7: {  	s14 =	simm.s32 $0x3880;
	s15 =	simm.s32 $0x4080;
	s16 =	simm.s32 $0x4880  }
0x8: {  	s17 =	simm.s32 $0x5080;
	s18 =	simm.s32 $0x5880;
	s19 =	simm.s32 $0x6080  }
0x9: {  	s20 =	simm.s32 $0x6880;
	s21 =	simm.s32 $0x7080;
	s22 =	simm.s32 $0x7880  }
0xa: {  	s23 =	simm.s32 $0x8080;
	s28 =	simm.s32 $0xA080;
	s29 =	simm.s32 $0xA880  }
0xb: {  	s30 =	simm.s32 $0xB080;
	s31 =	simm.s32 $0xB880;
	s4 =	sand.u32 $0x1, s3  }
0xc: {  	s3 =	simm.s32 $0x0;
	s6 =	sshll.u32 s2, $0x4;
	s7 =	sshll.u32 s4, $0x3  }
0xd: {  	[smem:$0x7FF] =	sst s3;
	s4 =	ssub.s32 $0x2, s4;
	s6 =	sor.u32 s7, s6  }
0xe: {  	s24 =	sshrl.u32 s4, $0x1;
	_ =	strace $0x80000047;
	[dreg:$0x6] =	wrdreg s26  }
0xf: {  	s26 =	simm.s32 $0x9880;
	s0 =	sadd.s32 s6, s0;
	s6 =	smul.u32 $0x300, s6  }
0x10: {  	s7 =	ssub.s32 s4, s24;
	s4 =	sadd.s32 $0x100, s1;
	s0 =	sadd.s32 $0x3000, s0  }
0x11: {  	v2 =	vlaneseq.u32;
	s24 =	simm.s32 $0x8880;
	[dreg:$0x4] =	wrdreg s0;
	s25 =	sadd.s32 s5, s6  }
0x12: {  	vm0 =	vmmov $0xffff;
	v1 =	vshrl.u32 v2, $0x3;
	s5 =	sadd.s32 $0x200, s1;
	s6 =	smax.u32 s7, $0x1;
	s7 =	simm.s32 $0x2  }
0x13: {  	v0 =	vand.u32 $0x7, v2;
	v2 =	vor.u32 $0x8, v2;
	v1 =	vmul.u32 $0x8, v1;
	s0 =	simm.s32 $0x1;
	[dreg:$0x5] =	wrdreg s25;
	s25 =	simm.s32 $0x9080  }
.LBB2_1:
0x14: {  	s2 =	rddreg [dreg:$0x4]  }
0x15: {  	[tilespmem:s3], [sflag:$0x2] =	stream.linear.gather [hbm4b:s2+s3], $0x40, $0x38;
	[tilespmem:$0xC080] =	vst v63  }
0x16: {  	_ =	swait.ge [sflag:s7], $0x40  }
0x17: {  	[sflag:s7] =	ssyncset.done $0x0  }
0x18: {  	[sflag:s7] =	ssyncadd.s32 $0xFFFFFFC0  }
0x19: {  	v3 =	vld [tilespmem:$0x0];
	_ =	sdelay $0x4  }
0x1a: {  	v4 =	vshrl.u32 v3, $0x3  }
0x1b: {  	v4 =	vmul.u32 $0x30, v4  }
0x1c: {  	v3 =	vand.u32 $0x7, v3  }
0x1d: {  	v3 =	vor.u32 v3, v4  }
0x1e: {  	v4 =	vperm.xlane v3, v0;
	_ =	sdelay $0x1  }
0x1f: {  	v4 =	vadd.s32 v1, v4;
	_ =	sdelay $0x3  }
0x20: {  	v3 =	vperm.xlane v3, v2  }
0x21: {  	[tilespmem:s8], [sflag:$0x1] =	stream.indirect_vreg.gather [hbm4b:s1+s3], $0x80, v4, vm0, $0xb8;
	[tilespmem:$0xC080] =	vst v63  }
0x22: {  	s2 =	rddreg [dreg:$0x6];
	v3 =	vadd.s32 v1, v3  }
0x23: {  	[tilespmem:s2], [sflag:$0x1] =	stream.indirect_vreg.gather [hbm4b:s4+s3], $0x80, v4, vm0, $0xb8;
	[tilespmem:$0xC080] =	vst v63  }
0x24: {  	_ = 	snop  }
0x25: {  	[tilespmem:s9], [sflag:$0x1] =	stream.indirect_vreg.gather [hbm4b:s5+s3], $0x80, v4, vm0, $0xb8;
	[tilespmem:$0xC080] =	vst v63  }
0x26: {  	_ = 	snop  }
0x27: {  	[tilespmem:s10], [sflag:$0x1] =	stream.indirect_vreg.gather [hbm4b:s1+s3], $0x80, v3, vm0, $0xb8;
	[tilespmem:$0xC080] =	vst v63  }
0x28: {  	_ = 	snop  }
0x29: {  	[tilespmem:s11], [sflag:$0x1] =	stream.indirect_vreg.gather [hbm4b:s4+s3], $0x80, v3, vm0, $0xb8;
	[tilespmem:$0xC080] =	vst v63  }
0x2a: {  	_ = 	snop  }
0x2b: {  	[tilespmem:s12], [sflag:$0x1] =	stream.indirect_vreg.gather [hbm4b:s5+s3], $0x80, v3, vm0, $0xb8;
	[tilespmem:$0xC080] =	vst v63  }
0x2c: {  	v3 =	vld [tilespmem:$0x10];
	_ =	sdelay $0x4  }
0x2d: {  	v61 =	vshrl.u32 v3, $0x3  }
0x2e: {  	v4 =	vmul.u32 $0x30, v61  }
0x2f: {  	v3 =	vand.u32 $0x7, v3  }
0x30: {  	v3 =	vor.u32 v3, v4  }
0x31: {  	v4 =	vperm.xlane v3, v0;
	_ =	sdelay $0x1  }
0x32: {  	v4 =	vadd.s32 v1, v4;
	_ =	sdelay $0x3  }
0x33: {  	v3 =	vperm.xlane v3, v2  }
0x34: {  	[tilespmem:s13], [sflag:$0x1] =	stream.indirect_vreg.gather [hbm4b:s1+s3], $0x80, v4, vm0, $0xb8;
	[tilespmem:$0xC080] =	vst v63  }
0x35: {  	v3 =	vadd.s32 v1, v3  }
0x36: {  	[tilespmem:s14], [sflag:$0x1] =	stream.indirect_vreg.gather [hbm4b:s4+s3], $0x80, v4, vm0, $0xb8;
	[tilespmem:$0xC080] =	vst v63  }
0x37: {  	_ = 	snop  }
0x38: {  	[tilespmem:s15], [sflag:$0x1] =	stream.indirect_vreg.gather [hbm4b:s5+s3], $0x80, v4, vm0, $0xb8;
	[tilespmem:$0xC080] =	vst v63  }
0x39: {  	_ = 	snop  }
0x3a: {  	[tilespmem:s16], [sflag:$0x1] =	stream.indirect_vreg.gather [hbm4b:s1+s3], $0x80, v3, vm0, $0xb8;
	[tilespmem:$0xC080] =	vst v63  }
0x3b: {  	_ = 	snop  }
0x3c: {  	[tilespmem:s17], [sflag:$0x1] =	stream.indirect_vreg.gather [hbm4b:s4+s3], $0x80, v3, vm0, $0xb8;
	[tilespmem:$0xC080] =	vst v63  }
0x3d: {  	_ = 	snop  }
0x3e: {  	[tilespmem:s18], [sflag:$0x1] =	stream.indirect_vreg.gather [hbm4b:s5+s3], $0x80, v3, vm0, $0xb8;
	[tilespmem:$0xC080] =	vst v63  }
0x3f: {  	v3 =	vld [tilespmem:$0x20];
	_ =	sdelay $0x4  }
0x40: {  	v62 =	vshrl.u32 v3, $0x3  }
0x41: {  	v4 =	vmul.u32 $0x30, v62  }
0x42: {  	v3 =	vand.u32 $0x7, v3  }
0x43: {  	v3 =	vor.u32 v3, v4  }
0x44: {  	v4 =	vperm.xlane v3, v0;
	_ =	sdelay $0x1  }
0x45: {  	v4 =	vadd.s32 v1, v4;
	_ =	sdelay $0x3  }
0x46: {  	v3 =	vperm.xlane v3, v2  }
0x47: {  	[tilespmem:s19], [sflag:$0x1] =	stream.indirect_vreg.gather [hbm4b:s1+s3], $0x80, v4, vm0, $0xb8;
	[tilespmem:$0xC080] =	vst v63  }
0x48: {  	v3 =	vadd.s32 v1, v3  }
0x49: {  	[tilespmem:s20], [sflag:$0x1] =	stream.indirect_vreg.gather [hbm4b:s4+s3], $0x80, v4, vm0, $0xb8;
	[tilespmem:$0xC080] =	vst v63  }
0x4a: {  	_ = 	snop  }
0x4b: {  	[tilespmem:s21], [sflag:$0x1] =	stream.indirect_vreg.gather [hbm4b:s5+s3], $0x80, v4, vm0, $0xb8;
	[tilespmem:$0xC080] =	vst v63  }
0x4c: {  	_ = 	snop  }
0x4d: {  	[tilespmem:s22], [sflag:$0x1] =	stream.indirect_vreg.gather [hbm4b:s1+s3], $0x80, v3, vm0, $0xb8;
	[tilespmem:$0xC080] =	vst v63  }
0x4e: {  	_ = 	snop  }
0x4f: {  	[tilespmem:s23], [sflag:$0x1] =	stream.indirect_vreg.gather [hbm4b:s4+s3], $0x80, v3, vm0, $0xb8;
	[tilespmem:$0xC080] =	vst v63  }
0x50: {  	_ = 	snop  }
0x51: {  	[tilespmem:s24], [sflag:$0x1] =	stream.indirect_vreg.gather [hbm4b:s5+s3], $0x80, v3, vm0, $0xb8;
	[tilespmem:$0xC080] =	vst v63  }
0x52: {  	v3 =	vld [tilespmem:$0x30];
	_ =	sdelay $0x4  }
0x53: {  	v63 =	vshrl.u32 v3, $0x3  }
0x54: {  	v4 =	vmul.u32 $0x30, v63  }
0x55: {  	v3 =	vand.u32 $0x7, v3  }
0x56: {  	v3 =	vor.u32 v3, v4  }
0x57: {  	v4 =	vperm.xlane v3, v0;
	_ =	sdelay $0x1  }
0x58: {  	v4 =	vadd.s32 v1, v4;
	_ =	sdelay $0x3  }
0x59: {  	v3 =	vperm.xlane v3, v2  }
0x5a: {  	[tilespmem:s25], [sflag:$0x1] =	stream.indirect_vreg.gather [hbm4b:s1+s3], $0x80, v4, vm0, $0xb8;
	[tilespmem:$0xC080] =	vst v63  }
0x5b: {  	v3 =	vadd.s32 v1, v3  }
0x5c: {  	[tilespmem:s26], [sflag:$0x1] =	stream.indirect_vreg.gather [hbm4b:s4+s3], $0x80, v4, vm0, $0xb8;
	[tilespmem:$0xC080] =	vst v63  }
0x5d: {  	_ = 	snop  }
0x5e: {  	[tilespmem:s28], [sflag:$0x1] =	stream.indirect_vreg.gather [hbm4b:s5+s3], $0x80, v4, vm0, $0xb8;
	[tilespmem:$0xC080] =	vst v63  }
0x5f: {  	_ = 	snop  }
0x60: {  	[tilespmem:s29], [sflag:$0x1] =	stream.indirect_vreg.gather [hbm4b:s1+s3], $0x80, v3, vm0, $0xb8;
	[tilespmem:$0xC080] =	vst v63  }
0x61: {  	_ = 	snop  }
0x62: {  	[tilespmem:s30], [sflag:$0x1] =	stream.indirect_vreg.gather [hbm4b:s4+s3], $0x80, v3, vm0, $0xb8;
	[tilespmem:$0xC080] =	vst v63  }
0x63: {  	_ = 	snop  }
0x64: {  	[tilespmem:s31], [sflag:$0x1] =	stream.indirect_vreg.gather [hbm4b:s5+s3], $0x80, v3, vm0, $0xb8;
	[tilespmem:$0xC080] =	vst v63  }
0x65: {  	_ =	swait.ge [sflag:s0], $0xC000  }
0x66: {  	p0 =	sne.s32 s6, $0x1;
	[sflag:s0] =	ssyncset.done $0x0  }
.Ltmp0:
0x67: {  	s2 =	rddreg [dreg:$0x5];
	[sflag:s0] =	ssyncadd.s32 $0xFFFF4000;
	(pc) =	sbr.rel @p0 .LBB2_1-.Ltmp0, $4  }
0x68: {  	[hbm4b:s2+s3] =	stream.linear.scatter [tilespmem:s8], [sflag:$0x2], $0xC000, $0x38;
	[tilespmem:$0xC080] =	vst v63  }
0x69: {  	_ =	swait.ge [sflag:s7], $0xC000  }
0x6a: {  	[sflag:s7] =	ssyncset.done $0x0  }
0x6b: {  	s6 =	sadd.s32 $0xFFFFFFFF, s6;
	[sflag:s7] =	ssyncadd.s32 $0xFFFF4000  }
0x6c: {  	_ =	sfence.sel $0x180000  }
0x6d: {  	[bflag:$0x0] =	sbarrier.arrive $0xFFFF  }
0x6e: {  	_ =	strace $0x90000047  }
0x6f: {  	s0 =	stileid.u32;
	[bflag:$0x2] =	sbarrier.arrive $0xFFFF  }
0x70: {  	p0 =	sne.s32 s0, $0x0;
	s0 =	rddreg [dreg:$0x3]  }
0x71: {  	s0 =	sadd.s32 @!p0 $0x100000, s0  }
0x72: {  	[sflag:s0] =	ssyncadd.tile.s32 @!p0 $0x1;
	_ =	shalt  }
.Lfunc_end2:
_tile_overlayer_lowered:
.L_overlay_start_2:
0x73: {  	(tag) =	ssettag $0x2  }
0x74: {  	s0 =	rddreg [dreg:$0x0];
	s2 =	stileid.u32  }
0x75: {  	s1 =	rddreg [dreg:$0x1];
	p0 =	sne.s32 s2, $0x0  }
0x76: {  	s3 =	rddreg [dreg:$0x2];
	[bflag:$0x3] =	sbarrier.arrive $0xFFFF;
	s2 =	simm.s32 @!p0 $0x1C02  }
0x77: {  	[timem:s3], [sflag:s2] =	dma.local @!p0 [hbm:s0], s1  }
0x78: {  	s0 =	simm.s32 @!p0 $0x2  }
0x79: {  	_ =	swait.ge @!p0 [sflag:s0], s1  }
0x7a: {  	s1 =	ssub.s32 @!p0 $0x0, s1;
	[sflag:s0] =	ssyncset.done @!p0 $0x0  }
0x7b: {  	[sflag:s0] =	ssyncadd.s32 @!p0 s1  }
0x7c: {  	[bflag:$0x3] =	sbarrier.arrive $0xFFFF  }
0x7d: {  	_ =	shalt  }

// kernel: kernel.13.cloned.1.call-start
scs
__scs_entry_jumppad:
0x0: {  	(pc) =	sbr.rel $0x88, $3  }
0x1: {  	(tag) =	ssettag $0x0;
	lr =	simm.s32 $0x1  }
0x2: {  	[smem:$0x3F94] =	sst lr;
	_ =	strace $0xD0000000  }
0x3: {  	_ = 	snop  }
0x4: {  	_ = 	snop  }
0x5: {  	_ = 	snop  }
0x6: {  	_ = 	snop  }
0x7: {  	_ = 	snop  }
__scs_overlays_trampoline_lowered:
0x8: {  	[smem:$0x3FA3] =	sst s0  }
0x9: {  	[smem:$0x3FA4] =	sst s1  }
0xa: {  	[smem:$0x3FA5] =	sst s2  }
0xb: {  	[smem:$0x3FA6] =	sst s3  }
0xc: {  	[smem:$0x3FA7] =	sst s4  }
0xd: {  	[smem:$0x3FA8] =	sst s5  }
0xe: {  	[smem:$0x3FA9] =	sst s6  }
0xf: {  	[smem:$0x3FAA] =	sst s7  }
0x10: {  	[smem:$0x3FAB] =	sst s8  }
0x11: {  	[smem:$0x3FAC] =	sst s9;
	s0 =	simm.s32 @!p0 $0x0  }
0x12: {  	s1 =	sld [smem:$0x3F92];
	s0 =	simm.s32 @p0 $0x1  }
0x13: {  	[smem:$0x3FAD] =	sst s0;
	s0 =	simm.s32 @!p1 $0x0  }
0x14: {  	s2 =	sld [smem:$0x3F91];
	s0 =	simm.s32 @p1 $0x1  }
0x15: {  	[smem:$0x3FAE] =	sst s0;
	s0 =	simm.s32 @!p2 $0x0  }
0x16: {  	s3 =	sld [smem:$0x3FDB];
	s0 =	simm.s32 @p2 $0x1  }
0x17: {  	s4 =	simm.s32 $0x1BF5;
	[smem:$0x3FB0] =	sst s0  }
0x18: {  	s0 =	sld [smem:$0x3F93];
	_ =	swait.ge [sflag:s4], $0x0  }
0x19: {  	s7 =	sld [smem:$0x3F94]  }
0x1a: {  	s8 =	sadd.s32 $0xFFFFE003, lr  }
0x1b: {  	s9 =	sadd.s32 $0xFFFFFEF7, lr;
	s5 =	simm.s32 $0xFFFFFFFF;
	p2 =	slt.u32 s8, $0xFFFFF086  }
0x1c: {  	p1 =	slt.u32 s9, $0xF7A;
	s5 =	simm.s32 @!p2 $0x0  }
0x1d: {  	s5 =	simm.s32 @p1 $0x1;
	p0 =	seq.s32 s7, s2  }
0x1e: {  	s7 =	smul.u32 @!p0 $0xF7A, s2;
	p2 =	seq.s32 @!p0 s5, $0x0  }
0x1f: {  	s9 =	smul.u32 $0xF7A, s1;
	s8 =	simm.s32 @!p0 $0x1BF5;
	p2 =	por !p2, p0  }
0x20: {  	[sflag:s8] =	ssyncset.s32 @!p0 $0xFFFFF086;
	s6 =	sadd.s32 @!p0 s3, s7;
	s7 =	simm.s32 @!p0 $0x108  }
0x21: {  	s3 =	sadd.s32 s3, s9;
	s6 =	sadd.s32 @!p0 $0x88, s6;
	s7 =	simm.s32 @p2 $0x1082  }
0x22: {  	[simem:s7], [sflag:s8] =	dma.local @!p0 [hbm:s6], $0xF7A  }
0x23: {  	s9 =	sor.u32 $0xD0000000, s2;
	s6 =	simm.s32 $0x108;
	_ =	swait.ge @!p0 [sflag:s8], $0x0  }
0x24: {  	s3 =	sadd.s32 $0x88, s3;
	s6 =	simm.s32 @!p1 $0x1082;
	[sflag:s4] =	ssyncset.s32 $0xFFFFF086  }
0x25: {  	[simem:s6], [sflag:s4] =	dma.local [hbm:s3], $0xF7A  }
0x26: {  	[smem:$0x3F94] =	sst s1;
	(tag) =	ssettag s2;
	_ =	strace s9  }
0x27: {  	s1 =	sld [smem:$0x3FA4]  }
0x28: {  	s2 =	sld [smem:$0x3FA5]  }
0x29: {  	s4 =	sld [smem:$0x3FA7]  }
0x2a: {  	p0 =	seq.s32 s5, $0x0;
	s5 =	sld [smem:$0x3FA8]  }
0x2b: {  	s6 =	sld [smem:$0x3FA9]  }
0x2c: {  	s7 =	sld [smem:$0x3FAA]  }
0x2d: {  	s3 =	simm.s32 $0x108;
	s8 =	sld [smem:$0x3FAB]  }
0x2e: {  	s3 =	simm.s32 @!p0 $0x1082;
	s9 =	sld [smem:$0x3FAC]  }
0x2f: {  	lr =	sadd.s32 s0, s3;
	s0 =	sld [smem:$0x3FA3]  }
0x30: {  	s3 =	sld [smem:$0x3FA6]  }
0x31: {  	[smem:$0x3FAF] =	sst s10  }
0x32: {  	s10 =	sld [smem:$0x3FAD];
	_ =	sdelay $0x3  }
0x33: {  	p0 =	seq.s32 s10, $0x1;
	s10 =	sld [smem:$0x3FAF];
	_ =	sdelay $0x3  }
0x34: {  	[smem:$0x3FAF] =	sst s10  }
0x35: {  	s10 =	sld [smem:$0x3FAE];
	_ =	sdelay $0x3  }
0x36: {  	p1 =	seq.s32 s10, $0x1;
	s10 =	sld [smem:$0x3FAF];
	_ =	sdelay $0x3  }
0x37: {  	[smem:$0x3FAF] =	sst s10  }
0x38: {  	s10 =	sld [smem:$0x3FB0]  }
0x39: {  	_ = 	snop;
	(pc) =	sbr.ind lr, $3  }
0x3a: {  	_ = 	snop  }
0x3b: {  	_ = 	snop  }
0x3c: {  	p2 =	seq.s32 s10, $0x1;
	s10 =	sld [smem:$0x3FAF]  }
0x3d: {  	_ =	shalt  }
0x3e: {  	_ =	shalt  }
0x3f: {  	_ =	shalt  }
0x40: {  	_ =	shalt  }
0x41: {  	_ =	shalt  }
0x42: {  	_ =	shalt  }
0x43: {  	_ =	shalt  }
0x44: {  	_ =	shalt  }
0x45: {  	_ =	shalt  }
0x46: {  	_ =	shalt  }
0x47: {  	_ =	shalt  }
0x48: {  	_ =	shalt  }
0x49: {  	_ =	shalt  }
0x4a: {  	_ =	shalt  }
0x4b: {  	_ =	shalt  }
0x4c: {  	_ =	shalt  }
0x4d: {  	_ =	shalt  }
0x4e: {  	_ =	shalt  }
0x4f: {  	_ =	shalt  }
0x50: {  	_ =	shalt  }
0x51: {  	_ =	shalt  }
0x52: {  	_ =	shalt  }
0x53: {  	_ =	shalt  }
0x54: {  	_ =	shalt  }
0x55: {  	_ =	shalt  }
0x56: {  	_ =	shalt  }
0x57: {  	_ =	shalt  }
0x58: {  	_ =	shalt  }
0x59: {  	_ =	shalt  }
0x5a: {  	_ =	shalt  }
0x5b: {  	_ =	shalt  }
0x5c: {  	_ =	shalt  }
0x5d: {  	_ =	shalt  }
0x5e: {  	_ =	shalt  }
0x5f: {  	_ =	shalt  }
0x60: {  	_ =	shalt  }
0x61: {  	_ =	shalt  }
0x62: {  	_ =	shalt  }
0x63: {  	_ =	shalt  }
0x64: {  	_ =	shalt  }
0x65: {  	_ =	shalt  }
0x66: {  	_ =	shalt  }
0x67: {  	_ =	shalt  }
0x68: {  	_ =	shalt  }
0x69: {  	_ =	shalt  }
0x6a: {  	_ =	shalt  }
0x6b: {  	_ =	shalt  }
0x6c: {  	_ =	shalt  }
0x6d: {  	_ =	shalt  }
0x6e: {  	_ =	shalt  }
0x6f: {  	_ =	shalt  }
0x70: {  	_ =	shalt  }
0x71: {  	_ =	shalt  }
0x72: {  	_ =	shalt  }
0x73: {  	_ =	shalt  }
0x74: {  	_ =	shalt  }
0x75: {  	_ =	shalt  }
0x76: {  	_ =	shalt  }
0x77: {  	_ =	shalt  }
0x78: {  	_ =	shalt  }
0x79: {  	_ =	shalt  }
0x7a: {  	_ =	shalt  }
0x7b: {  	_ =	shalt  }
0x7c: {  	_ =	shalt  }
0x7d: {  	_ =	shalt  }
0x7e: {  	_ =	shalt  }
0x7f: {  	_ =	shalt  }
0x80: {  	_ =	shalt  }
0x81: {  	_ =	shalt  }
0x82: {  	_ =	shalt  }
0x83: {  	_ =	shalt  }
0x84: {  	_ =	shalt  }
0x85: {  	_ =	shalt  }
0x86: {  	_ =	shalt  }
0x87: {  	_ =	shalt  }
.Lfunc_end0:
.L_simem_size_0:
called_computation.1_lowered:
.L_overlay_start_0:
0x88: {  	s2 =	sld [smem:$0x3FD9]  }
0x89: {  	s3 =	sld [smem:$0x3FFE];
	_ =	sdelay $0x1  }
0x8a: {  	s1 =	srdreg.scid  }
0x8b: {  	s0 =	sand.u32 $0x1, s1  }
0x8c: {  	s17 =	sshll.u32 s0, $0xA;
	s2 =	sadd.s32 s3, s2  }
0x8d: {  	s2 =	sadd.s32 s2, s17  }
0x8e: {  	[smem:$0x3FBB] =	sst s2  }
0x8f: {  	_ = 	snop  }
0x90: {  	s18 =	sld [smem:$0x3FC6];
	(tm) =	ssettm $0x1  }
0x91: {  	s19 =	sld [smem:$0x3FFB];
	_ =	sdelay $0x3  }
0x92: {  	_ =	strace s19  }
0x93: {  	s2 =	sld [smem:$0x3FFC];
	_ =	sdelay $0x3  }
0x94: {  	_ =	strace s2  }
0x95: {  	s2 =	sld [smem:$0x3FFD];
	_ =	sdelay $0x3  }
0x96: {  	_ =	strace s2  }
0x97: {  	_ =	strace $0x8FFFFFFF  }
0x98: {  	s20 =	sld [smem:$0x3FDB];
	_ =	sdelay $0x1  }
0x99: {  	s4 =	simm.s32 $_scs_section_size  }
0x9a: {  	s5 =	simm.s32 $_size__tile_overlayer_lowered;
	s6 =	simm.s32 $_tile_overlayer_lowered  }
0x9b: {  	s7 =	simm.s32 $0x1BFF;
	s21 =	sshll.u32 s6, $0x1;
	s4 =	sadd.s32 s4, s20  }
0x9c: {  	s22 =	simm.s32 $0x0;
	s5 =	sshll.u32 s5, $0x1;
	s6 =	sadd.s32 s21, s4  }
0x9d: {  	[timem:s22], [sflag:s7] =	dma.local [hbm:s6], s5  }
0x9e: {  	_ =	swait.ge [sflag:s7], s5  }
0x9f: {  	s5 =	ssub.s32 $0x0, s5;
	[sflag:s7] =	ssyncset.done $0x0  }
0xa0: {  	[sflag:s7] =	ssyncadd.s32 s5;
	_ =	sdelay $0x1  }
0xa1: {  	s23 =	simm.s32 $0x1B8B  }
0xa2: {  	_ =	swait.ge [sflag:s23], $0x1  }
0xa3: {  	[sflag:s23] =	ssyncset.done $0x0  }
0xa4: {  	[sflag:s23] =	ssyncadd.s32 $0xFFFFFFFF  }
0xa5: {  	s5 =	sld [smem:$0x0]  }
0xa6: {  	s6 =	sand.u32 $0xFFFFFFFE, s1  }
0xa7: {  	p0 =	sne.s32 s1, s6  }
0xa8: {  	s6 =	sshll.u32 @p0 s6, $0xE  }
0xa9: {  	s6 =	sadd.s32 @p0 $0x11B8D, s6;
	s7 =	sshll.u32 @p0 s5, $0x11  }
0xaa: {  	s6 =	sor.u32 @p0 s7, s6  }
0xab: {  	[sflag:s6] =	ssyncadd.remote.s32 @p0 $0x1;
	_ =	sdelay $0x1  }
0xac: {  	s6 =	simm.s32 @p0 $0x1B8D  }
0xad: {  	_ =	swait.eq @p0 [sflag:s6], $0x1  }
0xae: {  	[sflag:s6] =	ssyncadd.s32 @p0 $0xFFFFFFFF  }
0xaf: {  	s7 =	sshll.u32 @!p0 s1, $0xE  }
0xb0: {  	s7 =	sor.u32 @!p0 $0x4000, s7;
	s6 =	simm.s32 @!p0 $0x1B8D  }
0xb1: {  	s5 =	sshll.u32 @!p0 s5, $0x11;
	s7 =	sadd.s32 @!p0 $0x11B8D, s7;
	_ =	swait.eq @!p0 [sflag:s6], $0x1  }
0xb2: {  	s5 =	sor.u32 @!p0 s5, s7;
	[sflag:s6] =	ssyncadd.s32 @!p0 $0xFFFFFFFF  }
0xb3: {  	s25 =	simm.s32 $0x1B8E;
	s24 =	sld [smem:$0x3FFE];
	[sflag:s5] =	ssyncadd.remote.s32 @!p0 $0x1  }
0xb4: {  	s26 =	simm.s32 $execute0_lowered;
	[smem:$0x3FD2] =	sst s25  }
0xb5: {  	s6 =	sshll.u32 s26, $0x1;
	_ =	strace $0x80000049;
	[dreg:$0x1] =	wrdreg $0xFFFFFFFF  }
0xb6: {  	s28 =	simm.s32 $_size_execute0_lowered;
	s4 =	sadd.s32 s4, s6;
	[dreg:$0x0] =	wrdreg $0x0  }
0xb7: {  	s6 =	sshll.u32 s28, $0x1;
	[dreg:$0x2] =	wrdreg s4  }
0xb8: {  	[dreg:$0x3] =	wrdreg s6  }
0xb9: {  	[dreg:$0x4] =	wrdreg $0xC0  }
0xba: {  	_ =	task [dreg:s22], $0x5FFFF  }
0xbb: {  	[dreg:$0x1] =	wrdreg $0xFFFFFFFF  }
0xbc: {  	[dreg:$0x0] =	wrdreg $0x60  }
0xbd: {  	[dreg:$0x2] =	wrdreg s18  }
0xbe: {  	[dreg:$0x3] =	wrdreg s24  }
0xbf: {  	[dreg:$0x4] =	wrdreg $0xA  }
0xc0: {  	_ =	task.clear_ibuf [dreg:s22], $0x5FFFF;
	_ =	strace $0x90000049  }
0xc1: {  	s29 =	simm.s32 $0xA;
	_ =	strace $0x8000004B  }
0xc2: {  	_ =	swait.ge [sflag:s29], $0x1  }
0xc3: {  	[sflag:s29] =	ssyncadd.s32 $0xFFFFFFFF  }
0xc4: {  	_ =	strace $0x9000004B  }
0xc5: {  	_ =	sfence  }
0xc6: {  	s30 =	sld [smem:$0x0];
	_ =	sdelay $0x2  }
0xc7: {  	s31 =	sshll.u32 s1, $0xD;
	s1 =	sshrl.u32 s1, $0x2  }
0xc8: {  	s4 =	sand.u32 $0x4000, s31;
	s1 =	sadd.s32 s1, s30  }
0xc9: {  	s0 =	sor.u32 s4, s0;
	s1 =	sshll.u32 s1, $0x11  }
0xca: {  	s0 =	sor.u32 s1, s0  }
0xcb: {  	s0 =	sadd.s32 $0x8F2B, s0  }
0xcc: {  	[sflag:s0] =	ssyncadd.remote.s32 $0x1  }
0xcd: {  	_ =	sfence.sel $0xFFFF  }
0xce: {  	[dreg:$0x0] =	wrdreg $0xFFFFFFFF;
	(pc) =	sbr.abs _section_cstart, $3  }
0xcf: {  	[dreg:$0x1] =	wrdreg $0xFFFFFFFF  }
0xd0: {  	_ =	task.clear_ibuf [dreg:s22], $0x2FFFF;
	_ =	strace $0x9FFFFFFF  }
0xd1: {  	(tm) =	ssettm $0x7FFFFFFF  }
tec
execute0_lowered:
.L_overlay_start_1:
0x0: {  	(tag) =	ssettag $0x1  }
0x1: {  	s1 =	srdreg.scid  }
0x2: {  	s2 =	rddreg [dreg:$0x0];
	s0 =	stileid.u32  }
0x3: {  	s4 =	rddreg [dreg:$0x1];
	s3 =	simm.s32 $0x0;
	s8 =	simm.s32 $0x80  }
0x4: {  	s26 =	simm.s32 $0x880;
	s9 =	simm.s32 $0x1080;
	s10 =	simm.s32 $0x1880  }
0x5: {  	s11 =	simm.s32 $0x2080;
	s12 =	simm.s32 $0x2880;
	s13 =	simm.s32 $0x3080  }
0x6: {  	s14 =	simm.s32 $0x3880;
	s15 =	simm.s32 $0x4080;
	s16 =	simm.s32 $0x4880  }
0x7: {  	s17 =	simm.s32 $0x5080;
	s18 =	simm.s32 $0x5880;
	s19 =	simm.s32 $0x6080  }
0x8: {  	s20 =	simm.s32 $0x6880;
	s21 =	simm.s32 $0x7080;
	s22 =	simm.s32 $0x7880  }
0x9: {  	s23 =	simm.s32 $0x8080;
	s24 =	simm.s32 $0x8880;
	s28 =	simm.s32 $0xA080  }
0xa: {  	s29 =	simm.s32 $0xA880;
	s30 =	simm.s32 $0xB080;
	s31 =	simm.s32 $0xB880  }
0xb: {  	s1 =	sand.u32 $0x1, s1;
	s5 =	sshll.u32 s0, $0x4;
	[smem:$0x7FF] =	sst s3  }
0xc: {  	s6 =	sshll.u32 s1, $0x3;
	s1 =	ssub.s32 $0x2, s1;
	_ =	strace $0x8000004A  }
0xd: {  	[dreg:$0x5] =	wrdreg s26;
	s26 =	simm.s32 $0x9880;
	s5 =	sor.u32 s6, s5  }
0xe: {  	s7 =	sshrl.u32 s1, $0x1;
	s6 =	smul.u32 $0x300, s5;
	s5 =	sadd.s32 s5, s4  }
0xf: {  	s1 =	ssub.s32 s1, s7;
	s7 =	simm.s32 $0x2;
	s25 =	sadd.s32 $0x3200, s5  }
0x10: {  	v2 =	vlaneseq.u32;
	s5 =	sadd.s32 $0x200, s2;
	s6 =	sadd.s32 s6, s4;
	[dreg:$0x3] =	wrdreg s25  }
0x11: {  	vm0 =	vmmov $0xffff;
	v1 =	vshrl.u32 v2, $0x3;
	s4 =	sadd.s32 $0x100, s2;
	s25 =	simm.s32 $0x9080;
	s6 =	sadd.s32 $0x3800, s6  }
0x12: {  	v0 =	vand.u32 $0x7, v2;
	v2 =	vor.u32 $0x8, v2;
	v1 =	vmul.u32 $0x8, v1;
	[dreg:$0x4] =	wrdreg s6;
	s6 =	smax.u32 s1, $0x1;
	s1 =	simm.s32 $0x1  }
.LBB2_1:
0x13: {  	s0 =	rddreg [dreg:$0x3]  }
0x14: {  	[tilespmem:s3], [sflag:$0x2] =	stream.linear.gather [hbm4b:s0+s3], $0x40, $0x38;
	[tilespmem:$0xC080] =	vst v63  }
0x15: {  	_ =	swait.ge [sflag:s7], $0x40  }
0x16: {  	[sflag:s7] =	ssyncset.done $0x0  }
0x17: {  	[sflag:s7] =	ssyncadd.s32 $0xFFFFFFC0  }
0x18: {  	v3 =	vld [tilespmem:$0x0];
	_ =	sdelay $0x4  }
0x19: {  	v4 =	vshrl.u32 v3, $0x3  }
0x1a: {  	v4 =	vmul.u32 $0x30, v4  }
0x1b: {  	v3 =	vand.u32 $0x7, v3  }
0x1c: {  	v3 =	vor.u32 v3, v4  }
0x1d: {  	v4 =	vperm.xlane v3, v0;
	_ =	sdelay $0x1  }
0x1e: {  	v4 =	vadd.s32 v1, v4;
	_ =	sdelay $0x3  }
0x1f: {  	v3 =	vperm.xlane v3, v2  }
0x20: {  	[tilespmem:s8], [sflag:$0x1] =	stream.indirect_vreg.gather [hbm4b:s2+s3], $0x80, v4, vm0, $0xb8;
	[tilespmem:$0xC080] =	vst v63  }
0x21: {  	s0 =	rddreg [dreg:$0x5];
	v3 =	vadd.s32 v1, v3  }
0x22: {  	[tilespmem:s0], [sflag:$0x1] =	stream.indirect_vreg.gather [hbm4b:s4+s3], $0x80, v4, vm0, $0xb8;
	[tilespmem:$0xC080] =	vst v63  }
0x23: {  	_ = 	snop  }
0x24: {  	[tilespmem:s9], [sflag:$0x1] =	stream.indirect_vreg.gather [hbm4b:s5+s3], $0x80, v4, vm0, $0xb8;
	[tilespmem:$0xC080] =	vst v63  }
0x25: {  	_ = 	snop  }
0x26: {  	[tilespmem:s10], [sflag:$0x1] =	stream.indirect_vreg.gather [hbm4b:s2+s3], $0x80, v3, vm0, $0xb8;
	[tilespmem:$0xC080] =	vst v63  }
0x27: {  	_ = 	snop  }
0x28: {  	[tilespmem:s11], [sflag:$0x1] =	stream.indirect_vreg.gather [hbm4b:s4+s3], $0x80, v3, vm0, $0xb8;
	[tilespmem:$0xC080] =	vst v63  }
0x29: {  	_ = 	snop  }
0x2a: {  	[tilespmem:s12], [sflag:$0x1] =	stream.indirect_vreg.gather [hbm4b:s5+s3], $0x80, v3, vm0, $0xb8;
	[tilespmem:$0xC080] =	vst v63  }
0x2b: {  	v3 =	vld [tilespmem:$0x10];
	_ =	sdelay $0x4  }
0x2c: {  	v61 =	vshrl.u32 v3, $0x3  }
0x2d: {  	v4 =	vmul.u32 $0x30, v61  }
0x2e: {  	v3 =	vand.u32 $0x7, v3  }
0x2f: {  	v3 =	vor.u32 v3, v4  }
0x30: {  	v4 =	vperm.xlane v3, v0;
	_ =	sdelay $0x1  }
0x31: {  	v4 =	vadd.s32 v1, v4;
	_ =	sdelay $0x3  }
0x32: {  	v3 =	vperm.xlane v3, v2  }
0x33: {  	[tilespmem:s13], [sflag:$0x1] =	stream.indirect_vreg.gather [hbm4b:s2+s3], $0x80, v4, vm0, $0xb8;
	[tilespmem:$0xC080] =	vst v63  }
0x34: {  	v3 =	vadd.s32 v1, v3  }
0x35: {  	[tilespmem:s14], [sflag:$0x1] =	stream.indirect_vreg.gather [hbm4b:s4+s3], $0x80, v4, vm0, $0xb8;
	[tilespmem:$0xC080] =	vst v63  }
0x36: {  	_ = 	snop  }
0x37: {  	[tilespmem:s15], [sflag:$0x1] =	stream.indirect_vreg.gather [hbm4b:s5+s3], $0x80, v4, vm0, $0xb8;
	[tilespmem:$0xC080] =	vst v63  }
0x38: {  	_ = 	snop  }
0x39: {  	[tilespmem:s16], [sflag:$0x1] =	stream.indirect_vreg.gather [hbm4b:s2+s3], $0x80, v3, vm0, $0xb8;
	[tilespmem:$0xC080] =	vst v63  }
0x3a: {  	_ = 	snop  }
0x3b: {  	[tilespmem:s17], [sflag:$0x1] =	stream.indirect_vreg.gather [hbm4b:s4+s3], $0x80, v3, vm0, $0xb8;
	[tilespmem:$0xC080] =	vst v63  }
0x3c: {  	_ = 	snop  }
0x3d: {  	[tilespmem:s18], [sflag:$0x1] =	stream.indirect_vreg.gather [hbm4b:s5+s3], $0x80, v3, vm0, $0xb8;
	[tilespmem:$0xC080] =	vst v63  }
0x3e: {  	v3 =	vld [tilespmem:$0x20];
	_ =	sdelay $0x4  }
0x3f: {  	v62 =	vshrl.u32 v3, $0x3  }
0x40: {  	v4 =	vmul.u32 $0x30, v62  }
0x41: {  	v3 =	vand.u32 $0x7, v3  }
0x42: {  	v3 =	vor.u32 v3, v4  }
0x43: {  	v4 =	vperm.xlane v3, v0;
	_ =	sdelay $0x1  }
0x44: {  	v4 =	vadd.s32 v1, v4;
	_ =	sdelay $0x3  }
0x45: {  	v3 =	vperm.xlane v3, v2  }
0x46: {  	[tilespmem:s19], [sflag:$0x1] =	stream.indirect_vreg.gather [hbm4b:s2+s3], $0x80, v4, vm0, $0xb8;
	[tilespmem:$0xC080] =	vst v63  }
0x47: {  	v3 =	vadd.s32 v1, v3  }
0x48: {  	[tilespmem:s20], [sflag:$0x1] =	stream.indirect_vreg.gather [hbm4b:s4+s3], $0x80, v4, vm0, $0xb8;
	[tilespmem:$0xC080] =	vst v63  }
0x49: {  	_ = 	snop  }
0x4a: {  	[tilespmem:s21], [sflag:$0x1] =	stream.indirect_vreg.gather [hbm4b:s5+s3], $0x80, v4, vm0, $0xb8;
	[tilespmem:$0xC080] =	vst v63  }
0x4b: {  	_ = 	snop  }
0x4c: {  	[tilespmem:s22], [sflag:$0x1] =	stream.indirect_vreg.gather [hbm4b:s2+s3], $0x80, v3, vm0, $0xb8;
	[tilespmem:$0xC080] =	vst v63  }
0x4d: {  	_ = 	snop  }
0x4e: {  	[tilespmem:s23], [sflag:$0x1] =	stream.indirect_vreg.gather [hbm4b:s4+s3], $0x80, v3, vm0, $0xb8;
	[tilespmem:$0xC080] =	vst v63  }
0x4f: {  	_ = 	snop  }
0x50: {  	[tilespmem:s24], [sflag:$0x1] =	stream.indirect_vreg.gather [hbm4b:s5+s3], $0x80, v3, vm0, $0xb8;
	[tilespmem:$0xC080] =	vst v63  }
0x51: {  	v3 =	vld [tilespmem:$0x30];
	_ =	sdelay $0x4  }
0x52: {  	v63 =	vshrl.u32 v3, $0x3  }
0x53: {  	v4 =	vmul.u32 $0x30, v63  }
0x54: {  	v3 =	vand.u32 $0x7, v3  }
0x55: {  	v3 =	vor.u32 v3, v4  }
0x56: {  	v4 =	vperm.xlane v3, v0;
	_ =	sdelay $0x1  }
0x57: {  	v4 =	vadd.s32 v1, v4;
	_ =	sdelay $0x3  }
0x58: {  	v3 =	vperm.xlane v3, v2  }
0x59: {  	[tilespmem:s25], [sflag:$0x1] =	stream.indirect_vreg.gather [hbm4b:s2+s3], $0x80, v4, vm0, $0xb8;
	[tilespmem:$0xC080] =	vst v63  }
0x5a: {  	v3 =	vadd.s32 v1, v3  }
0x5b: {  	[tilespmem:s26], [sflag:$0x1] =	stream.indirect_vreg.gather [hbm4b:s4+s3], $0x80, v4, vm0, $0xb8;
	[tilespmem:$0xC080] =	vst v63  }
0x5c: {  	_ = 	snop  }
0x5d: {  	[tilespmem:s28], [sflag:$0x1] =	stream.indirect_vreg.gather [hbm4b:s5+s3], $0x80, v4, vm0, $0xb8;
	[tilespmem:$0xC080] =	vst v63  }
0x5e: {  	_ = 	snop  }
0x5f: {  	[tilespmem:s29], [sflag:$0x1] =	stream.indirect_vreg.gather [hbm4b:s2+s3], $0x80, v3, vm0, $0xb8;
	[tilespmem:$0xC080] =	vst v63  }
0x60: {  	_ = 	snop  }
0x61: {  	[tilespmem:s30], [sflag:$0x1] =	stream.indirect_vreg.gather [hbm4b:s4+s3], $0x80, v3, vm0, $0xb8;
	[tilespmem:$0xC080] =	vst v63  }
0x62: {  	_ = 	snop  }
0x63: {  	[tilespmem:s31], [sflag:$0x1] =	stream.indirect_vreg.gather [hbm4b:s5+s3], $0x80, v3, vm0, $0xb8;
	[tilespmem:$0xC080] =	vst v63  }
0x64: {  	_ =	swait.ge [sflag:s1], $0xC000  }
0x65: {  	p0 =	sne.s32 s6, $0x1;
	[sflag:s1] =	ssyncset.done $0x0  }
.Ltmp0:
0x66: {  	s0 =	rddreg [dreg:$0x4];
	[sflag:s1] =	ssyncadd.s32 $0xFFFF4000;
	(pc) =	sbr.rel @p0 .LBB2_1-.Ltmp0, $4  }
0x67: {  	[hbm4b:s0+s3] =	stream.linear.scatter [tilespmem:s8], [sflag:$0x2], $0xC000, $0x38;
	[tilespmem:$0xC080] =	vst v63  }
0x68: {  	_ =	swait.ge [sflag:s7], $0xC000  }
0x69: {  	[sflag:s7] =	ssyncset.done $0x0  }
0x6a: {  	s6 =	sadd.s32 $0xFFFFFFFF, s6;
	[sflag:s7] =	ssyncadd.s32 $0xFFFF4000  }
0x6b: {  	_ =	sfence.sel $0x180000  }
0x6c: {  	[bflag:$0x0] =	sbarrier.arrive $0xFFFF  }
0x6d: {  	_ =	strace $0x9000004A  }
0x6e: {  	s0 =	stileid.u32;
	[bflag:$0x2] =	sbarrier.arrive $0xFFFF  }
0x6f: {  	p0 =	sne.s32 s0, $0x0;
	s0 =	rddreg [dreg:$0x2]  }
0x70: {  	s0 =	sadd.s32 @!p0 $0x100000, s0  }
0x71: {  	[sflag:s0] =	ssyncadd.tile.s32 @!p0 $0x1;
	_ =	shalt  }
.Lfunc_end2:
_tile_overlayer_lowered:
.L_overlay_start_2:
0x72: {  	(tag) =	ssettag $0x2  }
0x73: {  	s0 =	rddreg [dreg:$0x0];
	s2 =	stileid.u32  }
0x74: {  	s1 =	rddreg [dreg:$0x1];
	p0 =	sne.s32 s2, $0x0  }
0x75: {  	s3 =	rddreg [dreg:$0x2];
	[bflag:$0x3] =	sbarrier.arrive $0xFFFF;
	s2 =	simm.s32 @!p0 $0x1C02  }
0x76: {  	[timem:s3], [sflag:s2] =	dma.local @!p0 [hbm:s0], s1  }
0x77: {  	s0 =	simm.s32 @!p0 $0x2  }
0x78: {  	_ =	swait.ge @!p0 [sflag:s0], s1  }
0x79: {  	s1 =	ssub.s32 @!p0 $0x0, s1;
	[sflag:s0] =	ssyncset.done @!p0 $0x0  }
0x7a: {  	[sflag:s0] =	ssyncadd.s32 @!p0 s1  }
0x7b: {  	[bflag:$0x3] =	sbarrier.arrive $0xFFFF  }
0x7c: {  	_ =	shalt  }

// kernel: kernel.16.cloned.1.call-start
scs
__scs_entry_jumppad:
0x0: {  	(pc) =	sbr.rel $0x88, $3  }
0x1: {  	(tag) =	ssettag $0x0;
	lr =	simm.s32 $0x1  }
0x2: {  	[smem:$0x3F94] =	sst lr;
	_ =	strace $0xD0000000  }
0x3: {  	_ = 	snop  }
0x4: {  	_ = 	snop  }
0x5: {  	_ = 	snop  }
0x6: {  	_ = 	snop  }
0x7: {  	_ = 	snop  }
__scs_overlays_trampoline_lowered:
0x8: {  	[smem:$0x3FA3] =	sst s0  }
0x9: {  	[smem:$0x3FA4] =	sst s1  }
0xa: {  	[smem:$0x3FA5] =	sst s2  }
0xb: {  	[smem:$0x3FA6] =	sst s3  }
0xc: {  	[smem:$0x3FA7] =	sst s4  }
0xd: {  	[smem:$0x3FA8] =	sst s5  }
0xe: {  	[smem:$0x3FA9] =	sst s6  }
0xf: {  	[smem:$0x3FAA] =	sst s7  }
0x10: {  	[smem:$0x3FAB] =	sst s8  }
0x11: {  	[smem:$0x3FAC] =	sst s9;
	s0 =	simm.s32 @!p0 $0x0  }
0x12: {  	s1 =	sld [smem:$0x3F92];
	s0 =	simm.s32 @p0 $0x1  }
0x13: {  	[smem:$0x3FAD] =	sst s0;
	s0 =	simm.s32 @!p1 $0x0  }
0x14: {  	s2 =	sld [smem:$0x3F91];
	s0 =	simm.s32 @p1 $0x1  }
0x15: {  	[smem:$0x3FAE] =	sst s0;
	s0 =	simm.s32 @!p2 $0x0  }
0x16: {  	s3 =	sld [smem:$0x3FDB];
	s0 =	simm.s32 @p2 $0x1  }
0x17: {  	s4 =	simm.s32 $0x1BF5;
	[smem:$0x3FB0] =	sst s0  }
0x18: {  	s0 =	sld [smem:$0x3F93];
	_ =	swait.ge [sflag:s4], $0x0  }
0x19: {  	s7 =	sld [smem:$0x3F94]  }
0x1a: {  	s8 =	sadd.s32 $0xFFFFE003, lr  }
0x1b: {  	s9 =	sadd.s32 $0xFFFFFEF7, lr;
	s5 =	simm.s32 $0xFFFFFFFF;
	p2 =	slt.u32 s8, $0xFFFFF086  }
0x1c: {  	p1 =	slt.u32 s9, $0xF7A;
	s5 =	simm.s32 @!p2 $0x0  }
0x1d: {  	s5 =	simm.s32 @p1 $0x1;
	p0 =	seq.s32 s7, s2  }
0x1e: {  	s7 =	smul.u32 @!p0 $0xF7A, s2;
	p2 =	seq.s32 @!p0 s5, $0x0  }
0x1f: {  	s9 =	smul.u32 $0xF7A, s1;
	s8 =	simm.s32 @!p0 $0x1BF5;
	p2 =	por !p2, p0  }
0x20: {  	[sflag:s8] =	ssyncset.s32 @!p0 $0xFFFFF086;
	s6 =	sadd.s32 @!p0 s3, s7;
	s7 =	simm.s32 @!p0 $0x108  }
0x21: {  	s3 =	sadd.s32 s3, s9;
	s6 =	sadd.s32 @!p0 $0x88, s6;
	s7 =	simm.s32 @p2 $0x1082  }
0x22: {  	[simem:s7], [sflag:s8] =	dma.local @!p0 [hbm:s6], $0xF7A  }
0x23: {  	s9 =	sor.u32 $0xD0000000, s2;
	s6 =	simm.s32 $0x108;
	_ =	swait.ge @!p0 [sflag:s8], $0x0  }
0x24: {  	s3 =	sadd.s32 $0x88, s3;
	s6 =	simm.s32 @!p1 $0x1082;
	[sflag:s4] =	ssyncset.s32 $0xFFFFF086  }
0x25: {  	[simem:s6], [sflag:s4] =	dma.local [hbm:s3], $0xF7A  }
0x26: {  	[smem:$0x3F94] =	sst s1;
	(tag) =	ssettag s2;
	_ =	strace s9  }
0x27: {  	s1 =	sld [smem:$0x3FA4]  }
0x28: {  	s2 =	sld [smem:$0x3FA5]  }
0x29: {  	s4 =	sld [smem:$0x3FA7]  }
0x2a: {  	p0 =	seq.s32 s5, $0x0;
	s5 =	sld [smem:$0x3FA8]  }
0x2b: {  	s6 =	sld [smem:$0x3FA9]  }
0x2c: {  	s7 =	sld [smem:$0x3FAA]  }
0x2d: {  	s3 =	simm.s32 $0x108;
	s8 =	sld [smem:$0x3FAB]  }
0x2e: {  	s3 =	simm.s32 @!p0 $0x1082;
	s9 =	sld [smem:$0x3FAC]  }
0x2f: {  	lr =	sadd.s32 s0, s3;
	s0 =	sld [smem:$0x3FA3]  }
0x30: {  	s3 =	sld [smem:$0x3FA6]  }
0x31: {  	[smem:$0x3FAF] =	sst s10  }
0x32: {  	s10 =	sld [smem:$0x3FAD];
	_ =	sdelay $0x3  }
0x33: {  	p0 =	seq.s32 s10, $0x1;
	s10 =	sld [smem:$0x3FAF];
	_ =	sdelay $0x3  }
0x34: {  	[smem:$0x3FAF] =	sst s10  }
0x35: {  	s10 =	sld [smem:$0x3FAE];
	_ =	sdelay $0x3  }
0x36: {  	p1 =	seq.s32 s10, $0x1;
	s10 =	sld [smem:$0x3FAF];
	_ =	sdelay $0x3  }
0x37: {  	[smem:$0x3FAF] =	sst s10  }
0x38: {  	s10 =	sld [smem:$0x3FB0]  }
0x39: {  	_ = 	snop;
	(pc) =	sbr.ind lr, $3  }
0x3a: {  	_ = 	snop  }
0x3b: {  	_ = 	snop  }
0x3c: {  	p2 =	seq.s32 s10, $0x1;
	s10 =	sld [smem:$0x3FAF]  }
0x3d: {  	_ =	shalt  }
0x3e: {  	_ =	shalt  }
0x3f: {  	_ =	shalt  }
0x40: {  	_ =	shalt  }
0x41: {  	_ =	shalt  }
0x42: {  	_ =	shalt  }
0x43: {  	_ =	shalt  }
0x44: {  	_ =	shalt  }
0x45: {  	_ =	shalt  }
0x46: {  	_ =	shalt  }
0x47: {  	_ =	shalt  }
0x48: {  	_ =	shalt  }
0x49: {  	_ =	shalt  }
0x4a: {  	_ =	shalt  }
0x4b: {  	_ =	shalt  }
0x4c: {  	_ =	shalt  }
0x4d: {  	_ =	shalt  }
0x4e: {  	_ =	shalt  }
0x4f: {  	_ =	shalt  }
0x50: {  	_ =	shalt  }
0x51: {  	_ =	shalt  }
0x52: {  	_ =	shalt  }
0x53: {  	_ =	shalt  }
0x54: {  	_ =	shalt  }
0x55: {  	_ =	shalt  }
0x56: {  	_ =	shalt  }
0x57: {  	_ =	shalt  }
0x58: {  	_ =	shalt  }
0x59: {  	_ =	shalt  }
0x5a: {  	_ =	shalt  }
0x5b: {  	_ =	shalt  }
0x5c: {  	_ =	shalt  }
0x5d: {  	_ =	shalt  }
0x5e: {  	_ =	shalt  }
0x5f: {  	_ =	shalt  }
0x60: {  	_ =	shalt  }
0x61: {  	_ =	shalt  }
0x62: {  	_ =	shalt  }
0x63: {  	_ =	shalt  }
0x64: {  	_ =	shalt  }
0x65: {  	_ =	shalt  }
0x66: {  	_ =	shalt  }
0x67: {  	_ =	shalt  }
0x68: {  	_ =	shalt  }
0x69: {  	_ =	shalt  }
0x6a: {  	_ =	shalt  }
0x6b: {  	_ =	shalt  }
0x6c: {  	_ =	shalt  }
0x6d: {  	_ =	shalt  }
0x6e: {  	_ =	shalt  }
0x6f: {  	_ =	shalt  }
0x70: {  	_ =	shalt  }
0x71: {  	_ =	shalt  }
0x72: {  	_ =	shalt  }
0x73: {  	_ =	shalt  }
0x74: {  	_ =	shalt  }
0x75: {  	_ =	shalt  }
0x76: {  	_ =	shalt  }
0x77: {  	_ =	shalt  }
0x78: {  	_ =	shalt  }
0x79: {  	_ =	shalt  }
0x7a: {  	_ =	shalt  }
0x7b: {  	_ =	shalt  }
0x7c: {  	_ =	shalt  }
0x7d: {  	_ =	shalt  }
0x7e: {  	_ =	shalt  }
0x7f: {  	_ =	shalt  }
0x80: {  	_ =	shalt  }
0x81: {  	_ =	shalt  }
0x82: {  	_ =	shalt  }
0x83: {  	_ =	shalt  }
0x84: {  	_ =	shalt  }
0x85: {  	_ =	shalt  }
0x86: {  	_ =	shalt  }
0x87: {  	_ =	shalt  }
.Lfunc_end0:
.L_simem_size_0:
called_computation.2_lowered:
.L_overlay_start_0:
0x88: {  	s2 =	sld [smem:$0x3FD9]  }
0x89: {  	s3 =	sld [smem:$0x3FFE];
	_ =	sdelay $0x1  }
0x8a: {  	s1 =	srdreg.scid  }
0x8b: {  	s0 =	sand.u32 $0x1, s1  }
0x8c: {  	s17 =	sshll.u32 s0, $0xA;
	s2 =	sadd.s32 s3, s2  }
0x8d: {  	s2 =	sadd.s32 s2, s17  }
0x8e: {  	[smem:$0x3FBB] =	sst s2  }
0x8f: {  	_ = 	snop  }
0x90: {  	s18 =	sld [smem:$0x3FC6];
	(tm) =	ssettm $0x1  }
0x91: {  	s19 =	sld [smem:$0x3FFB];
	_ =	sdelay $0x3  }
0x92: {  	_ =	strace s19  }
0x93: {  	s2 =	sld [smem:$0x3FFC];
	_ =	sdelay $0x3  }
0x94: {  	_ =	strace s2  }
0x95: {  	s2 =	sld [smem:$0x3FFD];
	_ =	sdelay $0x3  }
0x96: {  	_ =	strace s2  }
0x97: {  	_ =	strace $0x8FFFFFFF  }
0x98: {  	s20 =	sld [smem:$0x3FDB];
	_ =	sdelay $0x1  }
0x99: {  	s4 =	simm.s32 $_scs_section_size  }
0x9a: {  	s5 =	simm.s32 $_size__tile_overlayer_lowered;
	s6 =	simm.s32 $_tile_overlayer_lowered  }
0x9b: {  	s7 =	simm.s32 $0x1BFF;
	s21 =	sshll.u32 s6, $0x1;
	s4 =	sadd.s32 s4, s20  }
0x9c: {  	s22 =	simm.s32 $0x0;
	s5 =	sshll.u32 s5, $0x1;
	s6 =	sadd.s32 s21, s4  }
0x9d: {  	[timem:s22], [sflag:s7] =	dma.local [hbm:s6], s5  }
0x9e: {  	_ =	swait.ge [sflag:s7], s5  }
0x9f: {  	s5 =	ssub.s32 $0x0, s5;
	[sflag:s7] =	ssyncset.done $0x0  }
0xa0: {  	[sflag:s7] =	ssyncadd.s32 s5;
	_ =	sdelay $0x1  }
0xa1: {  	s23 =	simm.s32 $0x1B8B  }
0xa2: {  	_ =	swait.ge [sflag:s23], $0x1  }
0xa3: {  	[sflag:s23] =	ssyncset.done $0x0  }
0xa4: {  	[sflag:s23] =	ssyncadd.s32 $0xFFFFFFFF  }
0xa5: {  	s5 =	sld [smem:$0x0]  }
0xa6: {  	s6 =	sand.u32 $0xFFFFFFFE, s1  }
0xa7: {  	p0 =	sne.s32 s1, s6  }
0xa8: {  	s6 =	sshll.u32 @p0 s6, $0xE  }
0xa9: {  	s6 =	sadd.s32 @p0 $0x11B8D, s6;
	s7 =	sshll.u32 @p0 s5, $0x11  }
0xaa: {  	s6 =	sor.u32 @p0 s7, s6  }
0xab: {  	[sflag:s6] =	ssyncadd.remote.s32 @p0 $0x1;
	_ =	sdelay $0x1  }
0xac: {  	s6 =	simm.s32 @p0 $0x1B8D  }
0xad: {  	_ =	swait.eq @p0 [sflag:s6], $0x1  }
0xae: {  	[sflag:s6] =	ssyncadd.s32 @p0 $0xFFFFFFFF  }
0xaf: {  	s7 =	sshll.u32 @!p0 s1, $0xE  }
0xb0: {  	s7 =	sor.u32 @!p0 $0x4000, s7;
	s6 =	simm.s32 @!p0 $0x1B8D  }
0xb1: {  	s5 =	sshll.u32 @!p0 s5, $0x11;
	s7 =	sadd.s32 @!p0 $0x11B8D, s7;
	_ =	swait.eq @!p0 [sflag:s6], $0x1  }
0xb2: {  	s5 =	sor.u32 @!p0 s5, s7;
	[sflag:s6] =	ssyncadd.s32 @!p0 $0xFFFFFFFF  }
0xb3: {  	s25 =	simm.s32 $0x1B8E;
	s24 =	sld [smem:$0x3FFE];
	[sflag:s5] =	ssyncadd.remote.s32 @!p0 $0x1  }
0xb4: {  	s26 =	simm.s32 $execute0_lowered;
	[smem:$0x3FD2] =	sst s25  }
0xb5: {  	s6 =	sshll.u32 s26, $0x1;
	_ =	strace $0x8000004C;
	[dreg:$0x1] =	wrdreg $0xFFFFFFFF  }
0xb6: {  	s28 =	simm.s32 $_size_execute0_lowered;
	s4 =	sadd.s32 s4, s6;
	[dreg:$0x0] =	wrdreg $0x0  }
0xb7: {  	s6 =	sshll.u32 s28, $0x1;
	[dreg:$0x2] =	wrdreg s4  }
0xb8: {  	[dreg:$0x3] =	wrdreg s6  }
0xb9: {  	[dreg:$0x4] =	wrdreg $0xC0  }
0xba: {  	_ =	task [dreg:s22], $0x5FFFF  }
0xbb: {  	[dreg:$0x1] =	wrdreg $0xFFFFFFFF  }
0xbc: {  	[dreg:$0x0] =	wrdreg $0x60  }
0xbd: {  	[dreg:$0x2] =	wrdreg s18  }
0xbe: {  	[dreg:$0x3] =	wrdreg s24  }
0xbf: {  	[dreg:$0x4] =	wrdreg $0xB  }
0xc0: {  	_ =	task.clear_ibuf [dreg:s22], $0x5FFFF;
	_ =	strace $0x9000004C  }
0xc1: {  	s29 =	simm.s32 $0xB;
	_ =	strace $0x8000004E  }
0xc2: {  	_ =	swait.ge [sflag:s29], $0x1  }
0xc3: {  	[sflag:s29] =	ssyncadd.s32 $0xFFFFFFFF  }
0xc4: {  	_ =	strace $0x9000004E  }
0xc5: {  	_ =	sfence  }
0xc6: {  	s30 =	sld [smem:$0x0];
	_ =	sdelay $0x2  }
0xc7: {  	s31 =	sshll.u32 s1, $0xD;
	s1 =	sshrl.u32 s1, $0x2  }
0xc8: {  	s4 =	sand.u32 $0x4000, s31;
	s1 =	sadd.s32 s1, s30  }
0xc9: {  	s0 =	sor.u32 s4, s0;
	s1 =	sshll.u32 s1, $0x11  }
0xca: {  	s0 =	sor.u32 s1, s0  }
0xcb: {  	s0 =	sadd.s32 $0x8F2B, s0  }
0xcc: {  	[sflag:s0] =	ssyncadd.remote.s32 $0x1  }
0xcd: {  	_ =	sfence.sel $0xFFFF  }
0xce: {  	[dreg:$0x0] =	wrdreg $0xFFFFFFFF;
	(pc) =	sbr.abs _section_cstart, $3  }
0xcf: {  	[dreg:$0x1] =	wrdreg $0xFFFFFFFF  }
0xd0: {  	_ =	task.clear_ibuf [dreg:s22], $0x2FFFF;
	_ =	strace $0x9FFFFFFF  }
0xd1: {  	(tm) =	ssettm $0x7FFFFFFF  }
tec
execute0_lowered:
.L_overlay_start_1:
0x0: {  	(tag) =	ssettag $0x1  }
0x1: {  	s1 =	srdreg.scid  }
0x2: {  	s2 =	rddreg [dreg:$0x0];
	s0 =	stileid.u32  }
0x3: {  	s4 =	rddreg [dreg:$0x1];
	s3 =	simm.s32 $0x0;
	s8 =	simm.s32 $0x80  }
0x4: {  	s26 =	simm.s32 $0x880;
	s9 =	simm.s32 $0x1080;
	s10 =	simm.s32 $0x1880  }
0x5: {  	s11 =	simm.s32 $0x2080;
	s12 =	simm.s32 $0x2880;
	s13 =	simm.s32 $0x3080  }
0x6: {  	s14 =	simm.s32 $0x3880;
	s15 =	simm.s32 $0x4080;
	s16 =	simm.s32 $0x4880  }
0x7: {  	s17 =	simm.s32 $0x5080;
	s18 =	simm.s32 $0x5880;
	s19 =	simm.s32 $0x6080  }
0x8: {  	s20 =	simm.s32 $0x6880;
	s21 =	simm.s32 $0x7080;
	s22 =	simm.s32 $0x7880  }
0x9: {  	s23 =	simm.s32 $0x8080;
	s24 =	simm.s32 $0x8880;
	s28 =	simm.s32 $0xA080  }
0xa: {  	s29 =	simm.s32 $0xA880;
	s30 =	simm.s32 $0xB080;
	s31 =	simm.s32 $0xB880  }
0xb: {  	s1 =	sand.u32 $0x1, s1;
	s5 =	sshll.u32 s0, $0x4;
	[smem:$0x7FF] =	sst s3  }
0xc: {  	s6 =	sshll.u32 s1, $0x3;
	s1 =	ssub.s32 $0x2, s1;
	_ =	strace $0x8000004D  }
0xd: {  	[dreg:$0x5] =	wrdreg s26;
	s26 =	simm.s32 $0x9880;
	s5 =	sor.u32 s6, s5  }
0xe: {  	s7 =	sshrl.u32 s1, $0x1;
	s6 =	smul.u32 $0x300, s5;
	s5 =	sadd.s32 s5, s4  }
0xf: {  	s1 =	ssub.s32 s1, s7;
	s7 =	simm.s32 $0x2;
	s25 =	sadd.s32 $0x3400, s5  }
0x10: {  	v2 =	vlaneseq.u32;
	s5 =	sadd.s32 $0x200, s2;
	s6 =	sadd.s32 s6, s4;
	[dreg:$0x3] =	wrdreg s25  }
0x11: {  	vm0 =	vmmov $0xffff;
	v1 =	vshrl.u32 v2, $0x3;
	s4 =	sadd.s32 $0x100, s2;
	s25 =	simm.s32 $0x9080;
	s6 =	sadd.s32 $0x33800, s6  }
0x12: {  	v0 =	vand.u32 $0x7, v2;
	v2 =	vor.u32 $0x8, v2;
	v1 =	vmul.u32 $0x8, v1;
	[dreg:$0x4] =	wrdreg s6;
	s6 =	smax.u32 s1, $0x1;
	s1 =	simm.s32 $0x1  }
.LBB2_1:
0x13: {  	s0 =	rddreg [dreg:$0x3]  }
0x14: {  	[tilespmem:s3], [sflag:$0x2] =	stream.linear.gather [hbm4b:s0+s3], $0x40, $0x38;
	[tilespmem:$0xC080] =	vst v63  }
0x15: {  	_ =	swait.ge [sflag:s7], $0x40  }
0x16: {  	[sflag:s7] =	ssyncset.done $0x0  }
0x17: {  	[sflag:s7] =	ssyncadd.s32 $0xFFFFFFC0  }
0x18: {  	v3 =	vld [tilespmem:$0x0];
	_ =	sdelay $0x4  }
0x19: {  	v4 =	vshrl.u32 v3, $0x3  }
0x1a: {  	v4 =	vmul.u32 $0x30, v4  }
0x1b: {  	v3 =	vand.u32 $0x7, v3  }
0x1c: {  	v3 =	vor.u32 v3, v4  }
0x1d: {  	v4 =	vperm.xlane v3, v0;
	_ =	sdelay $0x1  }
0x1e: {  	v4 =	vadd.s32 v1, v4;
	_ =	sdelay $0x3  }
0x1f: {  	v3 =	vperm.xlane v3, v2  }
0x20: {  	[tilespmem:s8], [sflag:$0x1] =	stream.indirect_vreg.gather [hbm4b:s2+s3], $0x80, v4, vm0, $0xb8;
	[tilespmem:$0xC080] =	vst v63  }
0x21: {  	s0 =	rddreg [dreg:$0x5];
	v3 =	vadd.s32 v1, v3  }
0x22: {  	[tilespmem:s0], [sflag:$0x1] =	stream.indirect_vreg.gather [hbm4b:s4+s3], $0x80, v4, vm0, $0xb8;
	[tilespmem:$0xC080] =	vst v63  }
0x23: {  	_ = 	snop  }
0x24: {  	[tilespmem:s9], [sflag:$0x1] =	stream.indirect_vreg.gather [hbm4b:s5+s3], $0x80, v4, vm0, $0xb8;
	[tilespmem:$0xC080] =	vst v63  }
0x25: {  	_ = 	snop  }
0x26: {  	[tilespmem:s10], [sflag:$0x1] =	stream.indirect_vreg.gather [hbm4b:s2+s3], $0x80, v3, vm0, $0xb8;
	[tilespmem:$0xC080] =	vst v63  }
0x27: {  	_ = 	snop  }
0x28: {  	[tilespmem:s11], [sflag:$0x1] =	stream.indirect_vreg.gather [hbm4b:s4+s3], $0x80, v3, vm0, $0xb8;
	[tilespmem:$0xC080] =	vst v63  }
0x29: {  	_ = 	snop  }
0x2a: {  	[tilespmem:s12], [sflag:$0x1] =	stream.indirect_vreg.gather [hbm4b:s5+s3], $0x80, v3, vm0, $0xb8;
	[tilespmem:$0xC080] =	vst v63  }
0x2b: {  	v3 =	vld [tilespmem:$0x10];
	_ =	sdelay $0x4  }
0x2c: {  	v61 =	vshrl.u32 v3, $0x3  }
0x2d: {  	v4 =	vmul.u32 $0x30, v61  }
0x2e: {  	v3 =	vand.u32 $0x7, v3  }
0x2f: {  	v3 =	vor.u32 v3, v4  }
0x30: {  	v4 =	vperm.xlane v3, v0;
	_ =	sdelay $0x1  }
0x31: {  	v4 =	vadd.s32 v1, v4;
	_ =	sdelay $0x3  }
0x32: {  	v3 =	vperm.xlane v3, v2  }
0x33: {  	[tilespmem:s13], [sflag:$0x1] =	stream.indirect_vreg.gather [hbm4b:s2+s3], $0x80, v4, vm0, $0xb8;
	[tilespmem:$0xC080] =	vst v63  }
0x34: {  	v3 =	vadd.s32 v1, v3  }
0x35: {  	[tilespmem:s14], [sflag:$0x1] =	stream.indirect_vreg.gather [hbm4b:s4+s3], $0x80, v4, vm0, $0xb8;
	[tilespmem:$0xC080] =	vst v63  }
0x36: {  	_ = 	snop  }
0x37: {  	[tilespmem:s15], [sflag:$0x1] =	stream.indirect_vreg.gather [hbm4b:s5+s3], $0x80, v4, vm0, $0xb8;
	[tilespmem:$0xC080] =	vst v63  }
0x38: {  	_ = 	snop  }
0x39: {  	[tilespmem:s16], [sflag:$0x1] =	stream.indirect_vreg.gather [hbm4b:s2+s3], $0x80, v3, vm0, $0xb8;
	[tilespmem:$0xC080] =	vst v63  }
0x3a: {  	_ = 	snop  }
0x3b: {  	[tilespmem:s17], [sflag:$0x1] =	stream.indirect_vreg.gather [hbm4b:s4+s3], $0x80, v3, vm0, $0xb8;
	[tilespmem:$0xC080] =	vst v63  }
0x3c: {  	_ = 	snop  }
0x3d: {  	[tilespmem:s18], [sflag:$0x1] =	stream.indirect_vreg.gather [hbm4b:s5+s3], $0x80, v3, vm0, $0xb8;
	[tilespmem:$0xC080] =	vst v63  }
0x3e: {  	v3 =	vld [tilespmem:$0x20];
	_ =	sdelay $0x4  }
0x3f: {  	v62 =	vshrl.u32 v3, $0x3  }
0x40: {  	v4 =	vmul.u32 $0x30, v62  }
0x41: {  	v3 =	vand.u32 $0x7, v3  }
0x42: {  	v3 =	vor.u32 v3, v4  }
0x43: {  	v4 =	vperm.xlane v3, v0;
	_ =	sdelay $0x1  }
0x44: {  	v4 =	vadd.s32 v1, v4;
	_ =	sdelay $0x3  }
0x45: {  	v3 =	vperm.xlane v3, v2  }
0x46: {  	[tilespmem:s19], [sflag:$0x1] =	stream.indirect_vreg.gather [hbm4b:s2+s3], $0x80, v4, vm0, $0xb8;
	[tilespmem:$0xC080] =	vst v63  }
0x47: {  	v3 =	vadd.s32 v1, v3  }
0x48: {  	[tilespmem:s20], [sflag:$0x1] =	stream.indirect_vreg.gather [hbm4b:s4+s3], $0x80, v4, vm0, $0xb8;
	[tilespmem:$0xC080] =	vst v63  }
0x49: {  	_ = 	snop  }
0x4a: {  	[tilespmem:s21], [sflag:$0x1] =	stream.indirect_vreg.gather [hbm4b:s5+s3], $0x80, v4, vm0, $0xb8;
	[tilespmem:$0xC080] =	vst v63  }
0x4b: {  	_ = 	snop  }
0x4c: {  	[tilespmem:s22], [sflag:$0x1] =	stream.indirect_vreg.gather [hbm4b:s2+s3], $0x80, v3, vm0, $0xb8;
	[tilespmem:$0xC080] =	vst v63  }
0x4d: {  	_ = 	snop  }
0x4e: {  	[tilespmem:s23], [sflag:$0x1] =	stream.indirect_vreg.gather [hbm4b:s4+s3], $0x80, v3, vm0, $0xb8;
	[tilespmem:$0xC080] =	vst v63  }
0x4f: {  	_ = 	snop  }
0x50: {  	[tilespmem:s24], [sflag:$0x1] =	stream.indirect_vreg.gather [hbm4b:s5+s3], $0x80, v3, vm0, $0xb8;
	[tilespmem:$0xC080] =	vst v63  }
0x51: {  	v3 =	vld [tilespmem:$0x30];
	_ =	sdelay $0x4  }
0x52: {  	v63 =	vshrl.u32 v3, $0x3  }
0x53: {  	v4 =	vmul.u32 $0x30, v63  }
0x54: {  	v3 =	vand.u32 $0x7, v3  }
0x55: {  	v3 =	vor.u32 v3, v4  }
0x56: {  	v4 =	vperm.xlane v3, v0;
	_ =	sdelay $0x1  }
0x57: {  	v4 =	vadd.s32 v1, v4;
	_ =	sdelay $0x3  }
0x58: {  	v3 =	vperm.xlane v3, v2  }
0x59: {  	[tilespmem:s25], [sflag:$0x1] =	stream.indirect_vreg.gather [hbm4b:s2+s3], $0x80, v4, vm0, $0xb8;
	[tilespmem:$0xC080] =	vst v63  }
0x5a: {  	v3 =	vadd.s32 v1, v3  }
0x5b: {  	[tilespmem:s26], [sflag:$0x1] =	stream.indirect_vreg.gather [hbm4b:s4+s3], $0x80, v4, vm0, $0xb8;
	[tilespmem:$0xC080] =	vst v63  }
0x5c: {  	_ = 	snop  }
0x5d: {  	[tilespmem:s28], [sflag:$0x1] =	stream.indirect_vreg.gather [hbm4b:s5+s3], $0x80, v4, vm0, $0xb8;
	[tilespmem:$0xC080] =	vst v63  }
0x5e: {  	_ = 	snop  }
0x5f: {  	[tilespmem:s29], [sflag:$0x1] =	stream.indirect_vreg.gather [hbm4b:s2+s3], $0x80, v3, vm0, $0xb8;
	[tilespmem:$0xC080] =	vst v63  }
0x60: {  	_ = 	snop  }
0x61: {  	[tilespmem:s30], [sflag:$0x1] =	stream.indirect_vreg.gather [hbm4b:s4+s3], $0x80, v3, vm0, $0xb8;
	[tilespmem:$0xC080] =	vst v63  }
0x62: {  	_ = 	snop  }
0x63: {  	[tilespmem:s31], [sflag:$0x1] =	stream.indirect_vreg.gather [hbm4b:s5+s3], $0x80, v3, vm0, $0xb8;
	[tilespmem:$0xC080] =	vst v63  }
0x64: {  	_ =	swait.ge [sflag:s1], $0xC000  }
0x65: {  	p0 =	sne.s32 s6, $0x1;
	[sflag:s1] =	ssyncset.done $0x0  }
.Ltmp0:
0x66: {  	s0 =	rddreg [dreg:$0x4];
	[sflag:s1] =	ssyncadd.s32 $0xFFFF4000;
	(pc) =	sbr.rel @p0 .LBB2_1-.Ltmp0, $4  }
0x67: {  	[hbm4b:s0+s3] =	stream.linear.scatter [tilespmem:s8], [sflag:$0x2], $0xC000, $0x38;
	[tilespmem:$0xC080] =	vst v63  }
0x68: {  	_ =	swait.ge [sflag:s7], $0xC000  }
0x69: {  	[sflag:s7] =	ssyncset.done $0x0  }
0x6a: {  	s6 =	sadd.s32 $0xFFFFFFFF, s6;
	[sflag:s7] =	ssyncadd.s32 $0xFFFF4000  }
0x6b: {  	_ =	sfence.sel $0x180000  }
0x6c: {  	[bflag:$0x0] =	sbarrier.arrive $0xFFFF  }
0x6d: {  	_ =	strace $0x9000004D  }
0x6e: {  	s0 =	stileid.u32;
	[bflag:$0x2] =	sbarrier.arrive $0xFFFF  }
0x6f: {  	p0 =	sne.s32 s0, $0x0;
	s0 =	rddreg [dreg:$0x2]  }
0x70: {  	s0 =	sadd.s32 @!p0 $0x100000, s0  }
0x71: {  	[sflag:s0] =	ssyncadd.tile.s32 @!p0 $0x1;
	_ =	shalt  }
.Lfunc_end2:
_tile_overlayer_lowered:
.L_overlay_start_2:
0x72: {  	(tag) =	ssettag $0x2  }
0x73: {  	s0 =	rddreg [dreg:$0x0];
	s2 =	stileid.u32  }
0x74: {  	s1 =	rddreg [dreg:$0x1];
	p0 =	sne.s32 s2, $0x0  }
0x75: {  	s3 =	rddreg [dreg:$0x2];
	[bflag:$0x3] =	sbarrier.arrive $0xFFFF;
	s2 =	simm.s32 @!p0 $0x1C02  }
0x76: {  	[timem:s3], [sflag:s2] =	dma.local @!p0 [hbm:s0], s1  }
0x77: {  	s0 =	simm.s32 @!p0 $0x2  }
0x78: {  	_ =	swait.ge @!p0 [sflag:s0], s1  }
0x79: {  	s1 =	ssub.s32 @!p0 $0x0, s1;
	[sflag:s0] =	ssyncset.done @!p0 $0x0  }
0x7a: {  	[sflag:s0] =	ssyncadd.s32 @!p0 s1  }
0x7b: {  	[bflag:$0x3] =	sbarrier.arrive $0xFFFF  }
0x7c: {  	_ =	shalt  }

// kernel: kernel.19.cloned.1.call-start
scs
__scs_entry_jumppad:
0x0: {  	(pc) =	sbr.rel $0x88, $3  }
0x1: {  	(tag) =	ssettag $0x0;
	lr =	simm.s32 $0x1  }
0x2: {  	[smem:$0x3F94] =	sst lr;
	_ =	strace $0xD0000000  }
0x3: {  	_ = 	snop  }
0x4: {  	_ = 	snop  }
0x5: {  	_ = 	snop  }
0x6: {  	_ = 	snop  }
0x7: {  	_ = 	snop  }
__scs_overlays_trampoline_lowered:
0x8: {  	[smem:$0x3FA3] =	sst s0  }
0x9: {  	[smem:$0x3FA4] =	sst s1  }
0xa: {  	[smem:$0x3FA5] =	sst s2  }
0xb: {  	[smem:$0x3FA6] =	sst s3  }
0xc: {  	[smem:$0x3FA7] =	sst s4  }
0xd: {  	[smem:$0x3FA8] =	sst s5  }
0xe: {  	[smem:$0x3FA9] =	sst s6  }
0xf: {  	[smem:$0x3FAA] =	sst s7  }
0x10: {  	[smem:$0x3FAB] =	sst s8  }
0x11: {  	[smem:$0x3FAC] =	sst s9;
	s0 =	simm.s32 @!p0 $0x0  }
0x12: {  	s1 =	sld [smem:$0x3F92];
	s0 =	simm.s32 @p0 $0x1  }
0x13: {  	[smem:$0x3FAD] =	sst s0;
	s0 =	simm.s32 @!p1 $0x0  }
0x14: {  	s2 =	sld [smem:$0x3F91];
	s0 =	simm.s32 @p1 $0x1  }
0x15: {  	[smem:$0x3FAE] =	sst s0;
	s0 =	simm.s32 @!p2 $0x0  }
0x16: {  	s3 =	sld [smem:$0x3FDB];
	s0 =	simm.s32 @p2 $0x1  }
0x17: {  	s4 =	simm.s32 $0x1BF5;
	[smem:$0x3FB0] =	sst s0  }
0x18: {  	s0 =	sld [smem:$0x3F93];
	_ =	swait.ge [sflag:s4], $0x0  }
0x19: {  	s7 =	sld [smem:$0x3F94]  }
0x1a: {  	s8 =	sadd.s32 $0xFFFFE003, lr  }
0x1b: {  	s9 =	sadd.s32 $0xFFFFFEF7, lr;
	s5 =	simm.s32 $0xFFFFFFFF;
	p2 =	slt.u32 s8, $0xFFFFF086  }
0x1c: {  	p1 =	slt.u32 s9, $0xF7A;
	s5 =	simm.s32 @!p2 $0x0  }
0x1d: {  	s5 =	simm.s32 @p1 $0x1;
	p0 =	seq.s32 s7, s2  }
0x1e: {  	s7 =	smul.u32 @!p0 $0xF7A, s2;
	p2 =	seq.s32 @!p0 s5, $0x0  }
0x1f: {  	s9 =	smul.u32 $0xF7A, s1;
	s8 =	simm.s32 @!p0 $0x1BF5;
	p2 =	por !p2, p0  }
0x20: {  	[sflag:s8] =	ssyncset.s32 @!p0 $0xFFFFF086;
	s6 =	sadd.s32 @!p0 s3, s7;
	s7 =	simm.s32 @!p0 $0x108  }
0x21: {  	s3 =	sadd.s32 s3, s9;
	s6 =	sadd.s32 @!p0 $0x88, s6;
	s7 =	simm.s32 @p2 $0x1082  }
0x22: {  	[simem:s7], [sflag:s8] =	dma.local @!p0 [hbm:s6], $0xF7A  }
0x23: {  	s9 =	sor.u32 $0xD0000000, s2;
	s6 =	simm.s32 $0x108;
	_ =	swait.ge @!p0 [sflag:s8], $0x0  }
0x24: {  	s3 =	sadd.s32 $0x88, s3;
	s6 =	simm.s32 @!p1 $0x1082;
	[sflag:s4] =	ssyncset.s32 $0xFFFFF086  }
0x25: {  	[simem:s6], [sflag:s4] =	dma.local [hbm:s3], $0xF7A  }
0x26: {  	[smem:$0x3F94] =	sst s1;
	(tag) =	ssettag s2;
	_ =	strace s9  }
0x27: {  	s1 =	sld [smem:$0x3FA4]  }
0x28: {  	s2 =	sld [smem:$0x3FA5]  }
0x29: {  	s4 =	sld [smem:$0x3FA7]  }
0x2a: {  	p0 =	seq.s32 s5, $0x0;
	s5 =	sld [smem:$0x3FA8]  }
0x2b: {  	s6 =	sld [smem:$0x3FA9]  }
0x2c: {  	s7 =	sld [smem:$0x3FAA]  }
0x2d: {  	s3 =	simm.s32 $0x108;
	s8 =	sld [smem:$0x3FAB]  }
0x2e: {  	s3 =	simm.s32 @!p0 $0x1082;
	s9 =	sld [smem:$0x3FAC]  }
0x2f: {  	lr =	sadd.s32 s0, s3;
	s0 =	sld [smem:$0x3FA3]  }
0x30: {  	s3 =	sld [smem:$0x3FA6]  }
0x31: {  	[smem:$0x3FAF] =	sst s10  }
0x32: {  	s10 =	sld [smem:$0x3FAD];
	_ =	sdelay $0x3  }
0x33: {  	p0 =	seq.s32 s10, $0x1;
	s10 =	sld [smem:$0x3FAF];
	_ =	sdelay $0x3  }
0x34: {  	[smem:$0x3FAF] =	sst s10  }
0x35: {  	s10 =	sld [smem:$0x3FAE];
	_ =	sdelay $0x3  }
0x36: {  	p1 =	seq.s32 s10, $0x1;
	s10 =	sld [smem:$0x3FAF];
	_ =	sdelay $0x3  }
0x37: {  	[smem:$0x3FAF] =	sst s10  }
0x38: {  	s10 =	sld [smem:$0x3FB0]  }
0x39: {  	_ = 	snop;
	(pc) =	sbr.ind lr, $3  }
0x3a: {  	_ = 	snop  }
0x3b: {  	_ = 	snop  }
0x3c: {  	p2 =	seq.s32 s10, $0x1;
	s10 =	sld [smem:$0x3FAF]  }
0x3d: {  	_ =	shalt  }
0x3e: {  	_ =	shalt  }
0x3f: {  	_ =	shalt  }
0x40: {  	_ =	shalt  }
0x41: {  	_ =	shalt  }
0x42: {  	_ =	shalt  }
0x43: {  	_ =	shalt  }
0x44: {  	_ =	shalt  }
0x45: {  	_ =	shalt  }
0x46: {  	_ =	shalt  }
0x47: {  	_ =	shalt  }
0x48: {  	_ =	shalt  }
0x49: {  	_ =	shalt  }
0x4a: {  	_ =	shalt  }
0x4b: {  	_ =	shalt  }
0x4c: {  	_ =	shalt  }
0x4d: {  	_ =	shalt  }
0x4e: {  	_ =	shalt  }
0x4f: {  	_ =	shalt  }
0x50: {  	_ =	shalt  }
0x51: {  	_ =	shalt  }
0x52: {  	_ =	shalt  }
0x53: {  	_ =	shalt  }
0x54: {  	_ =	shalt  }
0x55: {  	_ =	shalt  }
0x56: {  	_ =	shalt  }
0x57: {  	_ =	shalt  }
0x58: {  	_ =	shalt  }
0x59: {  	_ =	shalt  }
0x5a: {  	_ =	shalt  }
0x5b: {  	_ =	shalt  }
0x5c: {  	_ =	shalt  }
0x5d: {  	_ =	shalt  }
0x5e: {  	_ =	shalt  }
0x5f: {  	_ =	shalt  }
0x60: {  	_ =	shalt  }
0x61: {  	_ =	shalt  }
0x62: {  	_ =	shalt  }
0x63: {  	_ =	shalt  }
0x64: {  	_ =	shalt  }
0x65: {  	_ =	shalt  }
0x66: {  	_ =	shalt  }
0x67: {  	_ =	shalt  }
0x68: {  	_ =	shalt  }
0x69: {  	_ =	shalt  }
0x6a: {  	_ =	shalt  }
0x6b: {  	_ =	shalt  }
0x6c: {  	_ =	shalt  }
0x6d: {  	_ =	shalt  }
0x6e: {  	_ =	shalt  }
0x6f: {  	_ =	shalt  }
0x70: {  	_ =	shalt  }
0x71: {  	_ =	shalt  }
0x72: {  	_ =	shalt  }
0x73: {  	_ =	shalt  }
0x74: {  	_ =	shalt  }
0x75: {  	_ =	shalt  }
0x76: {  	_ =	shalt  }
0x77: {  	_ =	shalt  }
0x78: {  	_ =	shalt  }
0x79: {  	_ =	shalt  }
0x7a: {  	_ =	shalt  }
0x7b: {  	_ =	shalt  }
0x7c: {  	_ =	shalt  }
0x7d: {  	_ =	shalt  }
0x7e: {  	_ =	shalt  }
0x7f: {  	_ =	shalt  }
0x80: {  	_ =	shalt  }
0x81: {  	_ =	shalt  }
0x82: {  	_ =	shalt  }
0x83: {  	_ =	shalt  }
0x84: {  	_ =	shalt  }
0x85: {  	_ =	shalt  }
0x86: {  	_ =	shalt  }
0x87: {  	_ =	shalt  }
.Lfunc_end0:
.L_simem_size_0:
called_computation.3_lowered:
.L_overlay_start_0:
0x88: {  	s2 =	sld [smem:$0x3FD9]  }
0x89: {  	s3 =	sld [smem:$0x3FFE];
	_ =	sdelay $0x1  }
0x8a: {  	s1 =	srdreg.scid  }
0x8b: {  	s0 =	sand.u32 $0x1, s1  }
0x8c: {  	s17 =	sshll.u32 s0, $0xA;
	s2 =	sadd.s32 s3, s2  }
0x8d: {  	s2 =	sadd.s32 s2, s17  }
0x8e: {  	[smem:$0x3FBB] =	sst s2  }
0x8f: {  	_ = 	snop  }
0x90: {  	s18 =	sld [smem:$0x3FC6];
	(tm) =	ssettm $0x1  }
0x91: {  	s19 =	sld [smem:$0x3FFB];
	_ =	sdelay $0x3  }
0x92: {  	_ =	strace s19  }
0x93: {  	s2 =	sld [smem:$0x3FFC];
	_ =	sdelay $0x3  }
0x94: {  	_ =	strace s2  }
0x95: {  	s2 =	sld [smem:$0x3FFD];
	_ =	sdelay $0x3  }
0x96: {  	_ =	strace s2  }
0x97: {  	_ =	strace $0x8FFFFFFF  }
0x98: {  	s20 =	sld [smem:$0x3FDB];
	_ =	sdelay $0x1  }
0x99: {  	s4 =	simm.s32 $_scs_section_size  }
0x9a: {  	s5 =	simm.s32 $_size__tile_overlayer_lowered;
	s6 =	simm.s32 $_tile_overlayer_lowered  }
0x9b: {  	s7 =	simm.s32 $0x1BFF;
	s21 =	sshll.u32 s6, $0x1;
	s4 =	sadd.s32 s4, s20  }
0x9c: {  	s22 =	simm.s32 $0x0;
	s5 =	sshll.u32 s5, $0x1;
	s6 =	sadd.s32 s21, s4  }
0x9d: {  	[timem:s22], [sflag:s7] =	dma.local [hbm:s6], s5  }
0x9e: {  	_ =	swait.ge [sflag:s7], s5  }
0x9f: {  	s5 =	ssub.s32 $0x0, s5;
	[sflag:s7] =	ssyncset.done $0x0  }
0xa0: {  	[sflag:s7] =	ssyncadd.s32 s5;
	_ =	sdelay $0x1  }
0xa1: {  	s23 =	simm.s32 $0x1B8B  }
0xa2: {  	_ =	swait.ge [sflag:s23], $0x1  }
0xa3: {  	[sflag:s23] =	ssyncset.done $0x0  }
0xa4: {  	[sflag:s23] =	ssyncadd.s32 $0xFFFFFFFF  }
0xa5: {  	s5 =	sld [smem:$0x0]  }
0xa6: {  	s6 =	sand.u32 $0xFFFFFFFE, s1  }
0xa7: {  	p0 =	sne.s32 s1, s6  }
0xa8: {  	s6 =	sshll.u32 @p0 s6, $0xE  }
0xa9: {  	s6 =	sadd.s32 @p0 $0x11B8D, s6;
	s7 =	sshll.u32 @p0 s5, $0x11  }
0xaa: {  	s6 =	sor.u32 @p0 s7, s6  }
0xab: {  	[sflag:s6] =	ssyncadd.remote.s32 @p0 $0x1;
	_ =	sdelay $0x1  }
0xac: {  	s6 =	simm.s32 @p0 $0x1B8D  }
0xad: {  	_ =	swait.eq @p0 [sflag:s6], $0x1  }
0xae: {  	[sflag:s6] =	ssyncadd.s32 @p0 $0xFFFFFFFF  }
0xaf: {  	s7 =	sshll.u32 @!p0 s1, $0xE  }
0xb0: {  	s7 =	sor.u32 @!p0 $0x4000, s7;
	s6 =	simm.s32 @!p0 $0x1B8D  }
0xb1: {  	s5 =	sshll.u32 @!p0 s5, $0x11;
	s7 =	sadd.s32 @!p0 $0x11B8D, s7;
	_ =	swait.eq @!p0 [sflag:s6], $0x1  }
0xb2: {  	s5 =	sor.u32 @!p0 s5, s7;
	[sflag:s6] =	ssyncadd.s32 @!p0 $0xFFFFFFFF  }
0xb3: {  	s25 =	simm.s32 $0x1B8E;
	s24 =	sld [smem:$0x3FFE];
	[sflag:s5] =	ssyncadd.remote.s32 @!p0 $0x1  }
0xb4: {  	s26 =	simm.s32 $execute0_lowered;
	[smem:$0x3FD2] =	sst s25  }
0xb5: {  	s6 =	sshll.u32 s26, $0x1;
	_ =	strace $0x8000004F;
	[dreg:$0x1] =	wrdreg $0xFFFFFFFF  }
0xb6: {  	s28 =	simm.s32 $_size_execute0_lowered;
	s4 =	sadd.s32 s4, s6;
	[dreg:$0x0] =	wrdreg $0x0  }
0xb7: {  	s6 =	sshll.u32 s28, $0x1;
	[dreg:$0x2] =	wrdreg s4  }
0xb8: {  	[dreg:$0x3] =	wrdreg s6  }
0xb9: {  	[dreg:$0x4] =	wrdreg $0xC0  }
0xba: {  	_ =	task [dreg:s22], $0x5FFFF  }
0xbb: {  	[dreg:$0x1] =	wrdreg $0xFFFFFFFF  }
0xbc: {  	[dreg:$0x0] =	wrdreg $0x60  }
0xbd: {  	[dreg:$0x2] =	wrdreg s18  }
0xbe: {  	[dreg:$0x3] =	wrdreg s24  }
0xbf: {  	[dreg:$0x4] =	wrdreg $0xC  }
0xc0: {  	_ =	task.clear_ibuf [dreg:s22], $0x5FFFF;
	_ =	strace $0x9000004F  }
0xc1: {  	s29 =	simm.s32 $0xC;
	_ =	strace $0x80000051  }
0xc2: {  	_ =	swait.ge [sflag:s29], $0x1  }
0xc3: {  	[sflag:s29] =	ssyncadd.s32 $0xFFFFFFFF  }
0xc4: {  	_ =	strace $0x90000051  }
0xc5: {  	_ =	sfence  }
0xc6: {  	s30 =	sld [smem:$0x0];
	_ =	sdelay $0x2  }
0xc7: {  	s31 =	sshll.u32 s1, $0xD;
	s1 =	sshrl.u32 s1, $0x2  }
0xc8: {  	s4 =	sand.u32 $0x4000, s31;
	s1 =	sadd.s32 s1, s30  }
0xc9: {  	s0 =	sor.u32 s4, s0;
	s1 =	sshll.u32 s1, $0x11  }
0xca: {  	s0 =	sor.u32 s1, s0  }
0xcb: {  	s0 =	sadd.s32 $0x8F2B, s0  }
0xcc: {  	[sflag:s0] =	ssyncadd.remote.s32 $0x1  }
0xcd: {  	_ =	sfence.sel $0xFFFF  }
0xce: {  	[dreg:$0x0] =	wrdreg $0xFFFFFFFF;
	(pc) =	sbr.abs _section_cstart, $3  }
0xcf: {  	[dreg:$0x1] =	wrdreg $0xFFFFFFFF  }
0xd0: {  	_ =	task.clear_ibuf [dreg:s22], $0x2FFFF;
	_ =	strace $0x9FFFFFFF  }
0xd1: {  	(tm) =	ssettm $0x7FFFFFFF  }
tec
execute0_lowered:
.L_overlay_start_1:
0x0: {  	(tag) =	ssettag $0x1  }
0x1: {  	s1 =	srdreg.scid  }
0x2: {  	s2 =	rddreg [dreg:$0x0];
	s0 =	stileid.u32  }
0x3: {  	s4 =	rddreg [dreg:$0x1];
	s3 =	simm.s32 $0x0;
	s8 =	simm.s32 $0x80  }
0x4: {  	s26 =	simm.s32 $0x880;
	s9 =	simm.s32 $0x1080;
	s10 =	simm.s32 $0x1880  }
0x5: {  	s11 =	simm.s32 $0x2080;
	s12 =	simm.s32 $0x2880;
	s13 =	simm.s32 $0x3080  }
0x6: {  	s14 =	simm.s32 $0x3880;
	s15 =	simm.s32 $0x4080;
	s16 =	simm.s32 $0x4880  }
0x7: {  	s17 =	simm.s32 $0x5080;
	s18 =	simm.s32 $0x5880;
	s19 =	simm.s32 $0x6080  }
0x8: {  	s20 =	simm.s32 $0x6880;
	s21 =	simm.s32 $0x7080;
	s22 =	simm.s32 $0x7880  }
0x9: {  	s23 =	simm.s32 $0x8080;
	s24 =	simm.s32 $0x8880;
	s28 =	simm.s32 $0xA080  }
0xa: {  	s29 =	simm.s32 $0xA880;
	s30 =	simm.s32 $0xB080;
	s31 =	simm.s32 $0xB880  }
0xb: {  	s1 =	sand.u32 $0x1, s1;
	s5 =	sshll.u32 s0, $0x4;
	[smem:$0x7FF] =	sst s3  }
0xc: {  	s6 =	sshll.u32 s1, $0x3;
	s1 =	ssub.s32 $0x2, s1;
	_ =	strace $0x80000050  }
0xd: {  	[dreg:$0x5] =	wrdreg s26;
	s26 =	simm.s32 $0x9880;
	s5 =	sor.u32 s6, s5  }
0xe: {  	s7 =	sshrl.u32 s1, $0x1;
	s6 =	smul.u32 $0x300, s5;
	s5 =	sadd.s32 s5, s4  }
0xf: {  	s1 =	ssub.s32 s1, s7;
	s7 =	simm.s32 $0x2;
	s25 =	sadd.s32 $0x3600, s5  }
0x10: {  	v2 =	vlaneseq.u32;
	s5 =	sadd.s32 $0x200, s2;
	s6 =	sadd.s32 s6, s4;
	[dreg:$0x3] =	wrdreg s25  }
0x11: {  	vm0 =	vmmov $0xffff;
	v1 =	vshrl.u32 v2, $0x3;
	s4 =	sadd.s32 $0x100, s2;
	s25 =	simm.s32 $0x9080;
	s6 =	sadd.s32 $0x63800, s6  }
0x12: {  	v0 =	vand.u32 $0x7, v2;
	v2 =	vor.u32 $0x8, v2;
	v1 =	vmul.u32 $0x8, v1;
	[dreg:$0x4] =	wrdreg s6;
	s6 =	smax.u32 s1, $0x1;
	s1 =	simm.s32 $0x1  }
.LBB2_1:
0x13: {  	s0 =	rddreg [dreg:$0x3]  }
0x14: {  	[tilespmem:s3], [sflag:$0x2] =	stream.linear.gather [hbm4b:s0+s3], $0x40, $0x38;
	[tilespmem:$0xC080] =	vst v63  }
0x15: {  	_ =	swait.ge [sflag:s7], $0x40  }
0x16: {  	[sflag:s7] =	ssyncset.done $0x0  }
0x17: {  	[sflag:s7] =	ssyncadd.s32 $0xFFFFFFC0  }
0x18: {  	v3 =	vld [tilespmem:$0x0];
	_ =	sdelay $0x4  }
0x19: {  	v4 =	vshrl.u32 v3, $0x3  }
0x1a: {  	v4 =	vmul.u32 $0x30, v4  }
0x1b: {  	v3 =	vand.u32 $0x7, v3  }
0x1c: {  	v3 =	vor.u32 v3, v4  }
0x1d: {  	v4 =	vperm.xlane v3, v0;
	_ =	sdelay $0x1  }
0x1e: {  	v4 =	vadd.s32 v1, v4;
	_ =	sdelay $0x3  }
0x1f: {  	v3 =	vperm.xlane v3, v2  }
0x20: {  	[tilespmem:s8], [sflag:$0x1] =	stream.indirect_vreg.gather [hbm4b:s2+s3], $0x80, v4, vm0, $0xb8;
	[tilespmem:$0xC080] =	vst v63  }
0x21: {  	s0 =	rddreg [dreg:$0x5];
	v3 =	vadd.s32 v1, v3  }
0x22: {  	[tilespmem:s0], [sflag:$0x1] =	stream.indirect_vreg.gather [hbm4b:s4+s3], $0x80, v4, vm0, $0xb8;
	[tilespmem:$0xC080] =	vst v63  }
0x23: {  	_ = 	snop  }
0x24: {  	[tilespmem:s9], [sflag:$0x1] =	stream.indirect_vreg.gather [hbm4b:s5+s3], $0x80, v4, vm0, $0xb8;
	[tilespmem:$0xC080] =	vst v63  }
0x25: {  	_ = 	snop  }
0x26: {  	[tilespmem:s10], [sflag:$0x1] =	stream.indirect_vreg.gather [hbm4b:s2+s3], $0x80, v3, vm0, $0xb8;
	[tilespmem:$0xC080] =	vst v63  }
0x27: {  	_ = 	snop  }
0x28: {  	[tilespmem:s11], [sflag:$0x1] =	stream.indirect_vreg.gather [hbm4b:s4+s3], $0x80, v3, vm0, $0xb8;
	[tilespmem:$0xC080] =	vst v63  }
0x29: {  	_ = 	snop  }
0x2a: {  	[tilespmem:s12], [sflag:$0x1] =	stream.indirect_vreg.gather [hbm4b:s5+s3], $0x80, v3, vm0, $0xb8;
	[tilespmem:$0xC080] =	vst v63  }
0x2b: {  	v3 =	vld [tilespmem:$0x10];
	_ =	sdelay $0x4  }
0x2c: {  	v61 =	vshrl.u32 v3, $0x3  }
0x2d: {  	v4 =	vmul.u32 $0x30, v61  }
0x2e: {  	v3 =	vand.u32 $0x7, v3  }
0x2f: {  	v3 =	vor.u32 v3, v4  }
0x30: {  	v4 =	vperm.xlane v3, v0;
	_ =	sdelay $0x1  }
0x31: {  	v4 =	vadd.s32 v1, v4;
	_ =	sdelay $0x3  }
0x32: {  	v3 =	vperm.xlane v3, v2  }
0x33: {  	[tilespmem:s13], [sflag:$0x1] =	stream.indirect_vreg.gather [hbm4b:s2+s3], $0x80, v4, vm0, $0xb8;
	[tilespmem:$0xC080] =	vst v63  }
0x34: {  	v3 =	vadd.s32 v1, v3  }
0x35: {  	[tilespmem:s14], [sflag:$0x1] =	stream.indirect_vreg.gather [hbm4b:s4+s3], $0x80, v4, vm0, $0xb8;
	[tilespmem:$0xC080] =	vst v63  }
0x36: {  	_ = 	snop  }
0x37: {  	[tilespmem:s15], [sflag:$0x1] =	stream.indirect_vreg.gather [hbm4b:s5+s3], $0x80, v4, vm0, $0xb8;
	[tilespmem:$0xC080] =	vst v63  }
0x38: {  	_ = 	snop  }
0x39: {  	[tilespmem:s16], [sflag:$0x1] =	stream.indirect_vreg.gather [hbm4b:s2+s3], $0x80, v3, vm0, $0xb8;
	[tilespmem:$0xC080] =	vst v63  }
0x3a: {  	_ = 	snop  }
0x3b: {  	[tilespmem:s17], [sflag:$0x1] =	stream.indirect_vreg.gather [hbm4b:s4+s3], $0x80, v3, vm0, $0xb8;
	[tilespmem:$0xC080] =	vst v63  }
0x3c: {  	_ = 	snop  }
0x3d: {  	[tilespmem:s18], [sflag:$0x1] =	stream.indirect_vreg.gather [hbm4b:s5+s3], $0x80, v3, vm0, $0xb8;
	[tilespmem:$0xC080] =	vst v63  }
0x3e: {  	v3 =	vld [tilespmem:$0x20];
	_ =	sdelay $0x4  }
0x3f: {  	v62 =	vshrl.u32 v3, $0x3  }
0x40: {  	v4 =	vmul.u32 $0x30, v62  }
0x41: {  	v3 =	vand.u32 $0x7, v3  }
0x42: {  	v3 =	vor.u32 v3, v4  }
0x43: {  	v4 =	vperm.xlane v3, v0;
	_ =	sdelay $0x1  }
0x44: {  	v4 =	vadd.s32 v1, v4;
	_ =	sdelay $0x3  }
0x45: {  	v3 =	vperm.xlane v3, v2  }
0x46: {  	[tilespmem:s19], [sflag:$0x1] =	stream.indirect_vreg.gather [hbm4b:s2+s3], $0x80, v4, vm0, $0xb8;
	[tilespmem:$0xC080] =	vst v63  }
0x47: {  	v3 =	vadd.s32 v1, v3  }
0x48: {  	[tilespmem:s20], [sflag:$0x1] =	stream.indirect_vreg.gather [hbm4b:s4+s3], $0x80, v4, vm0, $0xb8;
	[tilespmem:$0xC080] =	vst v63  }
0x49: {  	_ = 	snop  }
0x4a: {  	[tilespmem:s21], [sflag:$0x1] =	stream.indirect_vreg.gather [hbm4b:s5+s3], $0x80, v4, vm0, $0xb8;
	[tilespmem:$0xC080] =	vst v63  }
0x4b: {  	_ = 	snop  }
0x4c: {  	[tilespmem:s22], [sflag:$0x1] =	stream.indirect_vreg.gather [hbm4b:s2+s3], $0x80, v3, vm0, $0xb8;
	[tilespmem:$0xC080] =	vst v63  }
0x4d: {  	_ = 	snop  }
0x4e: {  	[tilespmem:s23], [sflag:$0x1] =	stream.indirect_vreg.gather [hbm4b:s4+s3], $0x80, v3, vm0, $0xb8;
	[tilespmem:$0xC080] =	vst v63  }
0x4f: {  	_ = 	snop  }
0x50: {  	[tilespmem:s24], [sflag:$0x1] =	stream.indirect_vreg.gather [hbm4b:s5+s3], $0x80, v3, vm0, $0xb8;
	[tilespmem:$0xC080] =	vst v63  }
0x51: {  	v3 =	vld [tilespmem:$0x30];
	_ =	sdelay $0x4  }
0x52: {  	v63 =	vshrl.u32 v3, $0x3  }
0x53: {  	v4 =	vmul.u32 $0x30, v63  }
0x54: {  	v3 =	vand.u32 $0x7, v3  }
0x55: {  	v3 =	vor.u32 v3, v4  }
0x56: {  	v4 =	vperm.xlane v3, v0;
	_ =	sdelay $0x1  }
0x57: {  	v4 =	vadd.s32 v1, v4;
	_ =	sdelay $0x3  }
0x58: {  	v3 =	vperm.xlane v3, v2  }
0x59: {  	[tilespmem:s25], [sflag:$0x1] =	stream.indirect_vreg.gather [hbm4b:s2+s3], $0x80, v4, vm0, $0xb8;
	[tilespmem:$0xC080] =	vst v63  }
0x5a: {  	v3 =	vadd.s32 v1, v3  }
0x5b: {  	[tilespmem:s26], [sflag:$0x1] =	stream.indirect_vreg.gather [hbm4b:s4+s3], $0x80, v4, vm0, $0xb8;
	[tilespmem:$0xC080] =	vst v63  }
0x5c: {  	_ = 	snop  }
0x5d: {  	[tilespmem:s28], [sflag:$0x1] =	stream.indirect_vreg.gather [hbm4b:s5+s3], $0x80, v4, vm0, $0xb8;
	[tilespmem:$0xC080] =	vst v63  }
0x5e: {  	_ = 	snop  }
0x5f: {  	[tilespmem:s29], [sflag:$0x1] =	stream.indirect_vreg.gather [hbm4b:s2+s3], $0x80, v3, vm0, $0xb8;
	[tilespmem:$0xC080] =	vst v63  }
0x60: {  	_ = 	snop  }
0x61: {  	[tilespmem:s30], [sflag:$0x1] =	stream.indirect_vreg.gather [hbm4b:s4+s3], $0x80, v3, vm0, $0xb8;
	[tilespmem:$0xC080] =	vst v63  }
0x62: {  	_ = 	snop  }
0x63: {  	[tilespmem:s31], [sflag:$0x1] =	stream.indirect_vreg.gather [hbm4b:s5+s3], $0x80, v3, vm0, $0xb8;
	[tilespmem:$0xC080] =	vst v63  }
0x64: {  	_ =	swait.ge [sflag:s1], $0xC000  }
0x65: {  	p0 =	sne.s32 s6, $0x1;
	[sflag:s1] =	ssyncset.done $0x0  }
.Ltmp0:
0x66: {  	s0 =	rddreg [dreg:$0x4];
	[sflag:s1] =	ssyncadd.s32 $0xFFFF4000;
	(pc) =	sbr.rel @p0 .LBB2_1-.Ltmp0, $4  }
0x67: {  	[hbm4b:s0+s3] =	stream.linear.scatter [tilespmem:s8], [sflag:$0x2], $0xC000, $0x38;
	[tilespmem:$0xC080] =	vst v63  }
0x68: {  	_ =	swait.ge [sflag:s7], $0xC000  }
0x69: {  	[sflag:s7] =	ssyncset.done $0x0  }
0x6a: {  	s6 =	sadd.s32 $0xFFFFFFFF, s6;
	[sflag:s7] =	ssyncadd.s32 $0xFFFF4000  }
0x6b: {  	_ =	sfence.sel $0x180000  }
0x6c: {  	[bflag:$0x0] =	sbarrier.arrive $0xFFFF  }
0x6d: {  	_ =	strace $0x90000050  }
0x6e: {  	s0 =	stileid.u32;
	[bflag:$0x2] =	sbarrier.arrive $0xFFFF  }
0x6f: {  	p0 =	sne.s32 s0, $0x0;
	s0 =	rddreg [dreg:$0x2]  }
0x70: {  	s0 =	sadd.s32 @!p0 $0x100000, s0  }
0x71: {  	[sflag:s0] =	ssyncadd.tile.s32 @!p0 $0x1;
	_ =	shalt  }
.Lfunc_end2:
_tile_overlayer_lowered:
.L_overlay_start_2:
0x72: {  	(tag) =	ssettag $0x2  }
0x73: {  	s0 =	rddreg [dreg:$0x0];
	s2 =	stileid.u32  }
0x74: {  	s1 =	rddreg [dreg:$0x1];
	p0 =	sne.s32 s2, $0x0  }
0x75: {  	s3 =	rddreg [dreg:$0x2];
	[bflag:$0x3] =	sbarrier.arrive $0xFFFF;
	s2 =	simm.s32 @!p0 $0x1C02  }
0x76: {  	[timem:s3], [sflag:s2] =	dma.local @!p0 [hbm:s0], s1  }
0x77: {  	s0 =	simm.s32 @!p0 $0x2  }
0x78: {  	_ =	swait.ge @!p0 [sflag:s0], s1  }
0x79: {  	s1 =	ssub.s32 @!p0 $0x0, s1;
	[sflag:s0] =	ssyncset.done @!p0 $0x0  }
0x7a: {  	[sflag:s0] =	ssyncadd.s32 @!p0 s1  }
0x7b: {  	[bflag:$0x3] =	sbarrier.arrive $0xFFFF  }
0x7c: {  	_ =	shalt  }

</sc_bundles>
